<compile_context>
chip_gen: v7x
topology: tpu7x:2x2x1
jax: 0.10.2.dev20260603
libtpu: 0.0.44.dev20260713+nightly
codegen_flags: <defaults>
</compile_context>

<pallas_src>
import functools

import jax
import jax.numpy as jnp
from jax import lax
from jax.experimental import pallas as pl
from jax.experimental.pallas import tpu as pltpu
from jax.experimental.pallas import tpu_sc as plsc

_BLOCK_ROWS = 1024

_LOG1P_COEF = (
    1.472065e-06, 0.9998477, -0.49737322, 0.31574732, -0.19035433,
    0.08269124, -0.017414078,
)


def _log1p_poly(u):
    acc = jnp.full_like(u, _LOG1P_COEF[-1])
    for c in _LOG1P_COEF[-2::-1]:
        acc = acc * u + c
    return acc


def _bce(x, z):
    return jnp.maximum(x, 0.0) - x * z + jnp.log1p(jnp.exp(-jnp.abs(x)))



_SC_LANES = 16
_SC_CH_ROWS = 16
_SC_PW_ROWS = 64


def _sc_main_body(sc_row0, width, pred_hbm, gt_hbm, out_hbm,
                  x0_v, z0_v, x1_v, z1_v, acc_v,
                  sx0, sz0, sx1, sz1):
    nc = 2
    wid = lax.axis_index("s") * nc + lax.axis_index("c")
    n_chunks = _SC_PW_ROWS // _SC_CH_ROWS
    base_row = sc_row0 + wid * _SC_PW_ROWS

    bufs = ((x0_v, z0_v, sx0, sz0), (x1_v, z1_v, sx1, sz1))

    def start(c):
        xb, zb, sx, sz = bufs[c % 2]
        row = base_row + c * _SC_CH_ROWS
        hx = pltpu.async_copy(pred_hbm.at[pl.ds(row, _SC_CH_ROWS)], xb, sx)
        hz = pltpu.async_copy(gt_hbm.at[pl.ds(row, _SC_CH_ROWS)], zb, sz)
        return hx, hz

    def row_block(xb, zb, carry):
        def row_step(r, carry_r):
            def lane_step(j, carry2):
                ps, pc, ts = carry2
                x = xb[r, pl.ds(j * _SC_LANES, _SC_LANES)]
                z = zb[r, pl.ds(j * _SC_LANES, _SC_LANES)]
                xz = x * z
                s = x - xz - xz
                u = jnp.exp(-jnp.abs(s))
                loss = jnp.maximum(s, 0.0) + _log1p_poly(u)
                return ps + loss * z, pc + z, ts + loss

            return lax.fori_loop(0, width // _SC_LANES, lane_step, carry_r,
                                 unroll=8)

        return lax.fori_loop(0, _SC_CH_ROWS, row_step, carry)

    zero = jnp.zeros((_SC_LANES,), jnp.float32)
    carry = (zero, zero, zero)
    pend = start(0)
    for c in range(n_chunks):
        cur = pend
        if c + 1 < n_chunks:
            pend = start(c + 1)
        cur[0].wait()
        cur[1].wait()
        xb, zb, _, _ = bufs[c % 2]
        carry = row_block(xb, zb, carry)

    pos_s, pos_c, tot_s = carry
    acc_v[pl.ds(0, _SC_LANES)] = pos_s
    acc_v[pl.ds(_SC_LANES, _SC_LANES)] = pos_c
    acc_v[pl.ds(2 * _SC_LANES, _SC_LANES)] = tot_s
    pltpu.sync_copy(acc_v, out_hbm.at[wid])


def _run_main_sc(p2, g2, sc_row0):
    width = p2.shape[1]
    mesh = plsc.VectorSubcoreMesh(core_axis_name="c", subcore_axis_name="s")
    f = functools.partial(
        pl.kernel,
        mesh=mesh,
        out_type=jax.ShapeDtypeStruct((32, 3 * _SC_LANES), jnp.float32),
        scratch_types=[
            pltpu.VMEM((_SC_CH_ROWS, width), jnp.float32),
            pltpu.VMEM((_SC_CH_ROWS, width), jnp.float32),
            pltpu.VMEM((_SC_CH_ROWS, width), jnp.float32),
            pltpu.VMEM((_SC_CH_ROWS, width), jnp.float32),
            pltpu.VMEM((3 * _SC_LANES,), jnp.float32),
            pltpu.SemaphoreType.DMA,
            pltpu.SemaphoreType.DMA,
            pltpu.SemaphoreType.DMA,
            pltpu.SemaphoreType.DMA,
        ],
    )(functools.partial(_sc_main_body, sc_row0, width))
    out = f(p2, g2)
    part = out.reshape(32, 3, _SC_LANES)
    sums = jnp.sum(part, axis=(0, 2))
    return sums


def _tc_main_body(pred_ref, gt_ref, out_ref):
    i = pl.program_id(0)
    x = pred_ref[...]
    z = gt_ref[...]
    loss = _bce(x, z)
    pos_sum = jnp.sum(loss * z)
    pos_cnt = jnp.sum(z)
    tot_sum = jnp.sum(loss)

    @pl.when(i == 0)
    def _():
        out_ref[0] = 0.0
        out_ref[1] = 0.0
        out_ref[2] = 0.0

    out_ref[0] += pos_sum
    out_ref[1] += pos_cnt
    out_ref[2] += tot_sum


_TC_BLOCK_ROWS = 512


def _run_main_tc(p2, g2, tc_rows):
    grid = tc_rows // _TC_BLOCK_ROWS
    return pl.pallas_call(
        _tc_main_body,
        grid=(grid,),
        in_specs=[
            pl.BlockSpec((_TC_BLOCK_ROWS, p2.shape[1]), lambda i: (i, 0)),
            pl.BlockSpec((_TC_BLOCK_ROWS, p2.shape[1]), lambda i: (i, 0)),
        ],
        out_specs=pl.BlockSpec(memory_space=pltpu.SMEM),
        out_shape=jax.ShapeDtypeStruct((3,), jnp.float32),
    )(p2, g2)




def _thresh_body(t_ref, pred_ref, gt_ref, out_ref):
    i = pl.program_id(0)
    t = t_ref[0]
    x = pred_ref[...]
    z = gt_ref[...]
    loss = _bce(x, z)
    vals = jnp.where(z == 0.0, loss, -1.0)
    cnt_ge = jnp.sum(jnp.where(vals >= t, 1.0, 0.0))
    cnt_gt = jnp.sum(jnp.where(vals > t, 1.0, 0.0))
    sum_gt = jnp.sum(jnp.where(vals > t, loss, 0.0))

    @pl.when(i == 0)
    def _():
        out_ref[0] = 0.0
        out_ref[1] = 0.0
        out_ref[2] = 0.0

    out_ref[0] += cnt_ge
    out_ref[1] += cnt_gt
    out_ref[2] += sum_gt


def _run_thresh(p2, g2, t):
    rows = p2.shape[0]
    grid = rows // _BLOCK_ROWS
    return pl.pallas_call(
        _thresh_body,
        grid=(grid,),
        in_specs=[
            pl.BlockSpec(memory_space=pltpu.SMEM),
            pl.BlockSpec((_BLOCK_ROWS, p2.shape[1]), lambda i: (i, 0)),
            pl.BlockSpec((_BLOCK_ROWS, p2.shape[1]), lambda i: (i, 0)),
        ],
        out_specs=pl.BlockSpec(memory_space=pltpu.SMEM),
        out_shape=jax.ShapeDtypeStruct((3,), jnp.float32),
    )(t.reshape(1), p2, g2)


def kernel(pred, gt):
    N, H, W = gt.shape
    total = float(N * H * W)
    eps = 1e-06
    p2 = pred.reshape(N * H, W)
    g2 = gt.reshape(N * H, W)

    sc_rows = 32 * _SC_PW_ROWS
    tc_rows = N * H - sc_rows

    tc_sums = _run_main_tc(p2, g2, tc_rows)
    sc_sums = _run_main_sc(p2, g2, tc_rows)
    pos_sum = tc_sums[0] + sc_sums[0]
    pos_cnt = tc_sums[1] + sc_sums[1]
    neg_sum_all = (tc_sums[2] + sc_sums[2]) - pos_sum
    neg_cnt_all = total - pos_cnt
    k = jnp.minimum(neg_cnt_all, 3.0 * pos_cnt)

    def fast_fn(_):
        return neg_sum_all

    def rare_fn(_):
        def body(_, carry):
            lo, hi = carry
            mid = lo + (hi - lo) // 2
            t = lax.bitcast_convert_type(mid, jnp.float32)
            c = _run_thresh(p2, g2, t)[0]
            take = c >= k
            return jnp.where(take, mid, lo), jnp.where(take, hi, mid)

        lo0 = jnp.int32(0)
        hi0 = jnp.int32(0x7F800000)
        lo, _hi = lax.fori_loop(0, 31, body, (lo0, hi0))
        t = lax.bitcast_convert_type(lo, jnp.float32)
        o = _run_thresh(p2, g2, t)
        cnt_gt, sum_gt = o[1], o[2]
        return jnp.where(k > 0.0, sum_gt + (k - cnt_gt) * t, 0.0)

    neg_sum = lax.cond(k >= neg_cnt_all, fast_fn, rare_fn, None)
    return (pos_sum + neg_sum) / (pos_cnt + k + eps)

# --- scband reference (transcript-rebuilt; emitter-appended) ---
"""Pipeline reference for scband-balance-cross-entropy-loss-79370995630208 (READ-ONLY COPY).

The authoritative reference and input builder live on the scoring server;
editing this copy changes nothing except your own understanding.
"""

import jax, jax.numpy as jnp
import numpy as np


def setup_inputs(seed: int = 0) -> dict:
    key = jax.random.key(seed)
    k1, k2 = jax.random.split(key)
    pred = jax.random.normal(k1, (16, 512, 512), dtype=jnp.float32)
    gt = jax.random.randint(k2, (16, 512, 512), 0, 2).astype(jnp.float32)
    return {"pred": pred, "gt": gt}


def _bce_with_logits(x, z):
    # numerically stable binary_cross_entropy_with_logits, reduction='none'
    return jnp.maximum(x, 0.0) - x * z + jnp.log1p(jnp.exp(-jnp.abs(x)))


def reference(pred, gt):
    N, H, W = gt.shape
    negative_ratio = 3.0
    eps = 1e-06
    mask = (gt > 0).astype(jnp.float32)
    positive_count = mask.sum()
    total = N * H * W
    negative_count = jnp.minimum(total - positive_count, positive_count * negative_ratio)
    loss = _bce_with_logits(pred, gt)
    positive_loss = loss * mask
    negative_loss = (loss * (1.0 - mask)).reshape(-1)
    neg_vals, _ = jax.lax.top_k(negative_loss, total)
    neg_sum = jnp.sum(jnp.where(jnp.arange(total) < negative_count, neg_vals, 0.0))
    balance_loss = (positive_loss.sum() + neg_sum) / (positive_count + negative_count + eps)
    return balance_loss

if __name__ == "__main__":
    import jax
    _d = setup_inputs()
    print(jax.jit(kernel)(*tuple(_d.values())))

</pallas_src>

<mosaic_0001>
#map = affine_map<(d0, d1) -> (0, 0)>
module attributes {stable_mosaic.version = 14 : i64} {
  func.func @_sc_main_body(%arg0: i32, %arg1: i32, %arg2: memref<8192x512xf32, #tpu.memory_space<hbm>>, %arg3: memref<8192x512xf32, #tpu.memory_space<hbm>>, %arg4: memref<32x48xf32, #tpu.memory_space<hbm>>, %arg5: memref<16x512xf32, #tpu.memory_space<vmem>>, %arg6: memref<16x512xf32, #tpu.memory_space<vmem>>, %arg7: memref<16x512xf32, #tpu.memory_space<vmem>>, %arg8: memref<16x512xf32, #tpu.memory_space<vmem>>, %arg9: memref<48xf32, #tpu.memory_space<vmem>>, %arg10: memref<!tpu.dma_semaphore, #tpu.memory_space<semaphore_mem>>, %arg11: memref<!tpu.dma_semaphore, #tpu.memory_space<semaphore_mem>>, %arg12: memref<!tpu.dma_semaphore, #tpu.memory_space<semaphore_mem>>, %arg13: memref<!tpu.dma_semaphore, #tpu.memory_space<semaphore_mem>>) attributes {dimension_semantics = [#tpu.dimension_semantics<core_parallel>, #tpu.dimension_semantics<subcore_parallel>], iteration_bounds = array<i64: 2, 16>, scalar_prefetch = 0 : i64, scratch_operands = 9 : i64, tpu.core_type = #tpu.core_type<sc_vector_subcore>, window_params = [{transform_indices = #map}, {transform_indices = #map}, {transform_indices = #map}]} {
    %mul3A = arith.constant 2 : i32
    %mul3A_0 = arith.muli %arg1, %mul3A : i32
    %add3A = arith.addi %mul3A_0, %arg0 : i32
    %mul3A_1 = arith.constant 64 : i32
    %mul3A_2 = arith.muli %add3A, %mul3A_1 : i32
    %add3A_3 = arith.constant 6144 : i32
    %add3A_4 = arith.addi %add3A_3, %mul3A_2 : i32
    %broadcast_in_dim3A = arith.constant 0.000000e+00 : f32
    %broadcast_in_dim3A_5 = vector.broadcast %broadcast_in_dim3A : f32 to vector<16xf32>
    %add3A_6 = arith.constant 0 : i32
    %add3A_7 = arith.addi %add3A_4, %add3A_6 : i32
    %dma_start3A = arith.constant 0 : i32
    %dma_start3A_8 = tpu.memref_slice %arg2[%add3A_7, %dma_start3A] : memref<8192x512xf32, #tpu.memory_space<hbm>> -> memref<16x512xf32, #tpu.memory_space<hbm>>
    %dma_start3A_9 = arith.constant 0 : i32
    %dma_start3A_10 = tpu.memref_slice %arg2[%add3A_7, %dma_start3A_9] : memref<8192x512xf32, #tpu.memory_space<hbm>> -> memref<16x512xf32, #tpu.memory_space<hbm>>
    tpu.enqueue_dma source(%dma_start3A_10 : memref<16x512xf32, #tpu.memory_space<hbm>>) target(%arg5 : memref<16x512xf32, #tpu.memory_space<vmem>>) target_semaphore(%arg10 : memref<!tpu.dma_semaphore, #tpu.memory_space<semaphore_mem>>)
    %dma_start3A_11 = arith.constant 0 : i32
    %dma_start3A_12 = tpu.memref_slice %arg3[%add3A_7, %dma_start3A_11] : memref<8192x512xf32, #tpu.memory_space<hbm>> -> memref<16x512xf32, #tpu.memory_space<hbm>>
    %dma_start3A_13 = arith.constant 0 : i32
    %dma_start3A_14 = tpu.memref_slice %arg3[%add3A_7, %dma_start3A_13] : memref<8192x512xf32, #tpu.memory_space<hbm>> -> memref<16x512xf32, #tpu.memory_space<hbm>>
    tpu.enqueue_dma source(%dma_start3A_14 : memref<16x512xf32, #tpu.memory_space<hbm>>) target(%arg6 : memref<16x512xf32, #tpu.memory_space<vmem>>) target_semaphore(%arg11 : memref<!tpu.dma_semaphore, #tpu.memory_space<semaphore_mem>>)
    %add3A_15 = arith.constant 16 : i32
    %add3A_16 = arith.addi %add3A_4, %add3A_15 : i32
    %dma_start3A_17 = arith.constant 0 : i32
    %dma_start3A_18 = tpu.memref_slice %arg2[%add3A_16, %dma_start3A_17] : memref<8192x512xf32, #tpu.memory_space<hbm>> -> memref<16x512xf32, #tpu.memory_space<hbm>>
    %dma_start3A_19 = arith.constant 0 : i32
    %dma_start3A_20 = tpu.memref_slice %arg2[%add3A_16, %dma_start3A_19] : memref<8192x512xf32, #tpu.memory_space<hbm>> -> memref<16x512xf32, #tpu.memory_space<hbm>>
    tpu.enqueue_dma source(%dma_start3A_20 : memref<16x512xf32, #tpu.memory_space<hbm>>) target(%arg7 : memref<16x512xf32, #tpu.memory_space<vmem>>) target_semaphore(%arg12 : memref<!tpu.dma_semaphore, #tpu.memory_space<semaphore_mem>>)
    %dma_start3A_21 = arith.constant 0 : i32
    %dma_start3A_22 = tpu.memref_slice %arg3[%add3A_16, %dma_start3A_21] : memref<8192x512xf32, #tpu.memory_space<hbm>> -> memref<16x512xf32, #tpu.memory_space<hbm>>
    %dma_start3A_23 = arith.constant 0 : i32
    %dma_start3A_24 = tpu.memref_slice %arg3[%add3A_16, %dma_start3A_23] : memref<8192x512xf32, #tpu.memory_space<hbm>> -> memref<16x512xf32, #tpu.memory_space<hbm>>
    tpu.enqueue_dma source(%dma_start3A_24 : memref<16x512xf32, #tpu.memory_space<hbm>>) target(%arg8 : memref<16x512xf32, #tpu.memory_space<vmem>>) target_semaphore(%arg13 : memref<!tpu.dma_semaphore, #tpu.memory_space<semaphore_mem>>)
    %dma_wait3A = arith.constant 0 : i32
    %dma_wait3A_25 = tpu.memref_slice %arg2[%add3A_7, %dma_wait3A] : memref<8192x512xf32, #tpu.memory_space<hbm>> -> memref<16x512xf32, #tpu.memory_space<hbm>>
    %dma_wait3A_26 = arith.constant 0 : i32
    %dma_wait3A_27 = tpu.memref_slice %arg2[%add3A_7, %dma_wait3A_26] : memref<8192x512xf32, #tpu.memory_space<hbm>> -> memref<16x512xf32, #tpu.memory_space<hbm>>
    tpu.wait_dma2 semaphore(%arg10 : memref<!tpu.dma_semaphore, #tpu.memory_space<semaphore_mem>>) src(%dma_wait3A_27 : memref<16x512xf32, #tpu.memory_space<hbm>>) dst(%arg5 : memref<16x512xf32, #tpu.memory_space<vmem>>)
    %dma_wait3A_28 = arith.constant 0 : i32
    %dma_wait3A_29 = tpu.memref_slice %arg3[%add3A_7, %dma_wait3A_28] : memref<8192x512xf32, #tpu.memory_space<hbm>> -> memref<16x512xf32, #tpu.memory_space<hbm>>
    %dma_wait3A_30 = arith.constant 0 : i32
    %dma_wait3A_31 = tpu.memref_slice %arg3[%add3A_7, %dma_wait3A_30] : memref<8192x512xf32, #tpu.memory_space<hbm>> -> memref<16x512xf32, #tpu.memory_space<hbm>>
    tpu.wait_dma2 semaphore(%arg11 : memref<!tpu.dma_semaphore, #tpu.memory_space<semaphore_mem>>) src(%dma_wait3A_31 : memref<16x512xf32, #tpu.memory_space<hbm>>) dst(%arg6 : memref<16x512xf32, #tpu.memory_space<vmem>>)
    %scan3A = arith.constant 0 : i32
    %scan3A_32 = arith.constant 16 : i32
    %scan3A_33 = arith.addi %scan3A, %scan3A_32 : i32
    %scan3A_34 = arith.constant 1 : i32
    %scan3A_35:3 = scf.for %scan3A_110 = %scan3A to %scan3A_33 step %scan3A_34 iter_args(%scan3A_111 = %broadcast_in_dim3A_5, %scan3A_112 = %broadcast_in_dim3A_5, %scan3A_113 = %broadcast_in_dim3A_5) -> (vector<16xf32>, vector<16xf32>, vector<16xf32>)  : i32 {
      %scan3A_114 = arith.constant 0 : i32
      %scan3A_115 = arith.constant 32 : i32
      %scan3A_116 = arith.addi %scan3A_114, %scan3A_115 : i32
      %scan3A_117 = arith.constant 8 : i32
      %scan3A_118:3 = scf.for %scan3A_120 = %scan3A_114 to %scan3A_116 step %scan3A_117 iter_args(%scan3A_121 = %scan3A_111, %scan3A_122 = %scan3A_112, %scan3A_123 = %scan3A_113) -> (vector<16xf32>, vector<16xf32>, vector<16xf32>)  : i32 {
        %mul3A_124 = arith.constant 16 : i32
        %mul3A_125 = arith.muli %scan3A_120, %mul3A_124 : i32
        %get3A = arith.index_cast %scan3A_110 : i32 to index
        %get3A_126 = arith.index_cast %mul3A_125 : i32 to index
        %get3A_127 = tpu.vector_load %arg5[%get3A, %get3A_126] {strides = array<i32>} : memref<16x512xf32, #tpu.memory_space<vmem>>, vector<1x16xf32>,
        %get3A_128 = vector.shape_cast %get3A_127 : vector<1x16xf32> to vector<16xf32>
        %mul3A_129 = arith.constant 16 : i32
        %mul3A_130 = arith.muli %scan3A_120, %mul3A_129 : i32
        %get3A_131 = arith.index_cast %scan3A_110 : i32 to index
        %get3A_132 = arith.index_cast %mul3A_130 : i32 to index
        %get3A_133 = tpu.vector_load %arg6[%get3A_131, %get3A_132] {strides = array<i32>} : memref<16x512xf32, #tpu.memory_space<vmem>>, vector<1x16xf32>,
        %get3A_134 = vector.shape_cast %get3A_133 : vector<1x16xf32> to vector<16xf32>
        %mul3A_135 = arith.mulf %get3A_128, %get3A_134 : vector<16xf32>
        %sub3A = arith.subf %get3A_128, %mul3A_135 : vector<16xf32>
        %sub3A_136 = arith.subf %sub3A, %mul3A_135 : vector<16xf32>
        %abs3A = math.absf %sub3A_136 : vector<16xf32>
        %neg3A = arith.constant 0.000000e+00 : f32
        %neg3A_137 = vector.broadcast %neg3A : f32 to vector<16xf32>
        %neg3A_138 = arith.subf %neg3A_137, %abs3A : vector<16xf32>
        %exp3A = math.exp %neg3A_138 : vector<16xf32>
        %max3A = arith.constant 0.000000e+00 : f32
        %max3A_139 = vector.broadcast %max3A : f32 to vector<16xf32>
        %max3A_140 = arith.maximumf %sub3A_136, %max3A_139 : vector<16xf32>
        %broadcast_in_dim3A_141 = arith.constant -0.0174140781 : f32
        %broadcast_in_dim3A_142 = vector.broadcast %broadcast_in_dim3A_141 : f32 to vector<16xf32>
        %mul3A_143 = arith.mulf %broadcast_in_dim3A_142, %exp3A : vector<16xf32>
        %add3A_144 = arith.constant 0.0826912373 : f32
        %add3A_145 = vector.broadcast %add3A_144 : f32 to vector<16xf32>
        %add3A_146 = arith.addf %mul3A_143, %add3A_145 : vector<16xf32>
        %mul3A_147 = arith.mulf %add3A_146, %exp3A : vector<16xf32>
        %add3A_148 = arith.constant -0.190354332 : f32
        %add3A_149 = vector.broadcast %add3A_148 : f32 to vector<16xf32>
        %add3A_150 = arith.addf %mul3A_147, %add3A_149 : vector<16xf32>
        %mul3A_151 = arith.mulf %add3A_150, %exp3A : vector<16xf32>
        %add3A_152 = arith.constant 0.315747321 : f32
        %add3A_153 = vector.broadcast %add3A_152 : f32 to vector<16xf32>
        %add3A_154 = arith.addf %mul3A_151, %add3A_153 : vector<16xf32>
        %mul3A_155 = arith.mulf %add3A_154, %exp3A : vector<16xf32>
        %add3A_156 = arith.constant -0.497373223 : f32
        %add3A_157 = vector.broadcast %add3A_156 : f32 to vector<16xf32>
        %add3A_158 = arith.addf %mul3A_155, %add3A_157 : vector<16xf32>
        %mul3A_159 = arith.mulf %add3A_158, %exp3A : vector<16xf32>
        %add3A_160 = arith.constant 0.99984771 : f32
        %add3A_161 = vector.broadcast %add3A_160 : f32 to vector<16xf32>
        %add3A_162 = arith.addf %mul3A_159, %add3A_161 : vector<16xf32>
        %mul3A_163 = arith.mulf %add3A_162, %exp3A : vector<16xf32>
        %add3A_164 = arith.constant 1.47206504E-6 : f32
        %add3A_165 = vector.broadcast %add3A_164 : f32 to vector<16xf32>
        %add3A_166 = arith.addf %mul3A_163, %add3A_165 : vector<16xf32>
        %add3A_167 = arith.addf %max3A_140, %add3A_166 : vector<16xf32>
        %mul3A_168 = arith.mulf %add3A_167, %get3A_134 : vector<16xf32>
        %add3A_169 = arith.addf %scan3A_121, %mul3A_168 : vector<16xf32>
        %add3A_170 = arith.addf %scan3A_122, %get3A_134 : vector<16xf32>
        %add3A_171 = arith.addf %scan3A_123, %add3A_167 : vector<16xf32>
        %scan3A_172 = arith.constant 1 : i32
        %scan3A_173 = arith.addi %scan3A_120, %scan3A_172 : i32
        %mul3A_174 = arith.constant 16 : i32
        %mul3A_175 = arith.muli %scan3A_173, %mul3A_174 : i32
        %get3A_176 = arith.index_cast %scan3A_110 : i32 to index
        %get3A_177 = arith.index_cast %mul3A_175 : i32 to index
        %get3A_178 = tpu.vector_load %arg5[%get3A_176, %get3A_177] {strides = array<i32>} : memref<16x512xf32, #tpu.memory_space<vmem>>, vector<1x16xf32>,
        %get3A_179 = vector.shape_cast %get3A_178 : vector<1x16xf32> to vector<16xf32>
        %mul3A_180 = arith.constant 16 : i32
        %mul3A_181 = arith.muli %scan3A_173, %mul3A_180 : i32
        %get3A_182 = arith.index_cast %scan3A_110 : i32 to index
        %get3A_183 = arith.index_cast %mul3A_181 : i32 to index
        %get3A_184 = tpu.vector_load %arg6[%get3A_182, %get3A_183] {strides = array<i32>} : memref<16x512xf32, #tpu.memory_space<vmem>>, vector<1x16xf32>,
        %get3A_185 = vector.shape_cast %get3A_184 : vector<1x16xf32> to vector<16xf32>
        %mul3A_186 = arith.mulf %get3A_179, %get3A_185 : vector<16xf32>
        %sub3A_187 = arith.subf %get3A_179, %mul3A_186 : vector<16xf32>
        %sub3A_188 = arith.subf %sub3A_187, %mul3A_186 : vector<16xf32>
        %abs3A_189 = math.absf %sub3A_188 : vector<16xf32>
        %neg3A_190 = arith.constant 0.000000e+00 : f32
        %neg3A_191 = vector.broadcast %neg3A_190 : f32 to vector<16xf32>
        %neg3A_192 = arith.subf %neg3A_191, %abs3A_189 : vector<16xf32>
        %exp3A_193 = math.exp %neg3A_192 : vector<16xf32>
        %max3A_194 = arith.constant 0.000000e+00 : f32
        %max3A_195 = vector.broadcast %max3A_194 : f32 to vector<16xf32>
        %max3A_196 = arith.maximumf %sub3A_188, %max3A_195 : vector<16xf32>
        %broadcast_in_dim3A_197 = arith.constant -0.0174140781 : f32
        %broadcast_in_dim3A_198 = vector.broadcast %broadcast_in_dim3A_197 : f32 to vector<16xf32>
        %mul3A_199 = arith.mulf %broadcast_in_dim3A_198, %exp3A_193 : vector<16xf32>
        %add3A_200 = arith.constant 0.0826912373 : f32
        %add3A_201 = vector.broadcast %add3A_200 : f32 to vector<16xf32>
        %add3A_202 = arith.addf %mul3A_199, %add3A_201 : vector<16xf32>
        %mul3A_203 = arith.mulf %add3A_202, %exp3A_193 : vector<16xf32>
        %add3A_204 = arith.constant -0.190354332 : f32
        %add3A_205 = vector.broadcast %add3A_204 : f32 to vector<16xf32>
        %add3A_206 = arith.addf %mul3A_203, %add3A_205 : vector<16xf32>
        %mul3A_207 = arith.mulf %add3A_206, %exp3A_193 : vector<16xf32>
        %add3A_208 = arith.constant 0.315747321 : f32
        %add3A_209 = vector.broadcast %add3A_208 : f32 to vector<16xf32>
        %add3A_210 = arith.addf %mul3A_207, %add3A_209 : vector<16xf32>
        %mul3A_211 = arith.mulf %add3A_210, %exp3A_193 : vector<16xf32>
        %add3A_212 = arith.constant -0.497373223 : f32
        %add3A_213 = vector.broadcast %add3A_212 : f32 to vector<16xf32>
        %add3A_214 = arith.addf %mul3A_211, %add3A_213 : vector<16xf32>
        %mul3A_215 = arith.mulf %add3A_214, %exp3A_193 : vector<16xf32>
        %add3A_216 = arith.constant 0.99984771 : f32
        %add3A_217 = vector.broadcast %add3A_216 : f32 to vector<16xf32>
        %add3A_218 = arith.addf %mul3A_215, %add3A_217 : vector<16xf32>
        %mul3A_219 = arith.mulf %add3A_218, %exp3A_193 : vector<16xf32>
        %add3A_220 = arith.constant 1.47206504E-6 : f32
        %add3A_221 = vector.broadcast %add3A_220 : f32 to vector<16xf32>
        %add3A_222 = arith.addf %mul3A_219, %add3A_221 : vector<16xf32>
        %add3A_223 = arith.addf %max3A_196, %add3A_222 : vector<16xf32>
        %mul3A_224 = arith.mulf %add3A_223, %get3A_185 : vector<16xf32>
        %add3A_225 = arith.addf %add3A_169, %mul3A_224 : vector<16xf32>
        %add3A_226 = arith.addf %add3A_170, %get3A_185 : vector<16xf32>
        %add3A_227 = arith.addf %add3A_171, %add3A_223 : vector<16xf32>
        %scan3A_228 = arith.constant 2 : i32
        %scan3A_229 = arith.addi %scan3A_120, %scan3A_228 : i32
        %mul3A_230 = arith.constant 16 : i32
        %mul3A_231 = arith.muli %scan3A_229, %mul3A_230 : i32
        %get3A_232 = arith.index_cast %scan3A_110 : i32 to index
        %get3A_233 = arith.index_cast %mul3A_231 : i32 to index
        %get3A_234 = tpu.vector_load %arg5[%get3A_232, %get3A_233] {strides = array<i32>} : memref<16x512xf32, #tpu.memory_space<vmem>>, vector<1x16xf32>,
        %get3A_235 = vector.shape_cast %get3A_234 : vector<1x16xf32> to vector<16xf32>
        %mul3A_236 = arith.constant 16 : i32
        %mul3A_237 = arith.muli %scan3A_229, %mul3A_236 : i32
        %get3A_238 = arith.index_cast %scan3A_110 : i32 to index
        %get3A_239 = arith.index_cast %mul3A_237 : i32 to index
        %get3A_240 = tpu.vector_load %arg6[%get3A_238, %get3A_239] {strides = array<i32>} : memref<16x512xf32, #tpu.memory_space<vmem>>, vector<1x16xf32>,
        %get3A_241 = vector.shape_cast %get3A_240 : vector<1x16xf32> to vector<16xf32>
        %mul3A_242 = arith.mulf %get3A_235, %get3A_241 : vector<16xf32>
        %sub3A_243 = arith.subf %get3A_235, %mul3A_242 : vector<16xf32>
        %sub3A_244 = arith.subf %sub3A_243, %mul3A_242 : vector<16xf32>
        %abs3A_245 = math.absf %sub3A_244 : vector<16xf32>
        %neg3A_246 = arith.constant 0.000000e+00 : f32
        %neg3A_247 = vector.broadcast %neg3A_246 : f32 to vector<16xf32>
        %neg3A_248 = arith.subf %neg3A_247, %abs3A_245 : vector<16xf32>
        %exp3A_249 = math.exp %neg3A_248 : vector<16xf32>
        %max3A_250 = arith.constant 0.000000e+00 : f32
        %max3A_251 = vector.broadcast %max3A_250 : f32 to vector<16xf32>
        %max3A_252 = arith.maximumf %sub3A_244, %max3A_251 : vector<16xf32>
        %broadcast_in_dim3A_253 = arith.constant -0.0174140781 : f32
        %broadcast_in_dim3A_254 = vector.broadcast %broadcast_in_dim3A_253 : f32 to vector<16xf32>
        %mul3A_255 = arith.mulf %broadcast_in_dim3A_254, %exp3A_249 : vector<16xf32>
        %add3A_256 = arith.constant 0.0826912373 : f32
        %add3A_257 = vector.broadcast %add3A_256 : f32 to vector<16xf32>
        %add3A_258 = arith.addf %mul3A_255, %add3A_257 : vector<16xf32>
        %mul3A_259 = arith.mulf %add3A_258, %exp3A_249 : vector<16xf32>
        %add3A_260 = arith.constant -0.190354332 : f32
        %add3A_261 = vector.broadcast %add3A_260 : f32 to vector<16xf32>
        %add3A_262 = arith.addf %mul3A_259, %add3A_261 : vector<16xf32>
        %mul3A_263 = arith.mulf %add3A_262, %exp3A_249 : vector<16xf32>
        %add3A_264 = arith.constant 0.315747321 : f32
        %add3A_265 = vector.broadcast %add3A_264 : f32 to vector<16xf32>
        %add3A_266 = arith.addf %mul3A_263, %add3A_265 : vector<16xf32>
        %mul3A_267 = arith.mulf %add3A_266, %exp3A_249 : vector<16xf32>
        %add3A_268 = arith.constant -0.497373223 : f32
        %add3A_269 = vector.broadcast %add3A_268 : f32 to vector<16xf32>
        %add3A_270 = arith.addf %mul3A_267, %add3A_269 : vector<16xf32>
        %mul3A_271 = arith.mulf %add3A_270, %exp3A_249 : vector<16xf32>
        %add3A_272 = arith.constant 0.99984771 : f32
        %add3A_273 = vector.broadcast %add3A_272 : f32 to vector<16xf32>
        %add3A_274 = arith.addf %mul3A_271, %add3A_273 : vector<16xf32>
        %mul3A_275 = arith.mulf %add3A_274, %exp3A_249 : vector<16xf32>
        %add3A_276 = arith.constant 1.47206504E-6 : f32
        %add3A_277 = vector.broadcast %add3A_276 : f32 to vector<16xf32>
        %add3A_278 = arith.addf %mul3A_275, %add3A_277 : vector<16xf32>
        %add3A_279 = arith.addf %max3A_252, %add3A_278 : vector<16xf32>
        %mul3A_280 = arith.mulf %add3A_279, %get3A_241 : vector<16xf32>
        %add3A_281 = arith.addf %add3A_225, %mul3A_280 : vector<16xf32>
        %add3A_282 = arith.addf %add3A_226, %get3A_241 : vector<16xf32>
        %add3A_283 = arith.addf %add3A_227, %add3A_279 : vector<16xf32>
        %scan3A_284 = arith.constant 3 : i32
        %scan3A_285 = arith.addi %scan3A_120, %scan3A_284 : i32
        %mul3A_286 = arith.constant 16 : i32
        %mul3A_287 = arith.muli %scan3A_285, %mul3A_286 : i32
        %get3A_288 = arith.index_cast %scan3A_110 : i32 to index
        %get3A_289 = arith.index_cast %mul3A_287 : i32 to index
        %get3A_290 = tpu.vector_load %arg5[%get3A_288, %get3A_289] {strides = array<i32>} : memref<16x512xf32, #tpu.memory_space<vmem>>, vector<1x16xf32>,
        %get3A_291 = vector.shape_cast %get3A_290 : vector<1x16xf32> to vector<16xf32>
        %mul3A_292 = arith.constant 16 : i32
        %mul3A_293 = arith.muli %scan3A_285, %mul3A_292 : i32
        %get3A_294 = arith.index_cast %scan3A_110 : i32 to index
        %get3A_295 = arith.index_cast %mul3A_293 : i32 to index
        %get3A_296 = tpu.vector_load %arg6[%get3A_294, %get3A_295] {strides = array<i32>} : memref<16x512xf32, #tpu.memory_space<vmem>>, vector<1x16xf32>,
        %get3A_297 = vector.shape_cast %get3A_296 : vector<1x16xf32> to vector<16xf32>
        %mul3A_298 = arith.mulf %get3A_291, %get3A_297 : vector<16xf32>
        %sub3A_299 = arith.subf %get3A_291, %mul3A_298 : vector<16xf32>
        %sub3A_300 = arith.subf %sub3A_299, %mul3A_298 : vector<16xf32>
        %abs3A_301 = math.absf %sub3A_300 : vector<16xf32>
        %neg3A_302 = arith.constant 0.000000e+00 : f32
        %neg3A_303 = vector.broadcast %neg3A_302 : f32 to vector<16xf32>
        %neg3A_304 = arith.subf %neg3A_303, %abs3A_301 : vector<16xf32>
        %exp3A_305 = math.exp %neg3A_304 : vector<16xf32>
        %max3A_306 = arith.constant 0.000000e+00 : f32
        %max3A_307 = vector.broadcast %max3A_306 : f32 to vector<16xf32>
        %max3A_308 = arith.maximumf %sub3A_300, %max3A_307 : vector<16xf32>
        %broadcast_in_dim3A_309 = arith.constant -0.0174140781 : f32
        %broadcast_in_dim3A_310 = vector.broadcast %broadcast_in_dim3A_309 : f32 to vector<16xf32>
        %mul3A_311 = arith.mulf %broadcast_in_dim3A_310, %exp3A_305 : vector<16xf32>
        %add3A_312 = arith.constant 0.0826912373 : f32
        %add3A_313 = vector.broadcast %add3A_312 : f32 to vector<16xf32>
        %add3A_314 = arith.addf %mul3A_311, %add3A_313 : vector<16xf32>
        %mul3A_315 = arith.mulf %add3A_314, %exp3A_305 : vector<16xf32>
        %add3A_316 = arith.constant -0.190354332 : f32
        %add3A_317 = vector.broadcast %add3A_316 : f32 to vector<16xf32>
        %add3A_318 = arith.addf %mul3A_315, %add3A_317 : vector<16xf32>
        %mul3A_319 = arith.mulf %add3A_318, %exp3A_305 : vector<16xf32>
        %add3A_320 = arith.constant 0.315747321 : f32
        %add3A_321 = vector.broadcast %add3A_320 : f32 to vector<16xf32>
        %add3A_322 = arith.addf %mul3A_319, %add3A_321 : vector<16xf32>
        %mul3A_323 = arith.mulf %add3A_322, %exp3A_305 : vector<16xf32>
        %add3A_324 = arith.constant -0.497373223 : f32
        %add3A_325 = vector.broadcast %add3A_324 : f32 to vector<16xf32>
        %add3A_326 = arith.addf %mul3A_323, %add3A_325 : vector<16xf32>
        %mul3A_327 = arith.mulf %add3A_326, %exp3A_305 : vector<16xf32>
        %add3A_328 = arith.constant 0.99984771 : f32
        %add3A_329 = vector.broadcast %add3A_328 : f32 to vector<16xf32>
        %add3A_330 = arith.addf %mul3A_327, %add3A_329 : vector<16xf32>
        %mul3A_331 = arith.mulf %add3A_330, %exp3A_305 : vector<16xf32>
        %add3A_332 = arith.constant 1.47206504E-6 : f32
        %add3A_333 = vector.broadcast %add3A_332 : f32 to vector<16xf32>
        %add3A_334 = arith.addf %mul3A_331, %add3A_333 : vector<16xf32>
        %add3A_335 = arith.addf %max3A_308, %add3A_334 : vector<16xf32>
        %mul3A_336 = arith.mulf %add3A_335, %get3A_297 : vector<16xf32>
        %add3A_337 = arith.addf %add3A_281, %mul3A_336 : vector<16xf32>
        %add3A_338 = arith.addf %add3A_282, %get3A_297 : vector<16xf32>
        %add3A_339 = arith.addf %add3A_283, %add3A_335 : vector<16xf32>
        %scan3A_340 = arith.constant 4 : i32
        %scan3A_341 = arith.addi %scan3A_120, %scan3A_340 : i32
        %mul3A_342 = arith.constant 16 : i32
        %mul3A_343 = arith.muli %scan3A_341, %mul3A_342 : i32
        %get3A_344 = arith.index_cast %scan3A_110 : i32 to index
        %get3A_345 = arith.index_cast %mul3A_343 : i32 to index
        %get3A_346 = tpu.vector_load %arg5[%get3A_344, %get3A_345] {strides = array<i32>} : memref<16x512xf32, #tpu.memory_space<vmem>>, vector<1x16xf32>,
        %get3A_347 = vector.shape_cast %get3A_346 : vector<1x16xf32> to vector<16xf32>
        %mul3A_348 = arith.constant 16 : i32
        %mul3A_349 = arith.muli %scan3A_341, %mul3A_348 : i32
        %get3A_350 = arith.index_cast %scan3A_110 : i32 to index
        %get3A_351 = arith.index_cast %mul3A_349 : i32 to index
        %get3A_352 = tpu.vector_load %arg6[%get3A_350, %get3A_351] {strides = array<i32>} : memref<16x512xf32, #tpu.memory_space<vmem>>, vector<1x16xf32>,
        %get3A_353 = vector.shape_cast %get3A_352 : vector<1x16xf32> to vector<16xf32>
        %mul3A_354 = arith.mulf %get3A_347, %get3A_353 : vector<16xf32>
        %sub3A_355 = arith.subf %get3A_347, %mul3A_354 : vector<16xf32>
        %sub3A_356 = arith.subf %sub3A_355, %mul3A_354 : vector<16xf32>
        %abs3A_357 = math.absf %sub3A_356 : vector<16xf32>
        %neg3A_358 = arith.constant 0.000000e+00 : f32
        %neg3A_359 = vector.broadcast %neg3A_358 : f32 to vector<16xf32>
        %neg3A_360 = arith.subf %neg3A_359, %abs3A_357 : vector<16xf32>
        %exp3A_361 = math.exp %neg3A_360 : vector<16xf32>
        %max3A_362 = arith.constant 0.000000e+00 : f32
        %max3A_363 = vector.broadcast %max3A_362 : f32 to vector<16xf32>
        %max3A_364 = arith.maximumf %sub3A_356, %max3A_363 : vector<16xf32>
        %broadcast_in_dim3A_365 = arith.constant -0.0174140781 : f32
        %broadcast_in_dim3A_366 = vector.broadcast %broadcast_in_dim3A_365 : f32 to vector<16xf32>
        %mul3A_367 = arith.mulf %broadcast_in_dim3A_366, %exp3A_361 : vector<16xf32>
        %add3A_368 = arith.constant 0.0826912373 : f32
        %add3A_369 = vector.broadcast %add3A_368 : f32 to vector<16xf32>
        %add3A_370 = arith.addf %mul3A_367, %add3A_369 : vector<16xf32>
        %mul3A_371 = arith.mulf %add3A_370, %exp3A_361 : vector<16xf32>
        %add3A_372 = arith.constant -0.190354332 : f32
        %add3A_373 = vector.broadcast %add3A_372 : f32 to vector<16xf32>
        %add3A_374 = arith.addf %mul3A_371, %add3A_373 : vector<16xf32>
        %mul3A_375 = arith.mulf %add3A_374, %exp3A_361 : vector<16xf32>
        %add3A_376 = arith.constant 0.315747321 : f32
        %add3A_377 = vector.broadcast %add3A_376 : f32 to vector<16xf32>
        %add3A_378 = arith.addf %mul3A_375, %add3A_377 : vector<16xf32>
        %mul3A_379 = arith.mulf %add3A_378, %exp3A_361 : vector<16xf32>
        %add3A_380 = arith.constant -0.497373223 : f32
        %add3A_381 = vector.broadcast %add3A_380 : f32 to vector<16xf32>
        %add3A_382 = arith.addf %mul3A_379, %add3A_381 : vector<16xf32>
        %mul3A_383 = arith.mulf %add3A_382, %exp3A_361 : vector<16xf32>
        %add3A_384 = arith.constant 0.99984771 : f32
        %add3A_385 = vector.broadcast %add3A_384 : f32 to vector<16xf32>
        %add3A_386 = arith.addf %mul3A_383, %add3A_385 : vector<16xf32>
        %mul3A_387 = arith.mulf %add3A_386, %exp3A_361 : vector<16xf32>
        %add3A_388 = arith.constant 1.47206504E-6 : f32
        %add3A_389 = vector.broadcast %add3A_388 : f32 to vector<16xf32>
        %add3A_390 = arith.addf %mul3A_387, %add3A_389 : vector<16xf32>
        %add3A_391 = arith.addf %max3A_364, %add3A_390 : vector<16xf32>
        %mul3A_392 = arith.mulf %add3A_391, %get3A_353 : vector<16xf32>
        %add3A_393 = arith.addf %add3A_337, %mul3A_392 : vector<16xf32>
        %add3A_394 = arith.addf %add3A_338, %get3A_353 : vector<16xf32>
        %add3A_395 = arith.addf %add3A_339, %add3A_391 : vector<16xf32>
        %scan3A_396 = arith.constant 5 : i32
        %scan3A_397 = arith.addi %scan3A_120, %scan3A_396 : i32
        %mul3A_398 = arith.constant 16 : i32
        %mul3A_399 = arith.muli %scan3A_397, %mul3A_398 : i32
        %get3A_400 = arith.index_cast %scan3A_110 : i32 to index
        %get3A_401 = arith.index_cast %mul3A_399 : i32 to index
        %get3A_402 = tpu.vector_load %arg5[%get3A_400, %get3A_401] {strides = array<i32>} : memref<16x512xf32, #tpu.memory_space<vmem>>, vector<1x16xf32>,
        %get3A_403 = vector.shape_cast %get3A_402 : vector<1x16xf32> to vector<16xf32>
        %mul3A_404 = arith.constant 16 : i32
        %mul3A_405 = arith.muli %scan3A_397, %mul3A_404 : i32
        %get3A_406 = arith.index_cast %scan3A_110 : i32 to index
        %get3A_407 = arith.index_cast %mul3A_405 : i32 to index
        %get3A_408 = tpu.vector_load %arg6[%get3A_406, %get3A_407] {strides = array<i32>} : memref<16x512xf32, #tpu.memory_space<vmem>>, vector<1x16xf32>,
        %get3A_409 = vector.shape_cast %get3A_408 : vector<1x16xf32> to vector<16xf32>
        %mul3A_410 = arith.mulf %get3A_403, %get3A_409 : vector<16xf32>
        %sub3A_411 = arith.subf %get3A_403, %mul3A_410 : vector<16xf32>
        %sub3A_412 = arith.subf %sub3A_411, %mul3A_410 : vector<16xf32>
        %abs3A_413 = math.absf %sub3A_412 : vector<16xf32>
        %neg3A_414 = arith.constant 0.000000e+00 : f32
        %neg3A_415 = vector.broadcast %neg3A_414 : f32 to vector<16xf32>
        %neg3A_416 = arith.subf %neg3A_415, %abs3A_413 : vector<16xf32>
        %exp3A_417 = math.exp %neg3A_416 : vector<16xf32>
        %max3A_418 = arith.constant 0.000000e+00 : f32
        %max3A_419 = vector.broadcast %max3A_418 : f32 to vector<16xf32>
        %max3A_420 = arith.maximumf %sub3A_412, %max3A_419 : vector<16xf32>
        %broadcast_in_dim3A_421 = arith.constant -0.0174140781 : f32
        %broadcast_in_dim3A_422 = vector.broadcast %broadcast_in_dim3A_421 : f32 to vector<16xf32>
        %mul3A_423 = arith.mulf %broadcast_in_dim3A_422, %exp3A_417 : vector<16xf32>
        %add3A_424 = arith.constant 0.0826912373 : f32
        %add3A_425 = vector.broadcast %add3A_424 : f32 to vector<16xf32>
        %add3A_426 = arith.addf %mul3A_423, %add3A_425 : vector<16xf32>
        %mul3A_427 = arith.mulf %add3A_426, %exp3A_417 : vector<16xf32>
        %add3A_428 = arith.constant -0.190354332 : f32
        %add3A_429 = vector.broadcast %add3A_428 : f32 to vector<16xf32>
        %add3A_430 = arith.addf %mul3A_427, %add3A_429 : vector<16xf32>
        %mul3A_431 = arith.mulf %add3A_430, %exp3A_417 : vector<16xf32>
        %add3A_432 = arith.constant 0.315747321 : f32
        %add3A_433 = vector.broadcast %add3A_432 : f32 to vector<16xf32>
        %add3A_434 = arith.addf %mul3A_431, %add3A_433 : vector<16xf32>
        %mul3A_435 = arith.mulf %add3A_434, %exp3A_417 : vector<16xf32>
        %add3A_436 = arith.constant -0.497373223 : f32
        %add3A_437 = vector.broadcast %add3A_436 : f32 to vector<16xf32>
        %add3A_438 = arith.addf %mul3A_435, %add3A_437 : vector<16xf32>
        %mul3A_439 = arith.mulf %add3A_438, %exp3A_417 : vector<16xf32>
        %add3A_440 = arith.constant 0.99984771 : f32
        %add3A_441 = vector.broadcast %add3A_440 : f32 to vector<16xf32>
        %add3A_442 = arith.addf %mul3A_439, %add3A_441 : vector<16xf32>
        %mul3A_443 = arith.mulf %add3A_442, %exp3A_417 : vector<16xf32>
        %add3A_444 = arith.constant 1.47206504E-6 : f32
        %add3A_445 = vector.broadcast %add3A_444 : f32 to vector<16xf32>
        %add3A_446 = arith.addf %mul3A_443, %add3A_445 : vector<16xf32>
        %add3A_447 = arith.addf %max3A_420, %add3A_446 : vector<16xf32>
        %mul3A_448 = arith.mulf %add3A_447, %get3A_409 : vector<16xf32>
        %add3A_449 = arith.addf %add3A_393, %mul3A_448 : vector<16xf32>
        %add3A_450 = arith.addf %add3A_394, %get3A_409 : vector<16xf32>
        %add3A_451 = arith.addf %add3A_395, %add3A_447 : vector<16xf32>
        %scan3A_452 = arith.constant 6 : i32
        %scan3A_453 = arith.addi %scan3A_120, %scan3A_452 : i32
        %mul3A_454 = arith.constant 16 : i32
        %mul3A_455 = arith.muli %scan3A_453, %mul3A_454 : i32
        %get3A_456 = arith.index_cast %scan3A_110 : i32 to index
        %get3A_457 = arith.index_cast %mul3A_455 : i32 to index
        %get3A_458 = tpu.vector_load %arg5[%get3A_456, %get3A_457] {strides = array<i32>} : memref<16x512xf32, #tpu.memory_space<vmem>>, vector<1x16xf32>,
        %get3A_459 = vector.shape_cast %get3A_458 : vector<1x16xf32> to vector<16xf32>
        %mul3A_460 = arith.constant 16 : i32
        %mul3A_461 = arith.muli %scan3A_453, %mul3A_460 : i32
        %get3A_462 = arith.index_cast %scan3A_110 : i32 to index
        %get3A_463 = arith.index_cast %mul3A_461 : i32 to index
        %get3A_464 = tpu.vector_load %arg6[%get3A_462, %get3A_463] {strides = array<i32>} : memref<16x512xf32, #tpu.memory_space<vmem>>, vector<1x16xf32>,
        %get3A_465 = vector.shape_cast %get3A_464 : vector<1x16xf32> to vector<16xf32>
        %mul3A_466 = arith.mulf %get3A_459, %get3A_465 : vector<16xf32>
        %sub3A_467 = arith.subf %get3A_459, %mul3A_466 : vector<16xf32>
        %sub3A_468 = arith.subf %sub3A_467, %mul3A_466 : vector<16xf32>
        %abs3A_469 = math.absf %sub3A_468 : vector<16xf32>
        %neg3A_470 = arith.constant 0.000000e+00 : f32
        %neg3A_471 = vector.broadcast %neg3A_470 : f32 to vector<16xf32>
        %neg3A_472 = arith.subf %neg3A_471, %abs3A_469 : vector<16xf32>
        %exp3A_473 = math.exp %neg3A_472 : vector<16xf32>
        %max3A_474 = arith.constant 0.000000e+00 : f32
        %max3A_475 = vector.broadcast %max3A_474 : f32 to vector<16xf32>
        %max3A_476 = arith.maximumf %sub3A_468, %max3A_475 : vector<16xf32>
        %broadcast_in_dim3A_477 = arith.constant -0.0174140781 : f32
        %broadcast_in_dim3A_478 = vector.broadcast %broadcast_in_dim3A_477 : f32 to vector<16xf32>
        %mul3A_479 = arith.mulf %broadcast_in_dim3A_478, %exp3A_473 : vector<16xf32>
        %add3A_480 = arith.constant 0.0826912373 : f32
        %add3A_481 = vector.broadcast %add3A_480 : f32 to vector<16xf32>
        %add3A_482 = arith.addf %mul3A_479, %add3A_481 : vector<16xf32>
        %mul3A_483 = arith.mulf %add3A_482, %exp3A_473 : vector<16xf32>
        %add3A_484 = arith.constant -0.190354332 : f32
        %add3A_485 = vector.broadcast %add3A_484 : f32 to vector<16xf32>
        %add3A_486 = arith.addf %mul3A_483, %add3A_485 : vector<16xf32>
        %mul3A_487 = arith.mulf %add3A_486, %exp3A_473 : vector<16xf32>
        %add3A_488 = arith.constant 0.315747321 : f32
        %add3A_489 = vector.broadcast %add3A_488 : f32 to vector<16xf32>
        %add3A_490 = arith.addf %mul3A_487, %add3A_489 : vector<16xf32>
        %mul3A_491 = arith.mulf %add3A_490, %exp3A_473 : vector<16xf32>
        %add3A_492 = arith.constant -0.497373223 : f32
        %add3A_493 = vector.broadcast %add3A_492 : f32 to vector<16xf32>
        %add3A_494 = arith.addf %mul3A_491, %add3A_493 : vector<16xf32>
        %mul3A_495 = arith.mulf %add3A_494, %exp3A_473 : vector<16xf32>
        %add3A_496 = arith.constant 0.99984771 : f32
        %add3A_497 = vector.broadcast %add3A_496 : f32 to vector<16xf32>
        %add3A_498 = arith.addf %mul3A_495, %add3A_497 : vector<16xf32>
        %mul3A_499 = arith.mulf %add3A_498, %exp3A_473 : vector<16xf32>
        %add3A_500 = arith.constant 1.47206504E-6 : f32
        %add3A_501 = vector.broadcast %add3A_500 : f32 to vector<16xf32>
        %add3A_502 = arith.addf %mul3A_499, %add3A_501 : vector<16xf32>
        %add3A_503 = arith.addf %max3A_476, %add3A_502 : vector<16xf32>
        %mul3A_504 = arith.mulf %add3A_503, %get3A_465 : vector<16xf32>
        %add3A_505 = arith.addf %add3A_449, %mul3A_504 : vector<16xf32>
        %add3A_506 = arith.addf %add3A_450, %get3A_465 : vector<16xf32>
        %add3A_507 = arith.addf %add3A_451, %add3A_503 : vector<16xf32>
        %scan3A_508 = arith.constant 7 : i32
        %scan3A_509 = arith.addi %scan3A_120, %scan3A_508 : i32
        %mul3A_510 = arith.constant 16 : i32
        %mul3A_511 = arith.muli %scan3A_509, %mul3A_510 : i32
        %get3A_512 = arith.index_cast %scan3A_110 : i32 to index
        %get3A_513 = arith.index_cast %mul3A_511 : i32 to index
        %get3A_514 = tpu.vector_load %arg5[%get3A_512, %get3A_513] {strides = array<i32>} : memref<16x512xf32, #tpu.memory_space<vmem>>, vector<1x16xf32>,
        %get3A_515 = vector.shape_cast %get3A_514 : vector<1x16xf32> to vector<16xf32>
        %mul3A_516 = arith.constant 16 : i32
        %mul3A_517 = arith.muli %scan3A_509, %mul3A_516 : i32
        %get3A_518 = arith.index_cast %scan3A_110 : i32 to index
        %get3A_519 = arith.index_cast %mul3A_517 : i32 to index
        %get3A_520 = tpu.vector_load %arg6[%get3A_518, %get3A_519] {strides = array<i32>} : memref<16x512xf32, #tpu.memory_space<vmem>>, vector<1x16xf32>,
        %get3A_521 = vector.shape_cast %get3A_520 : vector<1x16xf32> to vector<16xf32>
        %mul3A_522 = arith.mulf %get3A_515, %get3A_521 : vector<16xf32>
        %sub3A_523 = arith.subf %get3A_515, %mul3A_522 : vector<16xf32>
        %sub3A_524 = arith.subf %sub3A_523, %mul3A_522 : vector<16xf32>
        %abs3A_525 = math.absf %sub3A_524 : vector<16xf32>
        %neg3A_526 = arith.constant 0.000000e+00 : f32
        %neg3A_527 = vector.broadcast %neg3A_526 : f32 to vector<16xf32>
        %neg3A_528 = arith.subf %neg3A_527, %abs3A_525 : vector<16xf32>
        %exp3A_529 = math.exp %neg3A_528 : vector<16xf32>
        %max3A_530 = arith.constant 0.000000e+00 : f32
        %max3A_531 = vector.broadcast %max3A_530 : f32 to vector<16xf32>
        %max3A_532 = arith.maximumf %sub3A_524, %max3A_531 : vector<16xf32>
        %broadcast_in_dim3A_533 = arith.constant -0.0174140781 : f32
        %broadcast_in_dim3A_534 = vector.broadcast %broadcast_in_dim3A_533 : f32 to vector<16xf32>
        %mul3A_535 = arith.mulf %broadcast_in_dim3A_534, %exp3A_529 : vector<16xf32>
        %add3A_536 = arith.constant 0.0826912373 : f32
        %add3A_537 = vector.broadcast %add3A_536 : f32 to vector<16xf32>
        %add3A_538 = arith.addf %mul3A_535, %add3A_537 : vector<16xf32>
        %mul3A_539 = arith.mulf %add3A_538, %exp3A_529 : vector<16xf32>
        %add3A_540 = arith.constant -0.190354332 : f32
        %add3A_541 = vector.broadcast %add3A_540 : f32 to vector<16xf32>
        %add3A_542 = arith.addf %mul3A_539, %add3A_541 : vector<16xf32>
        %mul3A_543 = arith.mulf %add3A_542, %exp3A_529 : vector<16xf32>
        %add3A_544 = arith.constant 0.315747321 : f32
        %add3A_545 = vector.broadcast %add3A_544 : f32 to vector<16xf32>
        %add3A_546 = arith.addf %mul3A_543, %add3A_545 : vector<16xf32>
        %mul3A_547 = arith.mulf %add3A_546, %exp3A_529 : vector<16xf32>
        %add3A_548 = arith.constant -0.497373223 : f32
        %add3A_549 = vector.broadcast %add3A_548 : f32 to vector<16xf32>
        %add3A_550 = arith.addf %mul3A_547, %add3A_549 : vector<16xf32>
        %mul3A_551 = arith.mulf %add3A_550, %exp3A_529 : vector<16xf32>
        %add3A_552 = arith.constant 0.99984771 : f32
        %add3A_553 = vector.broadcast %add3A_552 : f32 to vector<16xf32>
        %add3A_554 = arith.addf %mul3A_551, %add3A_553 : vector<16xf32>
        %mul3A_555 = arith.mulf %add3A_554, %exp3A_529 : vector<16xf32>
        %add3A_556 = arith.constant 1.47206504E-6 : f32
        %add3A_557 = vector.broadcast %add3A_556 : f32 to vector<16xf32>
        %add3A_558 = arith.addf %mul3A_555, %add3A_557 : vector<16xf32>
        %add3A_559 = arith.addf %max3A_532, %add3A_558 : vector<16xf32>
        %mul3A_560 = arith.mulf %add3A_559, %get3A_521 : vector<16xf32>
        %add3A_561 = arith.addf %add3A_505, %mul3A_560 : vector<16xf32>
        %add3A_562 = arith.addf %add3A_506, %get3A_521 : vector<16xf32>
        %add3A_563 = arith.addf %add3A_507, %add3A_559 : vector<16xf32>
        scf.yield %add3A_561, %add3A_562, %add3A_563 : vector<16xf32>, vector<16xf32>, vector<16xf32>
      }
      %scan3A_119 = arith.constant 32 : i32
      scf.yield %scan3A_118#0, %scan3A_118#1, %scan3A_118#2 : vector<16xf32>, vector<16xf32>, vector<16xf32>
    }
    %scan3A_36 = arith.constant 16 : i32
    %add3A_37 = arith.constant 32 : i32
    %add3A_38 = arith.addi %add3A_4, %add3A_37 : i32
    %dma_start3A_39 = arith.constant 0 : i32
    %dma_start3A_40 = tpu.memref_slice %arg2[%add3A_38, %dma_start3A_39] : memref<8192x512xf32, #tpu.memory_space<hbm>> -> memref<16x512xf32, #tpu.memory_space<hbm>>
    %dma_start3A_41 = arith.constant 0 : i32
    %dma_start3A_42 = tpu.memref_slice %arg2[%add3A_38, %dma_start3A_41] : memref<8192x512xf32, #tpu.memory_space<hbm>> -> memref<16x512xf32, #tpu.memory_space<hbm>>
    tpu.enqueue_dma source(%dma_start3A_42 : memref<16x512xf32, #tpu.memory_space<hbm>>) target(%arg5 : memref<16x512xf32, #tpu.memory_space<vmem>>) target_semaphore(%arg10 : memref<!tpu.dma_semaphore, #tpu.memory_space<semaphore_mem>>)
    %dma_start3A_43 = arith.constant 0 : i32
    %dma_start3A_44 = tpu.memref_slice %arg3[%add3A_38, %dma_start3A_43] : memref<8192x512xf32, #tpu.memory_space<hbm>> -> memref<16x512xf32, #tpu.memory_space<hbm>>
    %dma_start3A_45 = arith.constant 0 : i32
    %dma_start3A_46 = tpu.memref_slice %arg3[%add3A_38, %dma_start3A_45] : memref<8192x512xf32, #tpu.memory_space<hbm>> -> memref<16x512xf32, #tpu.memory_space<hbm>>
    tpu.enqueue_dma source(%dma_start3A_46 : memref<16x512xf32, #tpu.memory_space<hbm>>) target(%arg6 : memref<16x512xf32, #tpu.memory_space<vmem>>) target_semaphore(%arg11 : memref<!tpu.dma_semaphore, #tpu.memory_space<semaphore_mem>>)
    %dma_wait3A_47 = arith.constant 0 : i32
    %dma_wait3A_48 = tpu.memref_slice %arg2[%add3A_16, %dma_wait3A_47] : memref<8192x512xf32, #tpu.memory_space<hbm>> -> memref<16x512xf32, #tpu.memory_space<hbm>>
    %dma_wait3A_49 = arith.constant 0 : i32
    %dma_wait3A_50 = tpu.memref_slice %arg2[%add3A_16, %dma_wait3A_49] : memref<8192x512xf32, #tpu.memory_space<hbm>> -> memref<16x512xf32, #tpu.memory_space<hbm>>
    tpu.wait_dma2 semaphore(%arg12 : memref<!tpu.dma_semaphore, #tpu.memory_space<semaphore_mem>>) src(%dma_wait3A_50 : memref<16x512xf32, #tpu.memory_space<hbm>>) dst(%arg7 : memref<16x512xf32, #tpu.memory_space<vmem>>)
    %dma_wait3A_51 = arith.constant 0 : i32
    %dma_wait3A_52 = tpu.memref_slice %arg3[%add3A_16, %dma_wait3A_51] : memref<8192x512xf32, #tpu.memory_space<hbm>> -> memref<16x512xf32, #tpu.memory_space<hbm>>
    %dma_wait3A_53 = arith.constant 0 : i32
    %dma_wait3A_54 = tpu.memref_slice %arg3[%add3A_16, %dma_wait3A_53] : memref<8192x512xf32, #tpu.memory_space<hbm>> -> memref<16x512xf32, #tpu.memory_space<hbm>>
    tpu.wait_dma2 semaphore(%arg13 : memref<!tpu.dma_semaphore, #tpu.memory_space<semaphore_mem>>) src(%dma_wait3A_54 : memref<16x512xf32, #tpu.memory_space<hbm>>) dst(%arg8 : memref<16x512xf32, #tpu.memory_space<vmem>>)
    %scan3A_55 = arith.constant 0 : i32
    %scan3A_56 = arith.constant 16 : i32
    %scan3A_57 = arith.addi %scan3A_55, %scan3A_56 : i32
    %scan3A_58 = arith.constant 1 : i32
    %scan3A_59:3 = scf.for %scan3A_110 = %scan3A_55 to %scan3A_57 step %scan3A_58 iter_args(%scan3A_111 = %scan3A_35#0, %scan3A_112 = %scan3A_35#1, %scan3A_113 = %scan3A_35#2) -> (vector<16xf32>, vector<16xf32>, vector<16xf32>)  : i32 {
      %scan3A_114 = arith.constant 0 : i32
      %scan3A_115 = arith.constant 32 : i32
      %scan3A_116 = arith.addi %scan3A_114, %scan3A_115 : i32
      %scan3A_117 = arith.constant 8 : i32
      %scan3A_118:3 = scf.for %scan3A_120 = %scan3A_114 to %scan3A_116 step %scan3A_117 iter_args(%scan3A_121 = %scan3A_111, %scan3A_122 = %scan3A_112, %scan3A_123 = %scan3A_113) -> (vector<16xf32>, vector<16xf32>, vector<16xf32>)  : i32 {
        %mul3A_124 = arith.constant 16 : i32
        %mul3A_125 = arith.muli %scan3A_120, %mul3A_124 : i32
        %get3A = arith.index_cast %scan3A_110 : i32 to index
        %get3A_126 = arith.index_cast %mul3A_125 : i32 to index
        %get3A_127 = tpu.vector_load %arg7[%get3A, %get3A_126] {strides = array<i32>} : memref<16x512xf32, #tpu.memory_space<vmem>>, vector<1x16xf32>,
        %get3A_128 = vector.shape_cast %get3A_127 : vector<1x16xf32> to vector<16xf32>
        %mul3A_129 = arith.constant 16 : i32
        %mul3A_130 = arith.muli %scan3A_120, %mul3A_129 : i32
        %get3A_131 = arith.index_cast %scan3A_110 : i32 to index
        %get3A_132 = arith.index_cast %mul3A_130 : i32 to index
        %get3A_133 = tpu.vector_load %arg8[%get3A_131, %get3A_132] {strides = array<i32>} : memref<16x512xf32, #tpu.memory_space<vmem>>, vector<1x16xf32>,
        %get3A_134 = vector.shape_cast %get3A_133 : vector<1x16xf32> to vector<16xf32>
        %mul3A_135 = arith.mulf %get3A_128, %get3A_134 : vector<16xf32>
        %sub3A = arith.subf %get3A_128, %mul3A_135 : vector<16xf32>
        %sub3A_136 = arith.subf %sub3A, %mul3A_135 : vector<16xf32>
        %abs3A = math.absf %sub3A_136 : vector<16xf32>
        %neg3A = arith.constant 0.000000e+00 : f32
        %neg3A_137 = vector.broadcast %neg3A : f32 to vector<16xf32>
        %neg3A_138 = arith.subf %neg3A_137, %abs3A : vector<16xf32>
        %exp3A = math.exp %neg3A_138 : vector<16xf32>
        %max3A = arith.constant 0.000000e+00 : f32
        %max3A_139 = vector.broadcast %max3A : f32 to vector<16xf32>
        %max3A_140 = arith.maximumf %sub3A_136, %max3A_139 : vector<16xf32>
        %broadcast_in_dim3A_141 = arith.constant -0.0174140781 : f32
        %broadcast_in_dim3A_142 = vector.broadcast %broadcast_in_dim3A_141 : f32 to vector<16xf32>
        %mul3A_143 = arith.mulf %broadcast_in_dim3A_142, %exp3A : vector<16xf32>
        %add3A_144 = arith.constant 0.0826912373 : f32
        %add3A_145 = vector.broadcast %add3A_144 : f32 to vector<16xf32>
        %add3A_146 = arith.addf %mul3A_143, %add3A_145 : vector<16xf32>
        %mul3A_147 = arith.mulf %add3A_146, %exp3A : vector<16xf32>
        %add3A_148 = arith.constant -0.190354332 : f32
        %add3A_149 = vector.broadcast %add3A_148 : f32 to vector<16xf32>
        %add3A_150 = arith.addf %mul3A_147, %add3A_149 : vector<16xf32>
        %mul3A_151 = arith.mulf %add3A_150, %exp3A : vector<16xf32>
        %add3A_152 = arith.constant 0.315747321 : f32
        %add3A_153 = vector.broadcast %add3A_152 : f32 to vector<16xf32>
        %add3A_154 = arith.addf %mul3A_151, %add3A_153 : vector<16xf32>
        %mul3A_155 = arith.mulf %add3A_154, %exp3A : vector<16xf32>
        %add3A_156 = arith.constant -0.497373223 : f32
        %add3A_157 = vector.broadcast %add3A_156 : f32 to vector<16xf32>
        %add3A_158 = arith.addf %mul3A_155, %add3A_157 : vector<16xf32>
        %mul3A_159 = arith.mulf %add3A_158, %exp3A : vector<16xf32>
        %add3A_160 = arith.constant 0.99984771 : f32
        %add3A_161 = vector.broadcast %add3A_160 : f32 to vector<16xf32>
        %add3A_162 = arith.addf %mul3A_159, %add3A_161 : vector<16xf32>
        %mul3A_163 = arith.mulf %add3A_162, %exp3A : vector<16xf32>
        %add3A_164 = arith.constant 1.47206504E-6 : f32
        %add3A_165 = vector.broadcast %add3A_164 : f32 to vector<16xf32>
        %add3A_166 = arith.addf %mul3A_163, %add3A_165 : vector<16xf32>
        %add3A_167 = arith.addf %max3A_140, %add3A_166 : vector<16xf32>
        %mul3A_168 = arith.mulf %add3A_167, %get3A_134 : vector<16xf32>
        %add3A_169 = arith.addf %scan3A_121, %mul3A_168 : vector<16xf32>
        %add3A_170 = arith.addf %scan3A_122, %get3A_134 : vector<16xf32>
        %add3A_171 = arith.addf %scan3A_123, %add3A_167 : vector<16xf32>
        %scan3A_172 = arith.constant 1 : i32
        %scan3A_173 = arith.addi %scan3A_120, %scan3A_172 : i32
        %mul3A_174 = arith.constant 16 : i32
        %mul3A_175 = arith.muli %scan3A_173, %mul3A_174 : i32
        %get3A_176 = arith.index_cast %scan3A_110 : i32 to index
        %get3A_177 = arith.index_cast %mul3A_175 : i32 to index
        %get3A_178 = tpu.vector_load %arg7[%get3A_176, %get3A_177] {strides = array<i32>} : memref<16x512xf32, #tpu.memory_space<vmem>>, vector<1x16xf32>,
        %get3A_179 = vector.shape_cast %get3A_178 : vector<1x16xf32> to vector<16xf32>
        %mul3A_180 = arith.constant 16 : i32
        %mul3A_181 = arith.muli %scan3A_173, %mul3A_180 : i32
        %get3A_182 = arith.index_cast %scan3A_110 : i32 to index
        %get3A_183 = arith.index_cast %mul3A_181 : i32 to index
        %get3A_184 = tpu.vector_load %arg8[%get3A_182, %get3A_183] {strides = array<i32>} : memref<16x512xf32, #tpu.memory_space<vmem>>, vector<1x16xf32>,
        %get3A_185 = vector.shape_cast %get3A_184 : vector<1x16xf32> to vector<16xf32>
        %mul3A_186 = arith.mulf %get3A_179, %get3A_185 : vector<16xf32>
        %sub3A_187 = arith.subf %get3A_179, %mul3A_186 : vector<16xf32>
        %sub3A_188 = arith.subf %sub3A_187, %mul3A_186 : vector<16xf32>
        %abs3A_189 = math.absf %sub3A_188 : vector<16xf32>
        %neg3A_190 = arith.constant 0.000000e+00 : f32
        %neg3A_191 = vector.broadcast %neg3A_190 : f32 to vector<16xf32>
        %neg3A_192 = arith.subf %neg3A_191, %abs3A_189 : vector<16xf32>
        %exp3A_193 = math.exp %neg3A_192 : vector<16xf32>
        %max3A_194 = arith.constant 0.000000e+00 : f32
        %max3A_195 = vector.broadcast %max3A_194 : f32 to vector<16xf32>
        %max3A_196 = arith.maximumf %sub3A_188, %max3A_195 : vector<16xf32>
        %broadcast_in_dim3A_197 = arith.constant -0.0174140781 : f32
        %broadcast_in_dim3A_198 = vector.broadcast %broadcast_in_dim3A_197 : f32 to vector<16xf32>
        %mul3A_199 = arith.mulf %broadcast_in_dim3A_198, %exp3A_193 : vector<16xf32>
        %add3A_200 = arith.constant 0.0826912373 : f32
        %add3A_201 = vector.broadcast %add3A_200 : f32 to vector<16xf32>
        %add3A_202 = arith.addf %mul3A_199, %add3A_201 : vector<16xf32>
        %mul3A_203 = arith.mulf %add3A_202, %exp3A_193 : vector<16xf32>
        %add3A_204 = arith.constant -0.190354332 : f32
        %add3A_205 = vector.broadcast %add3A_204 : f32 to vector<16xf32>
        %add3A_206 = arith.addf %mul3A_203, %add3A_205 : vector<16xf32>
        %mul3A_207 = arith.mulf %add3A_206, %exp3A_193 : vector<16xf32>
        %add3A_208 = arith.constant 0.315747321 : f32
        %add3A_209 = vector.broadcast %add3A_208 : f32 to vector<16xf32>
        %add3A_210 = arith.addf %mul3A_207, %add3A_209 : vector<16xf32>
        %mul3A_211 = arith.mulf %add3A_210, %exp3A_193 : vector<16xf32>
        %add3A_212 = arith.constant -0.497373223 : f32
        %add3A_213 = vector.broadcast %add3A_212 : f32 to vector<16xf32>
        %add3A_214 = arith.addf %mul3A_211, %add3A_213 : vector<16xf32>
        %mul3A_215 = arith.mulf %add3A_214, %exp3A_193 : vector<16xf32>
        %add3A_216 = arith.constant 0.99984771 : f32
        %add3A_217 = vector.broadcast %add3A_216 : f32 to vector<16xf32>
        %add3A_218 = arith.addf %mul3A_215, %add3A_217 : vector<16xf32>
        %mul3A_219 = arith.mulf %add3A_218, %exp3A_193 : vector<16xf32>
        %add3A_220 = arith.constant 1.47206504E-6 : f32
        %add3A_221 = vector.broadcast %add3A_220 : f32 to vector<16xf32>
        %add3A_222 = arith.addf %mul3A_219, %add3A_221 : vector<16xf32>
        %add3A_223 = arith.addf %max3A_196, %add3A_222 : vector<16xf32>
        %mul3A_224 = arith.mulf %add3A_223, %get3A_185 : vector<16xf32>
        %add3A_225 = arith.addf %add3A_169, %mul3A_224 : vector<16xf32>
        %add3A_226 = arith.addf %add3A_170, %get3A_185 : vector<16xf32>
        %add3A_227 = arith.addf %add3A_171, %add3A_223 : vector<16xf32>
        %scan3A_228 = arith.constant 2 : i32
        %scan3A_229 = arith.addi %scan3A_120, %scan3A_228 : i32
        %mul3A_230 = arith.constant 16 : i32
        %mul3A_231 = arith.muli %scan3A_229, %mul3A_230 : i32
        %get3A_232 = arith.index_cast %scan3A_110 : i32 to index
        %get3A_233 = arith.index_cast %mul3A_231 : i32 to index
        %get3A_234 = tpu.vector_load %arg7[%get3A_232, %get3A_233] {strides = array<i32>} : memref<16x512xf32, #tpu.memory_space<vmem>>, vector<1x16xf32>,
        %get3A_235 = vector.shape_cast %get3A_234 : vector<1x16xf32> to vector<16xf32>
        %mul3A_236 = arith.constant 16 : i32
        %mul3A_237 = arith.muli %scan3A_229, %mul3A_236 : i32
        %get3A_238 = arith.index_cast %scan3A_110 : i32 to index
        %get3A_239 = arith.index_cast %mul3A_237 : i32 to index
        %get3A_240 = tpu.vector_load %arg8[%get3A_238, %get3A_239] {strides = array<i32>} : memref<16x512xf32, #tpu.memory_space<vmem>>, vector<1x16xf32>,
        %get3A_241 = vector.shape_cast %get3A_240 : vector<1x16xf32> to vector<16xf32>
        %mul3A_242 = arith.mulf %get3A_235, %get3A_241 : vector<16xf32>
        %sub3A_243 = arith.subf %get3A_235, %mul3A_242 : vector<16xf32>
        %sub3A_244 = arith.subf %sub3A_243, %mul3A_242 : vector<16xf32>
        %abs3A_245 = math.absf %sub3A_244 : vector<16xf32>
        %neg3A_246 = arith.constant 0.000000e+00 : f32
        %neg3A_247 = vector.broadcast %neg3A_246 : f32 to vector<16xf32>
        %neg3A_248 = arith.subf %neg3A_247, %abs3A_245 : vector<16xf32>
        %exp3A_249 = math.exp %neg3A_248 : vector<16xf32>
        %max3A_250 = arith.constant 0.000000e+00 : f32
        %max3A_251 = vector.broadcast %max3A_250 : f32 to vector<16xf32>
        %max3A_252 = arith.maximumf %sub3A_244, %max3A_251 : vector<16xf32>
        %broadcast_in_dim3A_253 = arith.constant -0.0174140781 : f32
        %broadcast_in_dim3A_254 = vector.broadcast %broadcast_in_dim3A_253 : f32 to vector<16xf32>
        %mul3A_255 = arith.mulf %broadcast_in_dim3A_254, %exp3A_249 : vector<16xf32>
        %add3A_256 = arith.constant 0.0826912373 : f32
        %add3A_257 = vector.broadcast %add3A_256 : f32 to vector<16xf32>
        %add3A_258 = arith.addf %mul3A_255, %add3A_257 : vector<16xf32>
        %mul3A_259 = arith.mulf %add3A_258, %exp3A_249 : vector<16xf32>
        %add3A_260 = arith.constant -0.190354332 : f32
        %add3A_261 = vector.broadcast %add3A_260 : f32 to vector<16xf32>
        %add3A_262 = arith.addf %mul3A_259, %add3A_261 : vector<16xf32>
        %mul3A_263 = arith.mulf %add3A_262, %exp3A_249 : vector<16xf32>
        %add3A_264 = arith.constant 0.315747321 : f32
        %add3A_265 = vector.broadcast %add3A_264 : f32 to vector<16xf32>
        %add3A_266 = arith.addf %mul3A_263, %add3A_265 : vector<16xf32>
        %mul3A_267 = arith.mulf %add3A_266, %exp3A_249 : vector<16xf32>
        %add3A_268 = arith.constant -0.497373223 : f32
        %add3A_269 = vector.broadcast %add3A_268 : f32 to vector<16xf32>
        %add3A_270 = arith.addf %mul3A_267, %add3A_269 : vector<16xf32>
        %mul3A_271 = arith.mulf %add3A_270, %exp3A_249 : vector<16xf32>
        %add3A_272 = arith.constant 0.99984771 : f32
        %add3A_273 = vector.broadcast %add3A_272 : f32 to vector<16xf32>
        %add3A_274 = arith.addf %mul3A_271, %add3A_273 : vector<16xf32>
        %mul3A_275 = arith.mulf %add3A_274, %exp3A_249 : vector<16xf32>
        %add3A_276 = arith.constant 1.47206504E-6 : f32
        %add3A_277 = vector.broadcast %add3A_276 : f32 to vector<16xf32>
        %add3A_278 = arith.addf %mul3A_275, %add3A_277 : vector<16xf32>
        %add3A_279 = arith.addf %max3A_252, %add3A_278 : vector<16xf32>
        %mul3A_280 = arith.mulf %add3A_279, %get3A_241 : vector<16xf32>
        %add3A_281 = arith.addf %add3A_225, %mul3A_280 : vector<16xf32>
        %add3A_282 = arith.addf %add3A_226, %get3A_241 : vector<16xf32>
        %add3A_283 = arith.addf %add3A_227, %add3A_279 : vector<16xf32>
        %scan3A_284 = arith.constant 3 : i32
        %scan3A_285 = arith.addi %scan3A_120, %scan3A_284 : i32
        %mul3A_286 = arith.constant 16 : i32
        %mul3A_287 = arith.muli %scan3A_285, %mul3A_286 : i32
        %get3A_288 = arith.index_cast %scan3A_110 : i32 to index
        %get3A_289 = arith.index_cast %mul3A_287 : i32 to index
        %get3A_290 = tpu.vector_load %arg7[%get3A_288, %get3A_289] {strides = array<i32>} : memref<16x512xf32, #tpu.memory_space<vmem>>, vector<1x16xf32>,
        %get3A_291 = vector.shape_cast %get3A_290 : vector<1x16xf32> to vector<16xf32>
        %mul3A_292 = arith.constant 16 : i32
        %mul3A_293 = arith.muli %scan3A_285, %mul3A_292 : i32
        %get3A_294 = arith.index_cast %scan3A_110 : i32 to index
        %get3A_295 = arith.index_cast %mul3A_293 : i32 to index
        %get3A_296 = tpu.vector_load %arg8[%get3A_294, %get3A_295] {strides = array<i32>} : memref<16x512xf32, #tpu.memory_space<vmem>>, vector<1x16xf32>,
        %get3A_297 = vector.shape_cast %get3A_296 : vector<1x16xf32> to vector<16xf32>
        %mul3A_298 = arith.mulf %get3A_291, %get3A_297 : vector<16xf32>
        %sub3A_299 = arith.subf %get3A_291, %mul3A_298 : vector<16xf32>
        %sub3A_300 = arith.subf %sub3A_299, %mul3A_298 : vector<16xf32>
        %abs3A_301 = math.absf %sub3A_300 : vector<16xf32>
        %neg3A_302 = arith.constant 0.000000e+00 : f32
        %neg3A_303 = vector.broadcast %neg3A_302 : f32 to vector<16xf32>
        %neg3A_304 = arith.subf %neg3A_303, %abs3A_301 : vector<16xf32>
        %exp3A_305 = math.exp %neg3A_304 : vector<16xf32>
        %max3A_306 = arith.constant 0.000000e+00 : f32
        %max3A_307 = vector.broadcast %max3A_306 : f32 to vector<16xf32>
        %max3A_308 = arith.maximumf %sub3A_300, %max3A_307 : vector<16xf32>
        %broadcast_in_dim3A_309 = arith.constant -0.0174140781 : f32
        %broadcast_in_dim3A_310 = vector.broadcast %broadcast_in_dim3A_309 : f32 to vector<16xf32>
        %mul3A_311 = arith.mulf %broadcast_in_dim3A_310, %exp3A_305 : vector<16xf32>
        %add3A_312 = arith.constant 0.0826912373 : f32
        %add3A_313 = vector.broadcast %add3A_312 : f32 to vector<16xf32>
        %add3A_314 = arith.addf %mul3A_311, %add3A_313 : vector<16xf32>
        %mul3A_315 = arith.mulf %add3A_314, %exp3A_305 : vector<16xf32>
        %add3A_316 = arith.constant -0.190354332 : f32
        %add3A_317 = vector.broadcast %add3A_316 : f32 to vector<16xf32>
        %add3A_318 = arith.addf %mul3A_315, %add3A_317 : vector<16xf32>
        %mul3A_319 = arith.mulf %add3A_318, %exp3A_305 : vector<16xf32>
        %add3A_320 = arith.constant 0.315747321 : f32
        %add3A_321 = vector.broadcast %add3A_320 : f32 to vector<16xf32>
        %add3A_322 = arith.addf %mul3A_319, %add3A_321 : vector<16xf32>
        %mul3A_323 = arith.mulf %add3A_322, %exp3A_305 : vector<16xf32>
        %add3A_324 = arith.constant -0.497373223 : f32
        %add3A_325 = vector.broadcast %add3A_324 : f32 to vector<16xf32>
        %add3A_326 = arith.addf %mul3A_323, %add3A_325 : vector<16xf32>
        %mul3A_327 = arith.mulf %add3A_326, %exp3A_305 : vector<16xf32>
        %add3A_328 = arith.constant 0.99984771 : f32
        %add3A_329 = vector.broadcast %add3A_328 : f32 to vector<16xf32>
        %add3A_330 = arith.addf %mul3A_327, %add3A_329 : vector<16xf32>
        %mul3A_331 = arith.mulf %add3A_330, %exp3A_305 : vector<16xf32>
        %add3A_332 = arith.constant 1.47206504E-6 : f32
        %add3A_333 = vector.broadcast %add3A_332 : f32 to vector<16xf32>
        %add3A_334 = arith.addf %mul3A_331, %add3A_333 : vector<16xf32>
        %add3A_335 = arith.addf %max3A_308, %add3A_334 : vector<16xf32>
        %mul3A_336 = arith.mulf %add3A_335, %get3A_297 : vector<16xf32>
        %add3A_337 = arith.addf %add3A_281, %mul3A_336 : vector<16xf32>
        %add3A_338 = arith.addf %add3A_282, %get3A_297 : vector<16xf32>
        %add3A_339 = arith.addf %add3A_283, %add3A_335 : vector<16xf32>
        %scan3A_340 = arith.constant 4 : i32
        %scan3A_341 = arith.addi %scan3A_120, %scan3A_340 : i32
        %mul3A_342 = arith.constant 16 : i32
        %mul3A_343 = arith.muli %scan3A_341, %mul3A_342 : i32
        %get3A_344 = arith.index_cast %scan3A_110 : i32 to index
        %get3A_345 = arith.index_cast %mul3A_343 : i32 to index
        %get3A_346 = tpu.vector_load %arg7[%get3A_344, %get3A_345] {strides = array<i32>} : memref<16x512xf32, #tpu.memory_space<vmem>>, vector<1x16xf32>,
        %get3A_347 = vector.shape_cast %get3A_346 : vector<1x16xf32> to vector<16xf32>
        %mul3A_348 = arith.constant 16 : i32
        %mul3A_349 = arith.muli %scan3A_341, %mul3A_348 : i32
        %get3A_350 = arith.index_cast %scan3A_110 : i32 to index
        %get3A_351 = arith.index_cast %mul3A_349 : i32 to index
        %get3A_352 = tpu.vector_load %arg8[%get3A_350, %get3A_351] {strides = array<i32>} : memref<16x512xf32, #tpu.memory_space<vmem>>, vector<1x16xf32>,
        %get3A_353 = vector.shape_cast %get3A_352 : vector<1x16xf32> to vector<16xf32>
        %mul3A_354 = arith.mulf %get3A_347, %get3A_353 : vector<16xf32>
        %sub3A_355 = arith.subf %get3A_347, %mul3A_354 : vector<16xf32>
        %sub3A_356 = arith.subf %sub3A_355, %mul3A_354 : vector<16xf32>
        %abs3A_357 = math.absf %sub3A_356 : vector<16xf32>
        %neg3A_358 = arith.constant 0.000000e+00 : f32
        %neg3A_359 = vector.broadcast %neg3A_358 : f32 to vector<16xf32>
        %neg3A_360 = arith.subf %neg3A_359, %abs3A_357 : vector<16xf32>
        %exp3A_361 = math.exp %neg3A_360 : vector<16xf32>
        %max3A_362 = arith.constant 0.000000e+00 : f32
        %max3A_363 = vector.broadcast %max3A_362 : f32 to vector<16xf32>
        %max3A_364 = arith.maximumf %sub3A_356, %max3A_363 : vector<16xf32>
        %broadcast_in_dim3A_365 = arith.constant -0.0174140781 : f32
        %broadcast_in_dim3A_366 = vector.broadcast %broadcast_in_dim3A_365 : f32 to vector<16xf32>
        %mul3A_367 = arith.mulf %broadcast_in_dim3A_366, %exp3A_361 : vector<16xf32>
        %add3A_368 = arith.constant 0.0826912373 : f32
        %add3A_369 = vector.broadcast %add3A_368 : f32 to vector<16xf32>
        %add3A_370 = arith.addf %mul3A_367, %add3A_369 : vector<16xf32>
        %mul3A_371 = arith.mulf %add3A_370, %exp3A_361 : vector<16xf32>
        %add3A_372 = arith.constant -0.190354332 : f32
        %add3A_373 = vector.broadcast %add3A_372 : f32 to vector<16xf32>
        %add3A_374 = arith.addf %mul3A_371, %add3A_373 : vector<16xf32>
        %mul3A_375 = arith.mulf %add3A_374, %exp3A_361 : vector<16xf32>
        %add3A_376 = arith.constant 0.315747321 : f32
        %add3A_377 = vector.broadcast %add3A_376 : f32 to vector<16xf32>
        %add3A_378 = arith.addf %mul3A_375, %add3A_377 : vector<16xf32>
        %mul3A_379 = arith.mulf %add3A_378, %exp3A_361 : vector<16xf32>
        %add3A_380 = arith.constant -0.497373223 : f32
        %add3A_381 = vector.broadcast %add3A_380 : f32 to vector<16xf32>
        %add3A_382 = arith.addf %mul3A_379, %add3A_381 : vector<16xf32>
        %mul3A_383 = arith.mulf %add3A_382, %exp3A_361 : vector<16xf32>
        %add3A_384 = arith.constant 0.99984771 : f32
        %add3A_385 = vector.broadcast %add3A_384 : f32 to vector<16xf32>
        %add3A_386 = arith.addf %mul3A_383, %add3A_385 : vector<16xf32>
        %mul3A_387 = arith.mulf %add3A_386, %exp3A_361 : vector<16xf32>
        %add3A_388 = arith.constant 1.47206504E-6 : f32
        %add3A_389 = vector.broadcast %add3A_388 : f32 to vector<16xf32>
        %add3A_390 = arith.addf %mul3A_387, %add3A_389 : vector<16xf32>
        %add3A_391 = arith.addf %max3A_364, %add3A_390 : vector<16xf32>
        %mul3A_392 = arith.mulf %add3A_391, %get3A_353 : vector<16xf32>
        %add3A_393 = arith.addf %add3A_337, %mul3A_392 : vector<16xf32>
        %add3A_394 = arith.addf %add3A_338, %get3A_353 : vector<16xf32>
        %add3A_395 = arith.addf %add3A_339, %add3A_391 : vector<16xf32>
        %scan3A_396 = arith.constant 5 : i32
        %scan3A_397 = arith.addi %scan3A_120, %scan3A_396 : i32
        %mul3A_398 = arith.constant 16 : i32
        %mul3A_399 = arith.muli %scan3A_397, %mul3A_398 : i32
        %get3A_400 = arith.index_cast %scan3A_110 : i32 to index
        %get3A_401 = arith.index_cast %mul3A_399 : i32 to index
        %get3A_402 = tpu.vector_load %arg7[%get3A_400, %get3A_401] {strides = array<i32>} : memref<16x512xf32, #tpu.memory_space<vmem>>, vector<1x16xf32>,
        %get3A_403 = vector.shape_cast %get3A_402 : vector<1x16xf32> to vector<16xf32>
        %mul3A_404 = arith.constant 16 : i32
        %mul3A_405 = arith.muli %scan3A_397, %mul3A_404 : i32
        %get3A_406 = arith.index_cast %scan3A_110 : i32 to index
        %get3A_407 = arith.index_cast %mul3A_405 : i32 to index
        %get3A_408 = tpu.vector_load %arg8[%get3A_406, %get3A_407] {strides = array<i32>} : memref<16x512xf32, #tpu.memory_space<vmem>>, vector<1x16xf32>,
        %get3A_409 = vector.shape_cast %get3A_408 : vector<1x16xf32> to vector<16xf32>
        %mul3A_410 = arith.mulf %get3A_403, %get3A_409 : vector<16xf32>
        %sub3A_411 = arith.subf %get3A_403, %mul3A_410 : vector<16xf32>
        %sub3A_412 = arith.subf %sub3A_411, %mul3A_410 : vector<16xf32>
        %abs3A_413 = math.absf %sub3A_412 : vector<16xf32>
        %neg3A_414 = arith.constant 0.000000e+00 : f32
        %neg3A_415 = vector.broadcast %neg3A_414 : f32 to vector<16xf32>
        %neg3A_416 = arith.subf %neg3A_415, %abs3A_413 : vector<16xf32>
        %exp3A_417 = math.exp %neg3A_416 : vector<16xf32>
        %max3A_418 = arith.constant 0.000000e+00 : f32
        %max3A_419 = vector.broadcast %max3A_418 : f32 to vector<16xf32>
        %max3A_420 = arith.maximumf %sub3A_412, %max3A_419 : vector<16xf32>
        %broadcast_in_dim3A_421 = arith.constant -0.0174140781 : f32
        %broadcast_in_dim3A_422 = vector.broadcast %broadcast_in_dim3A_421 : f32 to vector<16xf32>
        %mul3A_423 = arith.mulf %broadcast_in_dim3A_422, %exp3A_417 : vector<16xf32>
        %add3A_424 = arith.constant 0.0826912373 : f32
        %add3A_425 = vector.broadcast %add3A_424 : f32 to vector<16xf32>
        %add3A_426 = arith.addf %mul3A_423, %add3A_425 : vector<16xf32>
        %mul3A_427 = arith.mulf %add3A_426, %exp3A_417 : vector<16xf32>
        %add3A_428 = arith.constant -0.190354332 : f32
        %add3A_429 = vector.broadcast %add3A_428 : f32 to vector<16xf32>
        %add3A_430 = arith.addf %mul3A_427, %add3A_429 : vector<16xf32>
        %mul3A_431 = arith.mulf %add3A_430, %exp3A_417 : vector<16xf32>
        %add3A_432 = arith.constant 0.315747321 : f32
        %add3A_433 = vector.broadcast %add3A_432 : f32 to vector<16xf32>
        %add3A_434 = arith.addf %mul3A_431, %add3A_433 : vector<16xf32>
        %mul3A_435 = arith.mulf %add3A_434, %exp3A_417 : vector<16xf32>
        %add3A_436 = arith.constant -0.497373223 : f32
        %add3A_437 = vector.broadcast %add3A_436 : f32 to vector<16xf32>
        %add3A_438 = arith.addf %mul3A_435, %add3A_437 : vector<16xf32>
        %mul3A_439 = arith.mulf %add3A_438, %exp3A_417 : vector<16xf32>
        %add3A_440 = arith.constant 0.99984771 : f32
        %add3A_441 = vector.broadcast %add3A_440 : f32 to vector<16xf32>
        %add3A_442 = arith.addf %mul3A_439, %add3A_441 : vector<16xf32>
        %mul3A_443 = arith.mulf %add3A_442, %exp3A_417 : vector<16xf32>
        %add3A_444 = arith.constant 1.47206504E-6 : f32
        %add3A_445 = vector.broadcast %add3A_444 : f32 to vector<16xf32>
        %add3A_446 = arith.addf %mul3A_443, %add3A_445 : vector<16xf32>
        %add3A_447 = arith.addf %max3A_420, %add3A_446 : vector<16xf32>
        %mul3A_448 = arith.mulf %add3A_447, %get3A_409 : vector<16xf32>
        %add3A_449 = arith.addf %add3A_393, %mul3A_448 : vector<16xf32>
        %add3A_450 = arith.addf %add3A_394, %get3A_409 : vector<16xf32>
        %add3A_451 = arith.addf %add3A_395, %add3A_447 : vector<16xf32>
        %scan3A_452 = arith.constant 6 : i32
        %scan3A_453 = arith.addi %scan3A_120, %scan3A_452 : i32
        %mul3A_454 = arith.constant 16 : i32
        %mul3A_455 = arith.muli %scan3A_453, %mul3A_454 : i32
        %get3A_456 = arith.index_cast %scan3A_110 : i32 to index
        %get3A_457 = arith.index_cast %mul3A_455 : i32 to index
        %get3A_458 = tpu.vector_load %arg7[%get3A_456, %get3A_457] {strides = array<i32>} : memref<16x512xf32, #tpu.memory_space<vmem>>, vector<1x16xf32>,
        %get3A_459 = vector.shape_cast %get3A_458 : vector<1x16xf32> to vector<16xf32>
        %mul3A_460 = arith.constant 16 : i32
        %mul3A_461 = arith.muli %scan3A_453, %mul3A_460 : i32
        %get3A_462 = arith.index_cast %scan3A_110 : i32 to index
        %get3A_463 = arith.index_cast %mul3A_461 : i32 to index
        %get3A_464 = tpu.vector_load %arg8[%get3A_462, %get3A_463] {strides = array<i32>} : memref<16x512xf32, #tpu.memory_space<vmem>>, vector<1x16xf32>,
        %get3A_465 = vector.shape_cast %get3A_464 : vector<1x16xf32> to vector<16xf32>
        %mul3A_466 = arith.mulf %get3A_459, %get3A_465 : vector<16xf32>
        %sub3A_467 = arith.subf %get3A_459, %mul3A_466 : vector<16xf32>
        %sub3A_468 = arith.subf %sub3A_467, %mul3A_466 : vector<16xf32>
        %abs3A_469 = math.absf %sub3A_468 : vector<16xf32>
        %neg3A_470 = arith.constant 0.000000e+00 : f32
        %neg3A_471 = vector.broadcast %neg3A_470 : f32 to vector<16xf32>
        %neg3A_472 = arith.subf %neg3A_471, %abs3A_469 : vector<16xf32>
        %exp3A_473 = math.exp %neg3A_472 : vector<16xf32>
        %max3A_474 = arith.constant 0.000000e+00 : f32
        %max3A_475 = vector.broadcast %max3A_474 : f32 to vector<16xf32>
        %max3A_476 = arith.maximumf %sub3A_468, %max3A_475 : vector<16xf32>
        %broadcast_in_dim3A_477 = arith.constant -0.0174140781 : f32
        %broadcast_in_dim3A_478 = vector.broadcast %broadcast_in_dim3A_477 : f32 to vector<16xf32>
        %mul3A_479 = arith.mulf %broadcast_in_dim3A_478, %exp3A_473 : vector<16xf32>
        %add3A_480 = arith.constant 0.0826912373 : f32
        %add3A_481 = vector.broadcast %add3A_480 : f32 to vector<16xf32>
        %add3A_482 = arith.addf %mul3A_479, %add3A_481 : vector<16xf32>
        %mul3A_483 = arith.mulf %add3A_482, %exp3A_473 : vector<16xf32>
        %add3A_484 = arith.constant -0.190354332 : f32
        %add3A_485 = vector.broadcast %add3A_484 : f32 to vector<16xf32>
        %add3A_486 = arith.addf %mul3A_483, %add3A_485 : vector<16xf32>
        %mul3A_487 = arith.mulf %add3A_486, %exp3A_473 : vector<16xf32>
        %add3A_488 = arith.constant 0.315747321 : f32
        %add3A_489 = vector.broadcast %add3A_488 : f32 to vector<16xf32>
        %add3A_490 = arith.addf %mul3A_487, %add3A_489 : vector<16xf32>
        %mul3A_491 = arith.mulf %add3A_490, %exp3A_473 : vector<16xf32>
        %add3A_492 = arith.constant -0.497373223 : f32
        %add3A_493 = vector.broadcast %add3A_492 : f32 to vector<16xf32>
        %add3A_494 = arith.addf %mul3A_491, %add3A_493 : vector<16xf32>
        %mul3A_495 = arith.mulf %add3A_494, %exp3A_473 : vector<16xf32>
        %add3A_496 = arith.constant 0.99984771 : f32
        %add3A_497 = vector.broadcast %add3A_496 : f32 to vector<16xf32>
        %add3A_498 = arith.addf %mul3A_495, %add3A_497 : vector<16xf32>
        %mul3A_499 = arith.mulf %add3A_498, %exp3A_473 : vector<16xf32>
        %add3A_500 = arith.constant 1.47206504E-6 : f32
        %add3A_501 = vector.broadcast %add3A_500 : f32 to vector<16xf32>
        %add3A_502 = arith.addf %mul3A_499, %add3A_501 : vector<16xf32>
        %add3A_503 = arith.addf %max3A_476, %add3A_502 : vector<16xf32>
        %mul3A_504 = arith.mulf %add3A_503, %get3A_465 : vector<16xf32>
        %add3A_505 = arith.addf %add3A_449, %mul3A_504 : vector<16xf32>
        %add3A_506 = arith.addf %add3A_450, %get3A_465 : vector<16xf32>
        %add3A_507 = arith.addf %add3A_451, %add3A_503 : vector<16xf32>
        %scan3A_508 = arith.constant 7 : i32
        %scan3A_509 = arith.addi %scan3A_120, %scan3A_508 : i32
        %mul3A_510 = arith.constant 16 : i32
        %mul3A_511 = arith.muli %scan3A_509, %mul3A_510 : i32
        %get3A_512 = arith.index_cast %scan3A_110 : i32 to index
        %get3A_513 = arith.index_cast %mul3A_511 : i32 to index
        %get3A_514 = tpu.vector_load %arg7[%get3A_512, %get3A_513] {strides = array<i32>} : memref<16x512xf32, #tpu.memory_space<vmem>>, vector<1x16xf32>,
        %get3A_515 = vector.shape_cast %get3A_514 : vector<1x16xf32> to vector<16xf32>
        %mul3A_516 = arith.constant 16 : i32
        %mul3A_517 = arith.muli %scan3A_509, %mul3A_516 : i32
        %get3A_518 = arith.index_cast %scan3A_110 : i32 to index
        %get3A_519 = arith.index_cast %mul3A_517 : i32 to index
        %get3A_520 = tpu.vector_load %arg8[%get3A_518, %get3A_519] {strides = array<i32>} : memref<16x512xf32, #tpu.memory_space<vmem>>, vector<1x16xf32>,
        %get3A_521 = vector.shape_cast %get3A_520 : vector<1x16xf32> to vector<16xf32>
        %mul3A_522 = arith.mulf %get3A_515, %get3A_521 : vector<16xf32>
        %sub3A_523 = arith.subf %get3A_515, %mul3A_522 : vector<16xf32>
        %sub3A_524 = arith.subf %sub3A_523, %mul3A_522 : vector<16xf32>
        %abs3A_525 = math.absf %sub3A_524 : vector<16xf32>
        %neg3A_526 = arith.constant 0.000000e+00 : f32
        %neg3A_527 = vector.broadcast %neg3A_526 : f32 to vector<16xf32>
        %neg3A_528 = arith.subf %neg3A_527, %abs3A_525 : vector<16xf32>
        %exp3A_529 = math.exp %neg3A_528 : vector<16xf32>
        %max3A_530 = arith.constant 0.000000e+00 : f32
        %max3A_531 = vector.broadcast %max3A_530 : f32 to vector<16xf32>
        %max3A_532 = arith.maximumf %sub3A_524, %max3A_531 : vector<16xf32>
        %broadcast_in_dim3A_533 = arith.constant -0.0174140781 : f32
        %broadcast_in_dim3A_534 = vector.broadcast %broadcast_in_dim3A_533 : f32 to vector<16xf32>
        %mul3A_535 = arith.mulf %broadcast_in_dim3A_534, %exp3A_529 : vector<16xf32>
        %add3A_536 = arith.constant 0.0826912373 : f32
        %add3A_537 = vector.broadcast %add3A_536 : f32 to vector<16xf32>
        %add3A_538 = arith.addf %mul3A_535, %add3A_537 : vector<16xf32>
        %mul3A_539 = arith.mulf %add3A_538, %exp3A_529 : vector<16xf32>
        %add3A_540 = arith.constant -0.190354332 : f32
        %add3A_541 = vector.broadcast %add3A_540 : f32 to vector<16xf32>
        %add3A_542 = arith.addf %mul3A_539, %add3A_541 : vector<16xf32>
        %mul3A_543 = arith.mulf %add3A_542, %exp3A_529 : vector<16xf32>
        %add3A_544 = arith.constant 0.315747321 : f32
        %add3A_545 = vector.broadcast %add3A_544 : f32 to vector<16xf32>
        %add3A_546 = arith.addf %mul3A_543, %add3A_545 : vector<16xf32>
        %mul3A_547 = arith.mulf %add3A_546, %exp3A_529 : vector<16xf32>
        %add3A_548 = arith.constant -0.497373223 : f32
        %add3A_549 = vector.broadcast %add3A_548 : f32 to vector<16xf32>
        %add3A_550 = arith.addf %mul3A_547, %add3A_549 : vector<16xf32>
        %mul3A_551 = arith.mulf %add3A_550, %exp3A_529 : vector<16xf32>
        %add3A_552 = arith.constant 0.99984771 : f32
        %add3A_553 = vector.broadcast %add3A_552 : f32 to vector<16xf32>
        %add3A_554 = arith.addf %mul3A_551, %add3A_553 : vector<16xf32>
        %mul3A_555 = arith.mulf %add3A_554, %exp3A_529 : vector<16xf32>
        %add3A_556 = arith.constant 1.47206504E-6 : f32
        %add3A_557 = vector.broadcast %add3A_556 : f32 to vector<16xf32>
        %add3A_558 = arith.addf %mul3A_555, %add3A_557 : vector<16xf32>
        %add3A_559 = arith.addf %max3A_532, %add3A_558 : vector<16xf32>
        %mul3A_560 = arith.mulf %add3A_559, %get3A_521 : vector<16xf32>
        %add3A_561 = arith.addf %add3A_505, %mul3A_560 : vector<16xf32>
        %add3A_562 = arith.addf %add3A_506, %get3A_521 : vector<16xf32>
        %add3A_563 = arith.addf %add3A_507, %add3A_559 : vector<16xf32>
        scf.yield %add3A_561, %add3A_562, %add3A_563 : vector<16xf32>, vector<16xf32>, vector<16xf32>
      }
      %scan3A_119 = arith.constant 32 : i32
      scf.yield %scan3A_118#0, %scan3A_118#1, %scan3A_118#2 : vector<16xf32>, vector<16xf32>, vector<16xf32>
    }
    %scan3A_60 = arith.constant 16 : i32
    %add3A_61 = arith.constant 48 : i32
    %add3A_62 = arith.addi %add3A_4, %add3A_61 : i32
    %dma_start3A_63 = arith.constant 0 : i32
    %dma_start3A_64 = tpu.memref_slice %arg2[%add3A_62, %dma_start3A_63] : memref<8192x512xf32, #tpu.memory_space<hbm>> -> memref<16x512xf32, #tpu.memory_space<hbm>>
    %dma_start3A_65 = arith.constant 0 : i32
    %dma_start3A_66 = tpu.memref_slice %arg2[%add3A_62, %dma_start3A_65] : memref<8192x512xf32, #tpu.memory_space<hbm>> -> memref<16x512xf32, #tpu.memory_space<hbm>>
    tpu.enqueue_dma source(%dma_start3A_66 : memref<16x512xf32, #tpu.memory_space<hbm>>) target(%arg7 : memref<16x512xf32, #tpu.memory_space<vmem>>) target_semaphore(%arg12 : memref<!tpu.dma_semaphore, #tpu.memory_space<semaphore_mem>>)
    %dma_start3A_67 = arith.constant 0 : i32
    %dma_start3A_68 = tpu.memref_slice %arg3[%add3A_62, %dma_start3A_67] : memref<8192x512xf32, #tpu.memory_space<hbm>> -> memref<16x512xf32, #tpu.memory_space<hbm>>
    %dma_start3A_69 = arith.constant 0 : i32
    %dma_start3A_70 = tpu.memref_slice %arg3[%add3A_62, %dma_start3A_69] : memref<8192x512xf32, #tpu.memory_space<hbm>> -> memref<16x512xf32, #tpu.memory_space<hbm>>
    tpu.enqueue_dma source(%dma_start3A_70 : memref<16x512xf32, #tpu.memory_space<hbm>>) target(%arg8 : memref<16x512xf32, #tpu.memory_space<vmem>>) target_semaphore(%arg13 : memref<!tpu.dma_semaphore, #tpu.memory_space<semaphore_mem>>)
    %dma_wait3A_71 = arith.constant 0 : i32
    %dma_wait3A_72 = tpu.memref_slice %arg2[%add3A_38, %dma_wait3A_71] : memref<8192x512xf32, #tpu.memory_space<hbm>> -> memref<16x512xf32, #tpu.memory_space<hbm>>
    %dma_wait3A_73 = arith.constant 0 : i32
    %dma_wait3A_74 = tpu.memref_slice %arg2[%add3A_38, %dma_wait3A_73] : memref<8192x512xf32, #tpu.memory_space<hbm>> -> memref<16x512xf32, #tpu.memory_space<hbm>>
    tpu.wait_dma2 semaphore(%arg10 : memref<!tpu.dma_semaphore, #tpu.memory_space<semaphore_mem>>) src(%dma_wait3A_74 : memref<16x512xf32, #tpu.memory_space<hbm>>) dst(%arg5 : memref<16x512xf32, #tpu.memory_space<vmem>>)
    %dma_wait3A_75 = arith.constant 0 : i32
    %dma_wait3A_76 = tpu.memref_slice %arg3[%add3A_38, %dma_wait3A_75] : memref<8192x512xf32, #tpu.memory_space<hbm>> -> memref<16x512xf32, #tpu.memory_space<hbm>>
    %dma_wait3A_77 = arith.constant 0 : i32
    %dma_wait3A_78 = tpu.memref_slice %arg3[%add3A_38, %dma_wait3A_77] : memref<8192x512xf32, #tpu.memory_space<hbm>> -> memref<16x512xf32, #tpu.memory_space<hbm>>
    tpu.wait_dma2 semaphore(%arg11 : memref<!tpu.dma_semaphore, #tpu.memory_space<semaphore_mem>>) src(%dma_wait3A_78 : memref<16x512xf32, #tpu.memory_space<hbm>>) dst(%arg6 : memref<16x512xf32, #tpu.memory_space<vmem>>)
    %scan3A_79 = arith.constant 0 : i32
    %scan3A_80 = arith.constant 16 : i32
    %scan3A_81 = arith.addi %scan3A_79, %scan3A_80 : i32
    %scan3A_82 = arith.constant 1 : i32
    %scan3A_83:3 = scf.for %scan3A_110 = %scan3A_79 to %scan3A_81 step %scan3A_82 iter_args(%scan3A_111 = %scan3A_59#0, %scan3A_112 = %scan3A_59#1, %scan3A_113 = %scan3A_59#2) -> (vector<16xf32>, vector<16xf32>, vector<16xf32>)  : i32 {
      %scan3A_114 = arith.constant 0 : i32
      %scan3A_115 = arith.constant 32 : i32
      %scan3A_116 = arith.addi %scan3A_114, %scan3A_115 : i32
      %scan3A_117 = arith.constant 8 : i32
      %scan3A_118:3 = scf.for %scan3A_120 = %scan3A_114 to %scan3A_116 step %scan3A_117 iter_args(%scan3A_121 = %scan3A_111, %scan3A_122 = %scan3A_112, %scan3A_123 = %scan3A_113) -> (vector<16xf32>, vector<16xf32>, vector<16xf32>)  : i32 {
        %mul3A_124 = arith.constant 16 : i32
        %mul3A_125 = arith.muli %scan3A_120, %mul3A_124 : i32
        %get3A = arith.index_cast %scan3A_110 : i32 to index
        %get3A_126 = arith.index_cast %mul3A_125 : i32 to index
        %get3A_127 = tpu.vector_load %arg5[%get3A, %get3A_126] {strides = array<i32>} : memref<16x512xf32, #tpu.memory_space<vmem>>, vector<1x16xf32>,
        %get3A_128 = vector.shape_cast %get3A_127 : vector<1x16xf32> to vector<16xf32>
        %mul3A_129 = arith.constant 16 : i32
        %mul3A_130 = arith.muli %scan3A_120, %mul3A_129 : i32
        %get3A_131 = arith.index_cast %scan3A_110 : i32 to index
        %get3A_132 = arith.index_cast %mul3A_130 : i32 to index
        %get3A_133 = tpu.vector_load %arg6[%get3A_131, %get3A_132] {strides = array<i32>} : memref<16x512xf32, #tpu.memory_space<vmem>>, vector<1x16xf32>,
        %get3A_134 = vector.shape_cast %get3A_133 : vector<1x16xf32> to vector<16xf32>
        %mul3A_135 = arith.mulf %get3A_128, %get3A_134 : vector<16xf32>
        %sub3A = arith.subf %get3A_128, %mul3A_135 : vector<16xf32>
        %sub3A_136 = arith.subf %sub3A, %mul3A_135 : vector<16xf32>
        %abs3A = math.absf %sub3A_136 : vector<16xf32>
        %neg3A = arith.constant 0.000000e+00 : f32
        %neg3A_137 = vector.broadcast %neg3A : f32 to vector<16xf32>
        %neg3A_138 = arith.subf %neg3A_137, %abs3A : vector<16xf32>
        %exp3A = math.exp %neg3A_138 : vector<16xf32>
        %max3A = arith.constant 0.000000e+00 : f32
        %max3A_139 = vector.broadcast %max3A : f32 to vector<16xf32>
        %max3A_140 = arith.maximumf %sub3A_136, %max3A_139 : vector<16xf32>
        %broadcast_in_dim3A_141 = arith.constant -0.0174140781 : f32
        %broadcast_in_dim3A_142 = vector.broadcast %broadcast_in_dim3A_141 : f32 to vector<16xf32>
        %mul3A_143 = arith.mulf %broadcast_in_dim3A_142, %exp3A : vector<16xf32>
        %add3A_144 = arith.constant 0.0826912373 : f32
        %add3A_145 = vector.broadcast %add3A_144 : f32 to vector<16xf32>
        %add3A_146 = arith.addf %mul3A_143, %add3A_145 : vector<16xf32>
        %mul3A_147 = arith.mulf %add3A_146, %exp3A : vector<16xf32>
        %add3A_148 = arith.constant -0.190354332 : f32
        %add3A_149 = vector.broadcast %add3A_148 : f32 to vector<16xf32>
        %add3A_150 = arith.addf %mul3A_147, %add3A_149 : vector<16xf32>
        %mul3A_151 = arith.mulf %add3A_150, %exp3A : vector<16xf32>
        %add3A_152 = arith.constant 0.315747321 : f32
        %add3A_153 = vector.broadcast %add3A_152 : f32 to vector<16xf32>
        %add3A_154 = arith.addf %mul3A_151, %add3A_153 : vector<16xf32>
        %mul3A_155 = arith.mulf %add3A_154, %exp3A : vector<16xf32>
        %add3A_156 = arith.constant -0.497373223 : f32
        %add3A_157 = vector.broadcast %add3A_156 : f32 to vector<16xf32>
        %add3A_158 = arith.addf %mul3A_155, %add3A_157 : vector<16xf32>
        %mul3A_159 = arith.mulf %add3A_158, %exp3A : vector<16xf32>
        %add3A_160 = arith.constant 0.99984771 : f32
        %add3A_161 = vector.broadcast %add3A_160 : f32 to vector<16xf32>
        %add3A_162 = arith.addf %mul3A_159, %add3A_161 : vector<16xf32>
        %mul3A_163 = arith.mulf %add3A_162, %exp3A : vector<16xf32>
        %add3A_164 = arith.constant 1.47206504E-6 : f32
        %add3A_165 = vector.broadcast %add3A_164 : f32 to vector<16xf32>
        %add3A_166 = arith.addf %mul3A_163, %add3A_165 : vector<16xf32>
        %add3A_167 = arith.addf %max3A_140, %add3A_166 : vector<16xf32>
        %mul3A_168 = arith.mulf %add3A_167, %get3A_134 : vector<16xf32>
        %add3A_169 = arith.addf %scan3A_121, %mul3A_168 : vector<16xf32>
        %add3A_170 = arith.addf %scan3A_122, %get3A_134 : vector<16xf32>
        %add3A_171 = arith.addf %scan3A_123, %add3A_167 : vector<16xf32>
        %scan3A_172 = arith.constant 1 : i32
        %scan3A_173 = arith.addi %scan3A_120, %scan3A_172 : i32
        %mul3A_174 = arith.constant 16 : i32
        %mul3A_175 = arith.muli %scan3A_173, %mul3A_174 : i32
        %get3A_176 = arith.index_cast %scan3A_110 : i32 to index
        %get3A_177 = arith.index_cast %mul3A_175 : i32 to index
        %get3A_178 = tpu.vector_load %arg5[%get3A_176, %get3A_177] {strides = array<i32>} : memref<16x512xf32, #tpu.memory_space<vmem>>, vector<1x16xf32>,
        %get3A_179 = vector.shape_cast %get3A_178 : vector<1x16xf32> to vector<16xf32>
        %mul3A_180 = arith.constant 16 : i32
        %mul3A_181 = arith.muli %scan3A_173, %mul3A_180 : i32
        %get3A_182 = arith.index_cast %scan3A_110 : i32 to index
        %get3A_183 = arith.index_cast %mul3A_181 : i32 to index
        %get3A_184 = tpu.vector_load %arg6[%get3A_182, %get3A_183] {strides = array<i32>} : memref<16x512xf32, #tpu.memory_space<vmem>>, vector<1x16xf32>,
        %get3A_185 = vector.shape_cast %get3A_184 : vector<1x16xf32> to vector<16xf32>
        %mul3A_186 = arith.mulf %get3A_179, %get3A_185 : vector<16xf32>
        %sub3A_187 = arith.subf %get3A_179, %mul3A_186 : vector<16xf32>
        %sub3A_188 = arith.subf %sub3A_187, %mul3A_186 : vector<16xf32>
        %abs3A_189 = math.absf %sub3A_188 : vector<16xf32>
        %neg3A_190 = arith.constant 0.000000e+00 : f32
        %neg3A_191 = vector.broadcast %neg3A_190 : f32 to vector<16xf32>
        %neg3A_192 = arith.subf %neg3A_191, %abs3A_189 : vector<16xf32>
        %exp3A_193 = math.exp %neg3A_192 : vector<16xf32>
        %max3A_194 = arith.constant 0.000000e+00 : f32
        %max3A_195 = vector.broadcast %max3A_194 : f32 to vector<16xf32>
        %max3A_196 = arith.maximumf %sub3A_188, %max3A_195 : vector<16xf32>
        %broadcast_in_dim3A_197 = arith.constant -0.0174140781 : f32
        %broadcast_in_dim3A_198 = vector.broadcast %broadcast_in_dim3A_197 : f32 to vector<16xf32>
        %mul3A_199 = arith.mulf %broadcast_in_dim3A_198, %exp3A_193 : vector<16xf32>
        %add3A_200 = arith.constant 0.0826912373 : f32
        %add3A_201 = vector.broadcast %add3A_200 : f32 to vector<16xf32>
        %add3A_202 = arith.addf %mul3A_199, %add3A_201 : vector<16xf32>
        %mul3A_203 = arith.mulf %add3A_202, %exp3A_193 : vector<16xf32>
        %add3A_204 = arith.constant -0.190354332 : f32
        %add3A_205 = vector.broadcast %add3A_204 : f32 to vector<16xf32>
        %add3A_206 = arith.addf %mul3A_203, %add3A_205 : vector<16xf32>
        %mul3A_207 = arith.mulf %add3A_206, %exp3A_193 : vector<16xf32>
        %add3A_208 = arith.constant 0.315747321 : f32
        %add3A_209 = vector.broadcast %add3A_208 : f32 to vector<16xf32>
        %add3A_210 = arith.addf %mul3A_207, %add3A_209 : vector<16xf32>
        %mul3A_211 = arith.mulf %add3A_210, %exp3A_193 : vector<16xf32>
        %add3A_212 = arith.constant -0.497373223 : f32
        %add3A_213 = vector.broadcast %add3A_212 : f32 to vector<16xf32>
        %add3A_214 = arith.addf %mul3A_211, %add3A_213 : vector<16xf32>
        %mul3A_215 = arith.mulf %add3A_214, %exp3A_193 : vector<16xf32>
        %add3A_216 = arith.constant 0.99984771 : f32
        %add3A_217 = vector.broadcast %add3A_216 : f32 to vector<16xf32>
        %add3A_218 = arith.addf %mul3A_215, %add3A_217 : vector<16xf32>
        %mul3A_219 = arith.mulf %add3A_218, %exp3A_193 : vector<16xf32>
        %add3A_220 = arith.constant 1.47206504E-6 : f32
        %add3A_221 = vector.broadcast %add3A_220 : f32 to vector<16xf32>
        %add3A_222 = arith.addf %mul3A_219, %add3A_221 : vector<16xf32>
        %add3A_223 = arith.addf %max3A_196, %add3A_222 : vector<16xf32>
        %mul3A_224 = arith.mulf %add3A_223, %get3A_185 : vector<16xf32>
        %add3A_225 = arith.addf %add3A_169, %mul3A_224 : vector<16xf32>
        %add3A_226 = arith.addf %add3A_170, %get3A_185 : vector<16xf32>
        %add3A_227 = arith.addf %add3A_171, %add3A_223 : vector<16xf32>
        %scan3A_228 = arith.constant 2 : i32
        %scan3A_229 = arith.addi %scan3A_120, %scan3A_228 : i32
        %mul3A_230 = arith.constant 16 : i32
        %mul3A_231 = arith.muli %scan3A_229, %mul3A_230 : i32
        %get3A_232 = arith.index_cast %scan3A_110 : i32 to index
        %get3A_233 = arith.index_cast %mul3A_231 : i32 to index
        %get3A_234 = tpu.vector_load %arg5[%get3A_232, %get3A_233] {strides = array<i32>} : memref<16x512xf32, #tpu.memory_space<vmem>>, vector<1x16xf32>,
        %get3A_235 = vector.shape_cast %get3A_234 : vector<1x16xf32> to vector<16xf32>
        %mul3A_236 = arith.constant 16 : i32
        %mul3A_237 = arith.muli %scan3A_229, %mul3A_236 : i32
        %get3A_238 = arith.index_cast %scan3A_110 : i32 to index
        %get3A_239 = arith.index_cast %mul3A_237 : i32 to index
        %get3A_240 = tpu.vector_load %arg6[%get3A_238, %get3A_239] {strides = array<i32>} : memref<16x512xf32, #tpu.memory_space<vmem>>, vector<1x16xf32>,
        %get3A_241 = vector.shape_cast %get3A_240 : vector<1x16xf32> to vector<16xf32>
        %mul3A_242 = arith.mulf %get3A_235, %get3A_241 : vector<16xf32>
        %sub3A_243 = arith.subf %get3A_235, %mul3A_242 : vector<16xf32>
        %sub3A_244 = arith.subf %sub3A_243, %mul3A_242 : vector<16xf32>
        %abs3A_245 = math.absf %sub3A_244 : vector<16xf32>
        %neg3A_246 = arith.constant 0.000000e+00 : f32
        %neg3A_247 = vector.broadcast %neg3A_246 : f32 to vector<16xf32>
        %neg3A_248 = arith.subf %neg3A_247, %abs3A_245 : vector<16xf32>
        %exp3A_249 = math.exp %neg3A_248 : vector<16xf32>
        %max3A_250 = arith.constant 0.000000e+00 : f32
        %max3A_251 = vector.broadcast %max3A_250 : f32 to vector<16xf32>
        %max3A_252 = arith.maximumf %sub3A_244, %max3A_251 : vector<16xf32>
        %broadcast_in_dim3A_253 = arith.constant -0.0174140781 : f32
        %broadcast_in_dim3A_254 = vector.broadcast %broadcast_in_dim3A_253 : f32 to vector<16xf32>
        %mul3A_255 = arith.mulf %broadcast_in_dim3A_254, %exp3A_249 : vector<16xf32>
        %add3A_256 = arith.constant 0.0826912373 : f32
        %add3A_257 = vector.broadcast %add3A_256 : f32 to vector<16xf32>
        %add3A_258 = arith.addf %mul3A_255, %add3A_257 : vector<16xf32>
        %mul3A_259 = arith.mulf %add3A_258, %exp3A_249 : vector<16xf32>
        %add3A_260 = arith.constant -0.190354332 : f32
        %add3A_261 = vector.broadcast %add3A_260 : f32 to vector<16xf32>
        %add3A_262 = arith.addf %mul3A_259, %add3A_261 : vector<16xf32>
        %mul3A_263 = arith.mulf %add3A_262, %exp3A_249 : vector<16xf32>
        %add3A_264 = arith.constant 0.315747321 : f32
        %add3A_265 = vector.broadcast %add3A_264 : f32 to vector<16xf32>
        %add3A_266 = arith.addf %mul3A_263, %add3A_265 : vector<16xf32>
        %mul3A_267 = arith.mulf %add3A_266, %exp3A_249 : vector<16xf32>
        %add3A_268 = arith.constant -0.497373223 : f32
        %add3A_269 = vector.broadcast %add3A_268 : f32 to vector<16xf32>
        %add3A_270 = arith.addf %mul3A_267, %add3A_269 : vector<16xf32>
        %mul3A_271 = arith.mulf %add3A_270, %exp3A_249 : vector<16xf32>
        %add3A_272 = arith.constant 0.99984771 : f32
        %add3A_273 = vector.broadcast %add3A_272 : f32 to vector<16xf32>
        %add3A_274 = arith.addf %mul3A_271, %add3A_273 : vector<16xf32>
        %mul3A_275 = arith.mulf %add3A_274, %exp3A_249 : vector<16xf32>
        %add3A_276 = arith.constant 1.47206504E-6 : f32
        %add3A_277 = vector.broadcast %add3A_276 : f32 to vector<16xf32>
        %add3A_278 = arith.addf %mul3A_275, %add3A_277 : vector<16xf32>
        %add3A_279 = arith.addf %max3A_252, %add3A_278 : vector<16xf32>
        %mul3A_280 = arith.mulf %add3A_279, %get3A_241 : vector<16xf32>
        %add3A_281 = arith.addf %add3A_225, %mul3A_280 : vector<16xf32>
        %add3A_282 = arith.addf %add3A_226, %get3A_241 : vector<16xf32>
        %add3A_283 = arith.addf %add3A_227, %add3A_279 : vector<16xf32>
        %scan3A_284 = arith.constant 3 : i32
        %scan3A_285 = arith.addi %scan3A_120, %scan3A_284 : i32
        %mul3A_286 = arith.constant 16 : i32
        %mul3A_287 = arith.muli %scan3A_285, %mul3A_286 : i32
        %get3A_288 = arith.index_cast %scan3A_110 : i32 to index
        %get3A_289 = arith.index_cast %mul3A_287 : i32 to index
        %get3A_290 = tpu.vector_load %arg5[%get3A_288, %get3A_289] {strides = array<i32>} : memref<16x512xf32, #tpu.memory_space<vmem>>, vector<1x16xf32>,
        %get3A_291 = vector.shape_cast %get3A_290 : vector<1x16xf32> to vector<16xf32>
        %mul3A_292 = arith.constant 16 : i32
        %mul3A_293 = arith.muli %scan3A_285, %mul3A_292 : i32
        %get3A_294 = arith.index_cast %scan3A_110 : i32 to index
        %get3A_295 = arith.index_cast %mul3A_293 : i32 to index
        %get3A_296 = tpu.vector_load %arg6[%get3A_294, %get3A_295] {strides = array<i32>} : memref<16x512xf32, #tpu.memory_space<vmem>>, vector<1x16xf32>,
        %get3A_297 = vector.shape_cast %get3A_296 : vector<1x16xf32> to vector<16xf32>
        %mul3A_298 = arith.mulf %get3A_291, %get3A_297 : vector<16xf32>
        %sub3A_299 = arith.subf %get3A_291, %mul3A_298 : vector<16xf32>
        %sub3A_300 = arith.subf %sub3A_299, %mul3A_298 : vector<16xf32>
        %abs3A_301 = math.absf %sub3A_300 : vector<16xf32>
        %neg3A_302 = arith.constant 0.000000e+00 : f32
        %neg3A_303 = vector.broadcast %neg3A_302 : f32 to vector<16xf32>
        %neg3A_304 = arith.subf %neg3A_303, %abs3A_301 : vector<16xf32>
        %exp3A_305 = math.exp %neg3A_304 : vector<16xf32>
        %max3A_306 = arith.constant 0.000000e+00 : f32
        %max3A_307 = vector.broadcast %max3A_306 : f32 to vector<16xf32>
        %max3A_308 = arith.maximumf %sub3A_300, %max3A_307 : vector<16xf32>
        %broadcast_in_dim3A_309 = arith.constant -0.0174140781 : f32
        %broadcast_in_dim3A_310 = vector.broadcast %broadcast_in_dim3A_309 : f32 to vector<16xf32>
        %mul3A_311 = arith.mulf %broadcast_in_dim3A_310, %exp3A_305 : vector<16xf32>
        %add3A_312 = arith.constant 0.0826912373 : f32
        %add3A_313 = vector.broadcast %add3A_312 : f32 to vector<16xf32>
        %add3A_314 = arith.addf %mul3A_311, %add3A_313 : vector<16xf32>
        %mul3A_315 = arith.mulf %add3A_314, %exp3A_305 : vector<16xf32>
        %add3A_316 = arith.constant -0.190354332 : f32
        %add3A_317 = vector.broadcast %add3A_316 : f32 to vector<16xf32>
        %add3A_318 = arith.addf %mul3A_315, %add3A_317 : vector<16xf32>
        %mul3A_319 = arith.mulf %add3A_318, %exp3A_305 : vector<16xf32>
        %add3A_320 = arith.constant 0.315747321 : f32
        %add3A_321 = vector.broadcast %add3A_320 : f32 to vector<16xf32>
        %add3A_322 = arith.addf %mul3A_319, %add3A_321 : vector<16xf32>
        %mul3A_323 = arith.mulf %add3A_322, %exp3A_305 : vector<16xf32>
        %add3A_324 = arith.constant -0.497373223 : f32
        %add3A_325 = vector.broadcast %add3A_324 : f32 to vector<16xf32>
        %add3A_326 = arith.addf %mul3A_323, %add3A_325 : vector<16xf32>
        %mul3A_327 = arith.mulf %add3A_326, %exp3A_305 : vector<16xf32>
        %add3A_328 = arith.constant 0.99984771 : f32
        %add3A_329 = vector.broadcast %add3A_328 : f32 to vector<16xf32>
        %add3A_330 = arith.addf %mul3A_327, %add3A_329 : vector<16xf32>
        %mul3A_331 = arith.mulf %add3A_330, %exp3A_305 : vector<16xf32>
        %add3A_332 = arith.constant 1.47206504E-6 : f32
        %add3A_333 = vector.broadcast %add3A_332 : f32 to vector<16xf32>
        %add3A_334 = arith.addf %mul3A_331, %add3A_333 : vector<16xf32>
        %add3A_335 = arith.addf %max3A_308, %add3A_334 : vector<16xf32>
        %mul3A_336 = arith.mulf %add3A_335, %get3A_297 : vector<16xf32>
        %add3A_337 = arith.addf %add3A_281, %mul3A_336 : vector<16xf32>
        %add3A_338 = arith.addf %add3A_282, %get3A_297 : vector<16xf32>
        %add3A_339 = arith.addf %add3A_283, %add3A_335 : vector<16xf32>
        %scan3A_340 = arith.constant 4 : i32
        %scan3A_341 = arith.addi %scan3A_120, %scan3A_340 : i32
        %mul3A_342 = arith.constant 16 : i32
        %mul3A_343 = arith.muli %scan3A_341, %mul3A_342 : i32
        %get3A_344 = arith.index_cast %scan3A_110 : i32 to index
        %get3A_345 = arith.index_cast %mul3A_343 : i32 to index
        %get3A_346 = tpu.vector_load %arg5[%get3A_344, %get3A_345] {strides = array<i32>} : memref<16x512xf32, #tpu.memory_space<vmem>>, vector<1x16xf32>,
        %get3A_347 = vector.shape_cast %get3A_346 : vector<1x16xf32> to vector<16xf32>
        %mul3A_348 = arith.constant 16 : i32
        %mul3A_349 = arith.muli %scan3A_341, %mul3A_348 : i32
        %get3A_350 = arith.index_cast %scan3A_110 : i32 to index
        %get3A_351 = arith.index_cast %mul3A_349 : i32 to index
        %get3A_352 = tpu.vector_load %arg6[%get3A_350, %get3A_351] {strides = array<i32>} : memref<16x512xf32, #tpu.memory_space<vmem>>, vector<1x16xf32>,
        %get3A_353 = vector.shape_cast %get3A_352 : vector<1x16xf32> to vector<16xf32>
        %mul3A_354 = arith.mulf %get3A_347, %get3A_353 : vector<16xf32>
        %sub3A_355 = arith.subf %get3A_347, %mul3A_354 : vector<16xf32>
        %sub3A_356 = arith.subf %sub3A_355, %mul3A_354 : vector<16xf32>
        %abs3A_357 = math.absf %sub3A_356 : vector<16xf32>
        %neg3A_358 = arith.constant 0.000000e+00 : f32
        %neg3A_359 = vector.broadcast %neg3A_358 : f32 to vector<16xf32>
        %neg3A_360 = arith.subf %neg3A_359, %abs3A_357 : vector<16xf32>
        %exp3A_361 = math.exp %neg3A_360 : vector<16xf32>
        %max3A_362 = arith.constant 0.000000e+00 : f32
        %max3A_363 = vector.broadcast %max3A_362 : f32 to vector<16xf32>
        %max3A_364 = arith.maximumf %sub3A_356, %max3A_363 : vector<16xf32>
        %broadcast_in_dim3A_365 = arith.constant -0.0174140781 : f32
        %broadcast_in_dim3A_366 = vector.broadcast %broadcast_in_dim3A_365 : f32 to vector<16xf32>
        %mul3A_367 = arith.mulf %broadcast_in_dim3A_366, %exp3A_361 : vector<16xf32>
        %add3A_368 = arith.constant 0.0826912373 : f32
        %add3A_369 = vector.broadcast %add3A_368 : f32 to vector<16xf32>
        %add3A_370 = arith.addf %mul3A_367, %add3A_369 : vector<16xf32>
        %mul3A_371 = arith.mulf %add3A_370, %exp3A_361 : vector<16xf32>
        %add3A_372 = arith.constant -0.190354332 : f32
        %add3A_373 = vector.broadcast %add3A_372 : f32 to vector<16xf32>
        %add3A_374 = arith.addf %mul3A_371, %add3A_373 : vector<16xf32>
        %mul3A_375 = arith.mulf %add3A_374, %exp3A_361 : vector<16xf32>
        %add3A_376 = arith.constant 0.315747321 : f32
        %add3A_377 = vector.broadcast %add3A_376 : f32 to vector<16xf32>
        %add3A_378 = arith.addf %mul3A_375, %add3A_377 : vector<16xf32>
        %mul3A_379 = arith.mulf %add3A_378, %exp3A_361 : vector<16xf32>
        %add3A_380 = arith.constant -0.497373223 : f32
        %add3A_381 = vector.broadcast %add3A_380 : f32 to vector<16xf32>
        %add3A_382 = arith.addf %mul3A_379, %add3A_381 : vector<16xf32>
        %mul3A_383 = arith.mulf %add3A_382, %exp3A_361 : vector<16xf32>
        %add3A_384 = arith.constant 0.99984771 : f32
        %add3A_385 = vector.broadcast %add3A_384 : f32 to vector<16xf32>
        %add3A_386 = arith.addf %mul3A_383, %add3A_385 : vector<16xf32>
        %mul3A_387 = arith.mulf %add3A_386, %exp3A_361 : vector<16xf32>
        %add3A_388 = arith.constant 1.47206504E-6 : f32
        %add3A_389 = vector.broadcast %add3A_388 : f32 to vector<16xf32>
        %add3A_390 = arith.addf %mul3A_387, %add3A_389 : vector<16xf32>
        %add3A_391 = arith.addf %max3A_364, %add3A_390 : vector<16xf32>
        %mul3A_392 = arith.mulf %add3A_391, %get3A_353 : vector<16xf32>
        %add3A_393 = arith.addf %add3A_337, %mul3A_392 : vector<16xf32>
        %add3A_394 = arith.addf %add3A_338, %get3A_353 : vector<16xf32>
        %add3A_395 = arith.addf %add3A_339, %add3A_391 : vector<16xf32>
        %scan3A_396 = arith.constant 5 : i32
        %scan3A_397 = arith.addi %scan3A_120, %scan3A_396 : i32
        %mul3A_398 = arith.constant 16 : i32
        %mul3A_399 = arith.muli %scan3A_397, %mul3A_398 : i32
        %get3A_400 = arith.index_cast %scan3A_110 : i32 to index
        %get3A_401 = arith.index_cast %mul3A_399 : i32 to index
        %get3A_402 = tpu.vector_load %arg5[%get3A_400, %get3A_401] {strides = array<i32>} : memref<16x512xf32, #tpu.memory_space<vmem>>, vector<1x16xf32>,
        %get3A_403 = vector.shape_cast %get3A_402 : vector<1x16xf32> to vector<16xf32>
        %mul3A_404 = arith.constant 16 : i32
        %mul3A_405 = arith.muli %scan3A_397, %mul3A_404 : i32
        %get3A_406 = arith.index_cast %scan3A_110 : i32 to index
        %get3A_407 = arith.index_cast %mul3A_405 : i32 to index
        %get3A_408 = tpu.vector_load %arg6[%get3A_406, %get3A_407] {strides = array<i32>} : memref<16x512xf32, #tpu.memory_space<vmem>>, vector<1x16xf32>,
        %get3A_409 = vector.shape_cast %get3A_408 : vector<1x16xf32> to vector<16xf32>
        %mul3A_410 = arith.mulf %get3A_403, %get3A_409 : vector<16xf32>
        %sub3A_411 = arith.subf %get3A_403, %mul3A_410 : vector<16xf32>
        %sub3A_412 = arith.subf %sub3A_411, %mul3A_410 : vector<16xf32>
        %abs3A_413 = math.absf %sub3A_412 : vector<16xf32>
        %neg3A_414 = arith.constant 0.000000e+00 : f32
        %neg3A_415 = vector.broadcast %neg3A_414 : f32 to vector<16xf32>
        %neg3A_416 = arith.subf %neg3A_415, %abs3A_413 : vector<16xf32>
        %exp3A_417 = math.exp %neg3A_416 : vector<16xf32>
        %max3A_418 = arith.constant 0.000000e+00 : f32
        %max3A_419 = vector.broadcast %max3A_418 : f32 to vector<16xf32>
        %max3A_420 = arith.maximumf %sub3A_412, %max3A_419 : vector<16xf32>
        %broadcast_in_dim3A_421 = arith.constant -0.0174140781 : f32
        %broadcast_in_dim3A_422 = vector.broadcast %broadcast_in_dim3A_421 : f32 to vector<16xf32>
        %mul3A_423 = arith.mulf %broadcast_in_dim3A_422, %exp3A_417 : vector<16xf32>
        %add3A_424 = arith.constant 0.0826912373 : f32
        %add3A_425 = vector.broadcast %add3A_424 : f32 to vector<16xf32>
        %add3A_426 = arith.addf %mul3A_423, %add3A_425 : vector<16xf32>
        %mul3A_427 = arith.mulf %add3A_426, %exp3A_417 : vector<16xf32>
        %add3A_428 = arith.constant -0.190354332 : f32
        %add3A_429 = vector.broadcast %add3A_428 : f32 to vector<16xf32>
        %add3A_430 = arith.addf %mul3A_427, %add3A_429 : vector<16xf32>
        %mul3A_431 = arith.mulf %add3A_430, %exp3A_417 : vector<16xf32>
        %add3A_432 = arith.constant 0.315747321 : f32
        %add3A_433 = vector.broadcast %add3A_432 : f32 to vector<16xf32>
        %add3A_434 = arith.addf %mul3A_431, %add3A_433 : vector<16xf32>
        %mul3A_435 = arith.mulf %add3A_434, %exp3A_417 : vector<16xf32>
        %add3A_436 = arith.constant -0.497373223 : f32
        %add3A_437 = vector.broadcast %add3A_436 : f32 to vector<16xf32>
        %add3A_438 = arith.addf %mul3A_435, %add3A_437 : vector<16xf32>
        %mul3A_439 = arith.mulf %add3A_438, %exp3A_417 : vector<16xf32>
        %add3A_440 = arith.constant 0.99984771 : f32
        %add3A_441 = vector.broadcast %add3A_440 : f32 to vector<16xf32>
        %add3A_442 = arith.addf %mul3A_439, %add3A_441 : vector<16xf32>
        %mul3A_443 = arith.mulf %add3A_442, %exp3A_417 : vector<16xf32>
        %add3A_444 = arith.constant 1.47206504E-6 : f32
        %add3A_445 = vector.broadcast %add3A_444 : f32 to vector<16xf32>
        %add3A_446 = arith.addf %mul3A_443, %add3A_445 : vector<16xf32>
        %add3A_447 = arith.addf %max3A_420, %add3A_446 : vector<16xf32>
        %mul3A_448 = arith.mulf %add3A_447, %get3A_409 : vector<16xf32>
        %add3A_449 = arith.addf %add3A_393, %mul3A_448 : vector<16xf32>
        %add3A_450 = arith.addf %add3A_394, %get3A_409 : vector<16xf32>
        %add3A_451 = arith.addf %add3A_395, %add3A_447 : vector<16xf32>
        %scan3A_452 = arith.constant 6 : i32
        %scan3A_453 = arith.addi %scan3A_120, %scan3A_452 : i32
        %mul3A_454 = arith.constant 16 : i32
        %mul3A_455 = arith.muli %scan3A_453, %mul3A_454 : i32
        %get3A_456 = arith.index_cast %scan3A_110 : i32 to index
        %get3A_457 = arith.index_cast %mul3A_455 : i32 to index
        %get3A_458 = tpu.vector_load %arg5[%get3A_456, %get3A_457] {strides = array<i32>} : memref<16x512xf32, #tpu.memory_space<vmem>>, vector<1x16xf32>,
        %get3A_459 = vector.shape_cast %get3A_458 : vector<1x16xf32> to vector<16xf32>
        %mul3A_460 = arith.constant 16 : i32
        %mul3A_461 = arith.muli %scan3A_453, %mul3A_460 : i32
        %get3A_462 = arith.index_cast %scan3A_110 : i32 to index
        %get3A_463 = arith.index_cast %mul3A_461 : i32 to index
        %get3A_464 = tpu.vector_load %arg6[%get3A_462, %get3A_463] {strides = array<i32>} : memref<16x512xf32, #tpu.memory_space<vmem>>, vector<1x16xf32>,
        %get3A_465 = vector.shape_cast %get3A_464 : vector<1x16xf32> to vector<16xf32>
        %mul3A_466 = arith.mulf %get3A_459, %get3A_465 : vector<16xf32>
        %sub3A_467 = arith.subf %get3A_459, %mul3A_466 : vector<16xf32>
        %sub3A_468 = arith.subf %sub3A_467, %mul3A_466 : vector<16xf32>
        %abs3A_469 = math.absf %sub3A_468 : vector<16xf32>
        %neg3A_470 = arith.constant 0.000000e+00 : f32
        %neg3A_471 = vector.broadcast %neg3A_470 : f32 to vector<16xf32>
        %neg3A_472 = arith.subf %neg3A_471, %abs3A_469 : vector<16xf32>
        %exp3A_473 = math.exp %neg3A_472 : vector<16xf32>
        %max3A_474 = arith.constant 0.000000e+00 : f32
        %max3A_475 = vector.broadcast %max3A_474 : f32 to vector<16xf32>
        %max3A_476 = arith.maximumf %sub3A_468, %max3A_475 : vector<16xf32>
        %broadcast_in_dim3A_477 = arith.constant -0.0174140781 : f32
        %broadcast_in_dim3A_478 = vector.broadcast %broadcast_in_dim3A_477 : f32 to vector<16xf32>
        %mul3A_479 = arith.mulf %broadcast_in_dim3A_478, %exp3A_473 : vector<16xf32>
        %add3A_480 = arith.constant 0.0826912373 : f32
        %add3A_481 = vector.broadcast %add3A_480 : f32 to vector<16xf32>
        %add3A_482 = arith.addf %mul3A_479, %add3A_481 : vector<16xf32>
        %mul3A_483 = arith.mulf %add3A_482, %exp3A_473 : vector<16xf32>
        %add3A_484 = arith.constant -0.190354332 : f32
        %add3A_485 = vector.broadcast %add3A_484 : f32 to vector<16xf32>
        %add3A_486 = arith.addf %mul3A_483, %add3A_485 : vector<16xf32>
        %mul3A_487 = arith.mulf %add3A_486, %exp3A_473 : vector<16xf32>
        %add3A_488 = arith.constant 0.315747321 : f32
        %add3A_489 = vector.broadcast %add3A_488 : f32 to vector<16xf32>
        %add3A_490 = arith.addf %mul3A_487, %add3A_489 : vector<16xf32>
        %mul3A_491 = arith.mulf %add3A_490, %exp3A_473 : vector<16xf32>
        %add3A_492 = arith.constant -0.497373223 : f32
        %add3A_493 = vector.broadcast %add3A_492 : f32 to vector<16xf32>
        %add3A_494 = arith.addf %mul3A_491, %add3A_493 : vector<16xf32>
        %mul3A_495 = arith.mulf %add3A_494, %exp3A_473 : vector<16xf32>
        %add3A_496 = arith.constant 0.99984771 : f32
        %add3A_497 = vector.broadcast %add3A_496 : f32 to vector<16xf32>
        %add3A_498 = arith.addf %mul3A_495, %add3A_497 : vector<16xf32>
        %mul3A_499 = arith.mulf %add3A_498, %exp3A_473 : vector<16xf32>
        %add3A_500 = arith.constant 1.47206504E-6 : f32
        %add3A_501 = vector.broadcast %add3A_500 : f32 to vector<16xf32>
        %add3A_502 = arith.addf %mul3A_499, %add3A_501 : vector<16xf32>
        %add3A_503 = arith.addf %max3A_476, %add3A_502 : vector<16xf32>
        %mul3A_504 = arith.mulf %add3A_503, %get3A_465 : vector<16xf32>
        %add3A_505 = arith.addf %add3A_449, %mul3A_504 : vector<16xf32>
        %add3A_506 = arith.addf %add3A_450, %get3A_465 : vector<16xf32>
        %add3A_507 = arith.addf %add3A_451, %add3A_503 : vector<16xf32>
        %scan3A_508 = arith.constant 7 : i32
        %scan3A_509 = arith.addi %scan3A_120, %scan3A_508 : i32
        %mul3A_510 = arith.constant 16 : i32
        %mul3A_511 = arith.muli %scan3A_509, %mul3A_510 : i32
        %get3A_512 = arith.index_cast %scan3A_110 : i32 to index
        %get3A_513 = arith.index_cast %mul3A_511 : i32 to index
        %get3A_514 = tpu.vector_load %arg5[%get3A_512, %get3A_513] {strides = array<i32>} : memref<16x512xf32, #tpu.memory_space<vmem>>, vector<1x16xf32>,
        %get3A_515 = vector.shape_cast %get3A_514 : vector<1x16xf32> to vector<16xf32>
        %mul3A_516 = arith.constant 16 : i32
        %mul3A_517 = arith.muli %scan3A_509, %mul3A_516 : i32
        %get3A_518 = arith.index_cast %scan3A_110 : i32 to index
        %get3A_519 = arith.index_cast %mul3A_517 : i32 to index
        %get3A_520 = tpu.vector_load %arg6[%get3A_518, %get3A_519] {strides = array<i32>} : memref<16x512xf32, #tpu.memory_space<vmem>>, vector<1x16xf32>,
        %get3A_521 = vector.shape_cast %get3A_520 : vector<1x16xf32> to vector<16xf32>
        %mul3A_522 = arith.mulf %get3A_515, %get3A_521 : vector<16xf32>
        %sub3A_523 = arith.subf %get3A_515, %mul3A_522 : vector<16xf32>
        %sub3A_524 = arith.subf %sub3A_523, %mul3A_522 : vector<16xf32>
        %abs3A_525 = math.absf %sub3A_524 : vector<16xf32>
        %neg3A_526 = arith.constant 0.000000e+00 : f32
        %neg3A_527 = vector.broadcast %neg3A_526 : f32 to vector<16xf32>
        %neg3A_528 = arith.subf %neg3A_527, %abs3A_525 : vector<16xf32>
        %exp3A_529 = math.exp %neg3A_528 : vector<16xf32>
        %max3A_530 = arith.constant 0.000000e+00 : f32
        %max3A_531 = vector.broadcast %max3A_530 : f32 to vector<16xf32>
        %max3A_532 = arith.maximumf %sub3A_524, %max3A_531 : vector<16xf32>
        %broadcast_in_dim3A_533 = arith.constant -0.0174140781 : f32
        %broadcast_in_dim3A_534 = vector.broadcast %broadcast_in_dim3A_533 : f32 to vector<16xf32>
        %mul3A_535 = arith.mulf %broadcast_in_dim3A_534, %exp3A_529 : vector<16xf32>
        %add3A_536 = arith.constant 0.0826912373 : f32
        %add3A_537 = vector.broadcast %add3A_536 : f32 to vector<16xf32>
        %add3A_538 = arith.addf %mul3A_535, %add3A_537 : vector<16xf32>
        %mul3A_539 = arith.mulf %add3A_538, %exp3A_529 : vector<16xf32>
        %add3A_540 = arith.constant -0.190354332 : f32
        %add3A_541 = vector.broadcast %add3A_540 : f32 to vector<16xf32>
        %add3A_542 = arith.addf %mul3A_539, %add3A_541 : vector<16xf32>
        %mul3A_543 = arith.mulf %add3A_542, %exp3A_529 : vector<16xf32>
        %add3A_544 = arith.constant 0.315747321 : f32
        %add3A_545 = vector.broadcast %add3A_544 : f32 to vector<16xf32>
        %add3A_546 = arith.addf %mul3A_543, %add3A_545 : vector<16xf32>
        %mul3A_547 = arith.mulf %add3A_546, %exp3A_529 : vector<16xf32>
        %add3A_548 = arith.constant -0.497373223 : f32
        %add3A_549 = vector.broadcast %add3A_548 : f32 to vector<16xf32>
        %add3A_550 = arith.addf %mul3A_547, %add3A_549 : vector<16xf32>
        %mul3A_551 = arith.mulf %add3A_550, %exp3A_529 : vector<16xf32>
        %add3A_552 = arith.constant 0.99984771 : f32
        %add3A_553 = vector.broadcast %add3A_552 : f32 to vector<16xf32>
        %add3A_554 = arith.addf %mul3A_551, %add3A_553 : vector<16xf32>
        %mul3A_555 = arith.mulf %add3A_554, %exp3A_529 : vector<16xf32>
        %add3A_556 = arith.constant 1.47206504E-6 : f32
        %add3A_557 = vector.broadcast %add3A_556 : f32 to vector<16xf32>
        %add3A_558 = arith.addf %mul3A_555, %add3A_557 : vector<16xf32>
        %add3A_559 = arith.addf %max3A_532, %add3A_558 : vector<16xf32>
        %mul3A_560 = arith.mulf %add3A_559, %get3A_521 : vector<16xf32>
        %add3A_561 = arith.addf %add3A_505, %mul3A_560 : vector<16xf32>
        %add3A_562 = arith.addf %add3A_506, %get3A_521 : vector<16xf32>
        %add3A_563 = arith.addf %add3A_507, %add3A_559 : vector<16xf32>
        scf.yield %add3A_561, %add3A_562, %add3A_563 : vector<16xf32>, vector<16xf32>, vector<16xf32>
      }
      %scan3A_119 = arith.constant 32 : i32
      scf.yield %scan3A_118#0, %scan3A_118#1, %scan3A_118#2 : vector<16xf32>, vector<16xf32>, vector<16xf32>
    }
    %scan3A_84 = arith.constant 16 : i32
    %dma_wait3A_85 = arith.constant 0 : i32
    %dma_wait3A_86 = tpu.memref_slice %arg2[%add3A_62, %dma_wait3A_85] : memref<8192x512xf32, #tpu.memory_space<hbm>> -> memref<16x512xf32, #tpu.memory_space<hbm>>
    %dma_wait3A_87 = arith.constant 0 : i32
    %dma_wait3A_88 = tpu.memref_slice %arg2[%add3A_62, %dma_wait3A_87] : memref<8192x512xf32, #tpu.memory_space<hbm>> -> memref<16x512xf32, #tpu.memory_space<hbm>>
    tpu.wait_dma2 semaphore(%arg12 : memref<!tpu.dma_semaphore, #tpu.memory_space<semaphore_mem>>) src(%dma_wait3A_88 : memref<16x512xf32, #tpu.memory_space<hbm>>) dst(%arg7 : memref<16x512xf32, #tpu.memory_space<vmem>>)
    %dma_wait3A_89 = arith.constant 0 : i32
    %dma_wait3A_90 = tpu.memref_slice %arg3[%add3A_62, %dma_wait3A_89] : memref<8192x512xf32, #tpu.memory_space<hbm>> -> memref<16x512xf32, #tpu.memory_space<hbm>>
    %dma_wait3A_91 = arith.constant 0 : i32
    %dma_wait3A_92 = tpu.memref_slice %arg3[%add3A_62, %dma_wait3A_91] : memref<8192x512xf32, #tpu.memory_space<hbm>> -> memref<16x512xf32, #tpu.memory_space<hbm>>
    tpu.wait_dma2 semaphore(%arg13 : memref<!tpu.dma_semaphore, #tpu.memory_space<semaphore_mem>>) src(%dma_wait3A_92 : memref<16x512xf32, #tpu.memory_space<hbm>>) dst(%arg8 : memref<16x512xf32, #tpu.memory_space<vmem>>)
    %scan3A_93 = arith.constant 0 : i32
    %scan3A_94 = arith.constant 16 : i32
    %scan3A_95 = arith.addi %scan3A_93, %scan3A_94 : i32
    %scan3A_96 = arith.constant 1 : i32
    %scan3A_97:3 = scf.for %scan3A_110 = %scan3A_93 to %scan3A_95 step %scan3A_96 iter_args(%scan3A_111 = %scan3A_83#0, %scan3A_112 = %scan3A_83#1, %scan3A_113 = %scan3A_83#2) -> (vector<16xf32>, vector<16xf32>, vector<16xf32>)  : i32 {
      %scan3A_114 = arith.constant 0 : i32
      %scan3A_115 = arith.constant 32 : i32
      %scan3A_116 = arith.addi %scan3A_114, %scan3A_115 : i32
      %scan3A_117 = arith.constant 8 : i32
      %scan3A_118:3 = scf.for %scan3A_120 = %scan3A_114 to %scan3A_116 step %scan3A_117 iter_args(%scan3A_121 = %scan3A_111, %scan3A_122 = %scan3A_112, %scan3A_123 = %scan3A_113) -> (vector<16xf32>, vector<16xf32>, vector<16xf32>)  : i32 {
        %mul3A_124 = arith.constant 16 : i32
        %mul3A_125 = arith.muli %scan3A_120, %mul3A_124 : i32
        %get3A = arith.index_cast %scan3A_110 : i32 to index
        %get3A_126 = arith.index_cast %mul3A_125 : i32 to index
        %get3A_127 = tpu.vector_load %arg7[%get3A, %get3A_126] {strides = array<i32>} : memref<16x512xf32, #tpu.memory_space<vmem>>, vector<1x16xf32>,
        %get3A_128 = vector.shape_cast %get3A_127 : vector<1x16xf32> to vector<16xf32>
        %mul3A_129 = arith.constant 16 : i32
        %mul3A_130 = arith.muli %scan3A_120, %mul3A_129 : i32
        %get3A_131 = arith.index_cast %scan3A_110 : i32 to index
        %get3A_132 = arith.index_cast %mul3A_130 : i32 to index
        %get3A_133 = tpu.vector_load %arg8[%get3A_131, %get3A_132] {strides = array<i32>} : memref<16x512xf32, #tpu.memory_space<vmem>>, vector<1x16xf32>,
        %get3A_134 = vector.shape_cast %get3A_133 : vector<1x16xf32> to vector<16xf32>
        %mul3A_135 = arith.mulf %get3A_128, %get3A_134 : vector<16xf32>
        %sub3A = arith.subf %get3A_128, %mul3A_135 : vector<16xf32>
        %sub3A_136 = arith.subf %sub3A, %mul3A_135 : vector<16xf32>
        %abs3A = math.absf %sub3A_136 : vector<16xf32>
        %neg3A = arith.constant 0.000000e+00 : f32
        %neg3A_137 = vector.broadcast %neg3A : f32 to vector<16xf32>
        %neg3A_138 = arith.subf %neg3A_137, %abs3A : vector<16xf32>
        %exp3A = math.exp %neg3A_138 : vector<16xf32>
        %max3A = arith.constant 0.000000e+00 : f32
        %max3A_139 = vector.broadcast %max3A : f32 to vector<16xf32>
        %max3A_140 = arith.maximumf %sub3A_136, %max3A_139 : vector<16xf32>
        %broadcast_in_dim3A_141 = arith.constant -0.0174140781 : f32
        %broadcast_in_dim3A_142 = vector.broadcast %broadcast_in_dim3A_141 : f32 to vector<16xf32>
        %mul3A_143 = arith.mulf %broadcast_in_dim3A_142, %exp3A : vector<16xf32>
        %add3A_144 = arith.constant 0.0826912373 : f32
        %add3A_145 = vector.broadcast %add3A_144 : f32 to vector<16xf32>
        %add3A_146 = arith.addf %mul3A_143, %add3A_145 : vector<16xf32>
        %mul3A_147 = arith.mulf %add3A_146, %exp3A : vector<16xf32>
        %add3A_148 = arith.constant -0.190354332 : f32
        %add3A_149 = vector.broadcast %add3A_148 : f32 to vector<16xf32>
        %add3A_150 = arith.addf %mul3A_147, %add3A_149 : vector<16xf32>
        %mul3A_151 = arith.mulf %add3A_150, %exp3A : vector<16xf32>
        %add3A_152 = arith.constant 0.315747321 : f32
        %add3A_153 = vector.broadcast %add3A_152 : f32 to vector<16xf32>
        %add3A_154 = arith.addf %mul3A_151, %add3A_153 : vector<16xf32>
        %mul3A_155 = arith.mulf %add3A_154, %exp3A : vector<16xf32>
        %add3A_156 = arith.constant -0.497373223 : f32
        %add3A_157 = vector.broadcast %add3A_156 : f32 to vector<16xf32>
        %add3A_158 = arith.addf %mul3A_155, %add3A_157 : vector<16xf32>
        %mul3A_159 = arith.mulf %add3A_158, %exp3A : vector<16xf32>
        %add3A_160 = arith.constant 0.99984771 : f32
        %add3A_161 = vector.broadcast %add3A_160 : f32 to vector<16xf32>
        %add3A_162 = arith.addf %mul3A_159, %add3A_161 : vector<16xf32>
        %mul3A_163 = arith.mulf %add3A_162, %exp3A : vector<16xf32>
        %add3A_164 = arith.constant 1.47206504E-6 : f32
        %add3A_165 = vector.broadcast %add3A_164 : f32 to vector<16xf32>
        %add3A_166 = arith.addf %mul3A_163, %add3A_165 : vector<16xf32>
        %add3A_167 = arith.addf %max3A_140, %add3A_166 : vector<16xf32>
        %mul3A_168 = arith.mulf %add3A_167, %get3A_134 : vector<16xf32>
        %add3A_169 = arith.addf %scan3A_121, %mul3A_168 : vector<16xf32>
        %add3A_170 = arith.addf %scan3A_122, %get3A_134 : vector<16xf32>
        %add3A_171 = arith.addf %scan3A_123, %add3A_167 : vector<16xf32>
        %scan3A_172 = arith.constant 1 : i32
        %scan3A_173 = arith.addi %scan3A_120, %scan3A_172 : i32
        %mul3A_174 = arith.constant 16 : i32
        %mul3A_175 = arith.muli %scan3A_173, %mul3A_174 : i32
        %get3A_176 = arith.index_cast %scan3A_110 : i32 to index
        %get3A_177 = arith.index_cast %mul3A_175 : i32 to index
        %get3A_178 = tpu.vector_load %arg7[%get3A_176, %get3A_177] {strides = array<i32>} : memref<16x512xf32, #tpu.memory_space<vmem>>, vector<1x16xf32>,
        %get3A_179 = vector.shape_cast %get3A_178 : vector<1x16xf32> to vector<16xf32>
        %mul3A_180 = arith.constant 16 : i32
        %mul3A_181 = arith.muli %scan3A_173, %mul3A_180 : i32
        %get3A_182 = arith.index_cast %scan3A_110 : i32 to index
        %get3A_183 = arith.index_cast %mul3A_181 : i32 to index
        %get3A_184 = tpu.vector_load %arg8[%get3A_182, %get3A_183] {strides = array<i32>} : memref<16x512xf32, #tpu.memory_space<vmem>>, vector<1x16xf32>,
        %get3A_185 = vector.shape_cast %get3A_184 : vector<1x16xf32> to vector<16xf32>
        %mul3A_186 = arith.mulf %get3A_179, %get3A_185 : vector<16xf32>
        %sub3A_187 = arith.subf %get3A_179, %mul3A_186 : vector<16xf32>
        %sub3A_188 = arith.subf %sub3A_187, %mul3A_186 : vector<16xf32>
        %abs3A_189 = math.absf %sub3A_188 : vector<16xf32>
        %neg3A_190 = arith.constant 0.000000e+00 : f32
        %neg3A_191 = vector.broadcast %neg3A_190 : f32 to vector<16xf32>
        %neg3A_192 = arith.subf %neg3A_191, %abs3A_189 : vector<16xf32>
        %exp3A_193 = math.exp %neg3A_192 : vector<16xf32>
        %max3A_194 = arith.constant 0.000000e+00 : f32
        %max3A_195 = vector.broadcast %max3A_194 : f32 to vector<16xf32>
        %max3A_196 = arith.maximumf %sub3A_188, %max3A_195 : vector<16xf32>
        %broadcast_in_dim3A_197 = arith.constant -0.0174140781 : f32
        %broadcast_in_dim3A_198 = vector.broadcast %broadcast_in_dim3A_197 : f32 to vector<16xf32>
        %mul3A_199 = arith.mulf %broadcast_in_dim3A_198, %exp3A_193 : vector<16xf32>
        %add3A_200 = arith.constant 0.0826912373 : f32
        %add3A_201 = vector.broadcast %add3A_200 : f32 to vector<16xf32>
        %add3A_202 = arith.addf %mul3A_199, %add3A_201 : vector<16xf32>
        %mul3A_203 = arith.mulf %add3A_202, %exp3A_193 : vector<16xf32>
        %add3A_204 = arith.constant -0.190354332 : f32
        %add3A_205 = vector.broadcast %add3A_204 : f32 to vector<16xf32>
        %add3A_206 = arith.addf %mul3A_203, %add3A_205 : vector<16xf32>
        %mul3A_207 = arith.mulf %add3A_206, %exp3A_193 : vector<16xf32>
        %add3A_208 = arith.constant 0.315747321 : f32
        %add3A_209 = vector.broadcast %add3A_208 : f32 to vector<16xf32>
        %add3A_210 = arith.addf %mul3A_207, %add3A_209 : vector<16xf32>
        %mul3A_211 = arith.mulf %add3A_210, %exp3A_193 : vector<16xf32>
        %add3A_212 = arith.constant -0.497373223 : f32
        %add3A_213 = vector.broadcast %add3A_212 : f32 to vector<16xf32>
        %add3A_214 = arith.addf %mul3A_211, %add3A_213 : vector<16xf32>
        %mul3A_215 = arith.mulf %add3A_214, %exp3A_193 : vector<16xf32>
        %add3A_216 = arith.constant 0.99984771 : f32
        %add3A_217 = vector.broadcast %add3A_216 : f32 to vector<16xf32>
        %add3A_218 = arith.addf %mul3A_215, %add3A_217 : vector<16xf32>
        %mul3A_219 = arith.mulf %add3A_218, %exp3A_193 : vector<16xf32>
        %add3A_220 = arith.constant 1.47206504E-6 : f32
        %add3A_221 = vector.broadcast %add3A_220 : f32 to vector<16xf32>
        %add3A_222 = arith.addf %mul3A_219, %add3A_221 : vector<16xf32>
        %add3A_223 = arith.addf %max3A_196, %add3A_222 : vector<16xf32>
        %mul3A_224 = arith.mulf %add3A_223, %get3A_185 : vector<16xf32>
        %add3A_225 = arith.addf %add3A_169, %mul3A_224 : vector<16xf32>
        %add3A_226 = arith.addf %add3A_170, %get3A_185 : vector<16xf32>
        %add3A_227 = arith.addf %add3A_171, %add3A_223 : vector<16xf32>
        %scan3A_228 = arith.constant 2 : i32
        %scan3A_229 = arith.addi %scan3A_120, %scan3A_228 : i32
        %mul3A_230 = arith.constant 16 : i32
        %mul3A_231 = arith.muli %scan3A_229, %mul3A_230 : i32
        %get3A_232 = arith.index_cast %scan3A_110 : i32 to index
        %get3A_233 = arith.index_cast %mul3A_231 : i32 to index
        %get3A_234 = tpu.vector_load %arg7[%get3A_232, %get3A_233] {strides = array<i32>} : memref<16x512xf32, #tpu.memory_space<vmem>>, vector<1x16xf32>,
        %get3A_235 = vector.shape_cast %get3A_234 : vector<1x16xf32> to vector<16xf32>
        %mul3A_236 = arith.constant 16 : i32
        %mul3A_237 = arith.muli %scan3A_229, %mul3A_236 : i32
        %get3A_238 = arith.index_cast %scan3A_110 : i32 to index
        %get3A_239 = arith.index_cast %mul3A_237 : i32 to index
        %get3A_240 = tpu.vector_load %arg8[%get3A_238, %get3A_239] {strides = array<i32>} : memref<16x512xf32, #tpu.memory_space<vmem>>, vector<1x16xf32>,
        %get3A_241 = vector.shape_cast %get3A_240 : vector<1x16xf32> to vector<16xf32>
        %mul3A_242 = arith.mulf %get3A_235, %get3A_241 : vector<16xf32>
        %sub3A_243 = arith.subf %get3A_235, %mul3A_242 : vector<16xf32>
        %sub3A_244 = arith.subf %sub3A_243, %mul3A_242 : vector<16xf32>
        %abs3A_245 = math.absf %sub3A_244 : vector<16xf32>
        %neg3A_246 = arith.constant 0.000000e+00 : f32
        %neg3A_247 = vector.broadcast %neg3A_246 : f32 to vector<16xf32>
        %neg3A_248 = arith.subf %neg3A_247, %abs3A_245 : vector<16xf32>
        %exp3A_249 = math.exp %neg3A_248 : vector<16xf32>
        %max3A_250 = arith.constant 0.000000e+00 : f32
        %max3A_251 = vector.broadcast %max3A_250 : f32 to vector<16xf32>
        %max3A_252 = arith.maximumf %sub3A_244, %max3A_251 : vector<16xf32>
        %broadcast_in_dim3A_253 = arith.constant -0.0174140781 : f32
        %broadcast_in_dim3A_254 = vector.broadcast %broadcast_in_dim3A_253 : f32 to vector<16xf32>
        %mul3A_255 = arith.mulf %broadcast_in_dim3A_254, %exp3A_249 : vector<16xf32>
        %add3A_256 = arith.constant 0.0826912373 : f32
        %add3A_257 = vector.broadcast %add3A_256 : f32 to vector<16xf32>
        %add3A_258 = arith.addf %mul3A_255, %add3A_257 : vector<16xf32>
        %mul3A_259 = arith.mulf %add3A_258, %exp3A_249 : vector<16xf32>
        %add3A_260 = arith.constant -0.190354332 : f32
        %add3A_261 = vector.broadcast %add3A_260 : f32 to vector<16xf32>
        %add3A_262 = arith.addf %mul3A_259, %add3A_261 : vector<16xf32>
        %mul3A_263 = arith.mulf %add3A_262, %exp3A_249 : vector<16xf32>
        %add3A_264 = arith.constant 0.315747321 : f32
        %add3A_265 = vector.broadcast %add3A_264 : f32 to vector<16xf32>
        %add3A_266 = arith.addf %mul3A_263, %add3A_265 : vector<16xf32>
        %mul3A_267 = arith.mulf %add3A_266, %exp3A_249 : vector<16xf32>
        %add3A_268 = arith.constant -0.497373223 : f32
        %add3A_269 = vector.broadcast %add3A_268 : f32 to vector<16xf32>
        %add3A_270 = arith.addf %mul3A_267, %add3A_269 : vector<16xf32>
        %mul3A_271 = arith.mulf %add3A_270, %exp3A_249 : vector<16xf32>
        %add3A_272 = arith.constant 0.99984771 : f32
        %add3A_273 = vector.broadcast %add3A_272 : f32 to vector<16xf32>
        %add3A_274 = arith.addf %mul3A_271, %add3A_273 : vector<16xf32>
        %mul3A_275 = arith.mulf %add3A_274, %exp3A_249 : vector<16xf32>
        %add3A_276 = arith.constant 1.47206504E-6 : f32
        %add3A_277 = vector.broadcast %add3A_276 : f32 to vector<16xf32>
        %add3A_278 = arith.addf %mul3A_275, %add3A_277 : vector<16xf32>
        %add3A_279 = arith.addf %max3A_252, %add3A_278 : vector<16xf32>
        %mul3A_280 = arith.mulf %add3A_279, %get3A_241 : vector<16xf32>
        %add3A_281 = arith.addf %add3A_225, %mul3A_280 : vector<16xf32>
        %add3A_282 = arith.addf %add3A_226, %get3A_241 : vector<16xf32>
        %add3A_283 = arith.addf %add3A_227, %add3A_279 : vector<16xf32>
        %scan3A_284 = arith.constant 3 : i32
        %scan3A_285 = arith.addi %scan3A_120, %scan3A_284 : i32
        %mul3A_286 = arith.constant 16 : i32
        %mul3A_287 = arith.muli %scan3A_285, %mul3A_286 : i32
        %get3A_288 = arith.index_cast %scan3A_110 : i32 to index
        %get3A_289 = arith.index_cast %mul3A_287 : i32 to index
        %get3A_290 = tpu.vector_load %arg7[%get3A_288, %get3A_289] {strides = array<i32>} : memref<16x512xf32, #tpu.memory_space<vmem>>, vector<1x16xf32>,
        %get3A_291 = vector.shape_cast %get3A_290 : vector<1x16xf32> to vector<16xf32>
        %mul3A_292 = arith.constant 16 : i32
        %mul3A_293 = arith.muli %scan3A_285, %mul3A_292 : i32
        %get3A_294 = arith.index_cast %scan3A_110 : i32 to index
        %get3A_295 = arith.index_cast %mul3A_293 : i32 to index
        %get3A_296 = tpu.vector_load %arg8[%get3A_294, %get3A_295] {strides = array<i32>} : memref<16x512xf32, #tpu.memory_space<vmem>>, vector<1x16xf32>,
        %get3A_297 = vector.shape_cast %get3A_296 : vector<1x16xf32> to vector<16xf32>
        %mul3A_298 = arith.mulf %get3A_291, %get3A_297 : vector<16xf32>
        %sub3A_299 = arith.subf %get3A_291, %mul3A_298 : vector<16xf32>
        %sub3A_300 = arith.subf %sub3A_299, %mul3A_298 : vector<16xf32>
        %abs3A_301 = math.absf %sub3A_300 : vector<16xf32>
        %neg3A_302 = arith.constant 0.000000e+00 : f32
        %neg3A_303 = vector.broadcast %neg3A_302 : f32 to vector<16xf32>
        %neg3A_304 = arith.subf %neg3A_303, %abs3A_301 : vector<16xf32>
        %exp3A_305 = math.exp %neg3A_304 : vector<16xf32>
        %max3A_306 = arith.constant 0.000000e+00 : f32
        %max3A_307 = vector.broadcast %max3A_306 : f32 to vector<16xf32>
        %max3A_308 = arith.maximumf %sub3A_300, %max3A_307 : vector<16xf32>
        %broadcast_in_dim3A_309 = arith.constant -0.0174140781 : f32
        %broadcast_in_dim3A_310 = vector.broadcast %broadcast_in_dim3A_309 : f32 to vector<16xf32>
        %mul3A_311 = arith.mulf %broadcast_in_dim3A_310, %exp3A_305 : vector<16xf32>
        %add3A_312 = arith.constant 0.0826912373 : f32
        %add3A_313 = vector.broadcast %add3A_312 : f32 to vector<16xf32>
        %add3A_314 = arith.addf %mul3A_311, %add3A_313 : vector<16xf32>
        %mul3A_315 = arith.mulf %add3A_314, %exp3A_305 : vector<16xf32>
        %add3A_316 = arith.constant -0.190354332 : f32
        %add3A_317 = vector.broadcast %add3A_316 : f32 to vector<16xf32>
        %add3A_318 = arith.addf %mul3A_315, %add3A_317 : vector<16xf32>
        %mul3A_319 = arith.mulf %add3A_318, %exp3A_305 : vector<16xf32>
        %add3A_320 = arith.constant 0.315747321 : f32
        %add3A_321 = vector.broadcast %add3A_320 : f32 to vector<16xf32>
        %add3A_322 = arith.addf %mul3A_319, %add3A_321 : vector<16xf32>
        %mul3A_323 = arith.mulf %add3A_322, %exp3A_305 : vector<16xf32>
        %add3A_324 = arith.constant -0.497373223 : f32
        %add3A_325 = vector.broadcast %add3A_324 : f32 to vector<16xf32>
        %add3A_326 = arith.addf %mul3A_323, %add3A_325 : vector<16xf32>
        %mul3A_327 = arith.mulf %add3A_326, %exp3A_305 : vector<16xf32>
        %add3A_328 = arith.constant 0.99984771 : f32
        %add3A_329 = vector.broadcast %add3A_328 : f32 to vector<16xf32>
        %add3A_330 = arith.addf %mul3A_327, %add3A_329 : vector<16xf32>
        %mul3A_331 = arith.mulf %add3A_330, %exp3A_305 : vector<16xf32>
        %add3A_332 = arith.constant 1.47206504E-6 : f32
        %add3A_333 = vector.broadcast %add3A_332 : f32 to vector<16xf32>
        %add3A_334 = arith.addf %mul3A_331, %add3A_333 : vector<16xf32>
        %add3A_335 = arith.addf %max3A_308, %add3A_334 : vector<16xf32>
        %mul3A_336 = arith.mulf %add3A_335, %get3A_297 : vector<16xf32>
        %add3A_337 = arith.addf %add3A_281, %mul3A_336 : vector<16xf32>
        %add3A_338 = arith.addf %add3A_282, %get3A_297 : vector<16xf32>
        %add3A_339 = arith.addf %add3A_283, %add3A_335 : vector<16xf32>
        %scan3A_340 = arith.constant 4 : i32
        %scan3A_341 = arith.addi %scan3A_120, %scan3A_340 : i32
        %mul3A_342 = arith.constant 16 : i32
        %mul3A_343 = arith.muli %scan3A_341, %mul3A_342 : i32
        %get3A_344 = arith.index_cast %scan3A_110 : i32 to index
        %get3A_345 = arith.index_cast %mul3A_343 : i32 to index
        %get3A_346 = tpu.vector_load %arg7[%get3A_344, %get3A_345] {strides = array<i32>} : memref<16x512xf32, #tpu.memory_space<vmem>>, vector<1x16xf32>,
        %get3A_347 = vector.shape_cast %get3A_346 : vector<1x16xf32> to vector<16xf32>
        %mul3A_348 = arith.constant 16 : i32
        %mul3A_349 = arith.muli %scan3A_341, %mul3A_348 : i32
        %get3A_350 = arith.index_cast %scan3A_110 : i32 to index
        %get3A_351 = arith.index_cast %mul3A_349 : i32 to index
        %get3A_352 = tpu.vector_load %arg8[%get3A_350, %get3A_351] {strides = array<i32>} : memref<16x512xf32, #tpu.memory_space<vmem>>, vector<1x16xf32>,
        %get3A_353 = vector.shape_cast %get3A_352 : vector<1x16xf32> to vector<16xf32>
        %mul3A_354 = arith.mulf %get3A_347, %get3A_353 : vector<16xf32>
        %sub3A_355 = arith.subf %get3A_347, %mul3A_354 : vector<16xf32>
        %sub3A_356 = arith.subf %sub3A_355, %mul3A_354 : vector<16xf32>
        %abs3A_357 = math.absf %sub3A_356 : vector<16xf32>
        %neg3A_358 = arith.constant 0.000000e+00 : f32
        %neg3A_359 = vector.broadcast %neg3A_358 : f32 to vector<16xf32>
        %neg3A_360 = arith.subf %neg3A_359, %abs3A_357 : vector<16xf32>
        %exp3A_361 = math.exp %neg3A_360 : vector<16xf32>
        %max3A_362 = arith.constant 0.000000e+00 : f32
        %max3A_363 = vector.broadcast %max3A_362 : f32 to vector<16xf32>
        %max3A_364 = arith.maximumf %sub3A_356, %max3A_363 : vector<16xf32>
        %broadcast_in_dim3A_365 = arith.constant -0.0174140781 : f32
        %broadcast_in_dim3A_366 = vector.broadcast %broadcast_in_dim3A_365 : f32 to vector<16xf32>
        %mul3A_367 = arith.mulf %broadcast_in_dim3A_366, %exp3A_361 : vector<16xf32>
        %add3A_368 = arith.constant 0.0826912373 : f32
        %add3A_369 = vector.broadcast %add3A_368 : f32 to vector<16xf32>
        %add3A_370 = arith.addf %mul3A_367, %add3A_369 : vector<16xf32>
        %mul3A_371 = arith.mulf %add3A_370, %exp3A_361 : vector<16xf32>
        %add3A_372 = arith.constant -0.190354332 : f32
        %add3A_373 = vector.broadcast %add3A_372 : f32 to vector<16xf32>
        %add3A_374 = arith.addf %mul3A_371, %add3A_373 : vector<16xf32>
        %mul3A_375 = arith.mulf %add3A_374, %exp3A_361 : vector<16xf32>
        %add3A_376 = arith.constant 0.315747321 : f32
        %add3A_377 = vector.broadcast %add3A_376 : f32 to vector<16xf32>
        %add3A_378 = arith.addf %mul3A_375, %add3A_377 : vector<16xf32>
        %mul3A_379 = arith.mulf %add3A_378, %exp3A_361 : vector<16xf32>
        %add3A_380 = arith.constant -0.497373223 : f32
        %add3A_381 = vector.broadcast %add3A_380 : f32 to vector<16xf32>
        %add3A_382 = arith.addf %mul3A_379, %add3A_381 : vector<16xf32>
        %mul3A_383 = arith.mulf %add3A_382, %exp3A_361 : vector<16xf32>
        %add3A_384 = arith.constant 0.99984771 : f32
        %add3A_385 = vector.broadcast %add3A_384 : f32 to vector<16xf32>
        %add3A_386 = arith.addf %mul3A_383, %add3A_385 : vector<16xf32>
        %mul3A_387 = arith.mulf %add3A_386, %exp3A_361 : vector<16xf32>
        %add3A_388 = arith.constant 1.47206504E-6 : f32
        %add3A_389 = vector.broadcast %add3A_388 : f32 to vector<16xf32>
        %add3A_390 = arith.addf %mul3A_387, %add3A_389 : vector<16xf32>
        %add3A_391 = arith.addf %max3A_364, %add3A_390 : vector<16xf32>
        %mul3A_392 = arith.mulf %add3A_391, %get3A_353 : vector<16xf32>
        %add3A_393 = arith.addf %add3A_337, %mul3A_392 : vector<16xf32>
        %add3A_394 = arith.addf %add3A_338, %get3A_353 : vector<16xf32>
        %add3A_395 = arith.addf %add3A_339, %add3A_391 : vector<16xf32>
        %scan3A_396 = arith.constant 5 : i32
        %scan3A_397 = arith.addi %scan3A_120, %scan3A_396 : i32
        %mul3A_398 = arith.constant 16 : i32
        %mul3A_399 = arith.muli %scan3A_397, %mul3A_398 : i32
        %get3A_400 = arith.index_cast %scan3A_110 : i32 to index
        %get3A_401 = arith.index_cast %mul3A_399 : i32 to index
        %get3A_402 = tpu.vector_load %arg7[%get3A_400, %get3A_401] {strides = array<i32>} : memref<16x512xf32, #tpu.memory_space<vmem>>, vector<1x16xf32>,
        %get3A_403 = vector.shape_cast %get3A_402 : vector<1x16xf32> to vector<16xf32>
        %mul3A_404 = arith.constant 16 : i32
        %mul3A_405 = arith.muli %scan3A_397, %mul3A_404 : i32
        %get3A_406 = arith.index_cast %scan3A_110 : i32 to index
        %get3A_407 = arith.index_cast %mul3A_405 : i32 to index
        %get3A_408 = tpu.vector_load %arg8[%get3A_406, %get3A_407] {strides = array<i32>} : memref<16x512xf32, #tpu.memory_space<vmem>>, vector<1x16xf32>,
        %get3A_409 = vector.shape_cast %get3A_408 : vector<1x16xf32> to vector<16xf32>
        %mul3A_410 = arith.mulf %get3A_403, %get3A_409 : vector<16xf32>
        %sub3A_411 = arith.subf %get3A_403, %mul3A_410 : vector<16xf32>
        %sub3A_412 = arith.subf %sub3A_411, %mul3A_410 : vector<16xf32>
        %abs3A_413 = math.absf %sub3A_412 : vector<16xf32>
        %neg3A_414 = arith.constant 0.000000e+00 : f32
        %neg3A_415 = vector.broadcast %neg3A_414 : f32 to vector<16xf32>
        %neg3A_416 = arith.subf %neg3A_415, %abs3A_413 : vector<16xf32>
        %exp3A_417 = math.exp %neg3A_416 : vector<16xf32>
        %max3A_418 = arith.constant 0.000000e+00 : f32
        %max3A_419 = vector.broadcast %max3A_418 : f32 to vector<16xf32>
        %max3A_420 = arith.maximumf %sub3A_412, %max3A_419 : vector<16xf32>
        %broadcast_in_dim3A_421 = arith.constant -0.0174140781 : f32
        %broadcast_in_dim3A_422 = vector.broadcast %broadcast_in_dim3A_421 : f32 to vector<16xf32>
        %mul3A_423 = arith.mulf %broadcast_in_dim3A_422, %exp3A_417 : vector<16xf32>
        %add3A_424 = arith.constant 0.0826912373 : f32
        %add3A_425 = vector.broadcast %add3A_424 : f32 to vector<16xf32>
        %add3A_426 = arith.addf %mul3A_423, %add3A_425 : vector<16xf32>
        %mul3A_427 = arith.mulf %add3A_426, %exp3A_417 : vector<16xf32>
        %add3A_428 = arith.constant -0.190354332 : f32
        %add3A_429 = vector.broadcast %add3A_428 : f32 to vector<16xf32>
        %add3A_430 = arith.addf %mul3A_427, %add3A_429 : vector<16xf32>
        %mul3A_431 = arith.mulf %add3A_430, %exp3A_417 : vector<16xf32>
        %add3A_432 = arith.constant 0.315747321 : f32
        %add3A_433 = vector.broadcast %add3A_432 : f32 to vector<16xf32>
        %add3A_434 = arith.addf %mul3A_431, %add3A_433 : vector<16xf32>
        %mul3A_435 = arith.mulf %add3A_434, %exp3A_417 : vector<16xf32>
        %add3A_436 = arith.constant -0.497373223 : f32
        %add3A_437 = vector.broadcast %add3A_436 : f32 to vector<16xf32>
        %add3A_438 = arith.addf %mul3A_435, %add3A_437 : vector<16xf32>
        %mul3A_439 = arith.mulf %add3A_438, %exp3A_417 : vector<16xf32>
        %add3A_440 = arith.constant 0.99984771 : f32
        %add3A_441 = vector.broadcast %add3A_440 : f32 to vector<16xf32>
        %add3A_442 = arith.addf %mul3A_439, %add3A_441 : vector<16xf32>
        %mul3A_443 = arith.mulf %add3A_442, %exp3A_417 : vector<16xf32>
        %add3A_444 = arith.constant 1.47206504E-6 : f32
        %add3A_445 = vector.broadcast %add3A_444 : f32 to vector<16xf32>
        %add3A_446 = arith.addf %mul3A_443, %add3A_445 : vector<16xf32>
        %add3A_447 = arith.addf %max3A_420, %add3A_446 : vector<16xf32>
        %mul3A_448 = arith.mulf %add3A_447, %get3A_409 : vector<16xf32>
        %add3A_449 = arith.addf %add3A_393, %mul3A_448 : vector<16xf32>
        %add3A_450 = arith.addf %add3A_394, %get3A_409 : vector<16xf32>
        %add3A_451 = arith.addf %add3A_395, %add3A_447 : vector<16xf32>
        %scan3A_452 = arith.constant 6 : i32
        %scan3A_453 = arith.addi %scan3A_120, %scan3A_452 : i32
        %mul3A_454 = arith.constant 16 : i32
        %mul3A_455 = arith.muli %scan3A_453, %mul3A_454 : i32
        %get3A_456 = arith.index_cast %scan3A_110 : i32 to index
        %get3A_457 = arith.index_cast %mul3A_455 : i32 to index
        %get3A_458 = tpu.vector_load %arg7[%get3A_456, %get3A_457] {strides = array<i32>} : memref<16x512xf32, #tpu.memory_space<vmem>>, vector<1x16xf32>,
        %get3A_459 = vector.shape_cast %get3A_458 : vector<1x16xf32> to vector<16xf32>
        %mul3A_460 = arith.constant 16 : i32
        %mul3A_461 = arith.muli %scan3A_453, %mul3A_460 : i32
        %get3A_462 = arith.index_cast %scan3A_110 : i32 to index
        %get3A_463 = arith.index_cast %mul3A_461 : i32 to index
        %get3A_464 = tpu.vector_load %arg8[%get3A_462, %get3A_463] {strides = array<i32>} : memref<16x512xf32, #tpu.memory_space<vmem>>, vector<1x16xf32>,
        %get3A_465 = vector.shape_cast %get3A_464 : vector<1x16xf32> to vector<16xf32>
        %mul3A_466 = arith.mulf %get3A_459, %get3A_465 : vector<16xf32>
        %sub3A_467 = arith.subf %get3A_459, %mul3A_466 : vector<16xf32>
        %sub3A_468 = arith.subf %sub3A_467, %mul3A_466 : vector<16xf32>
        %abs3A_469 = math.absf %sub3A_468 : vector<16xf32>
        %neg3A_470 = arith.constant 0.000000e+00 : f32
        %neg3A_471 = vector.broadcast %neg3A_470 : f32 to vector<16xf32>
        %neg3A_472 = arith.subf %neg3A_471, %abs3A_469 : vector<16xf32>
        %exp3A_473 = math.exp %neg3A_472 : vector<16xf32>
        %max3A_474 = arith.constant 0.000000e+00 : f32
        %max3A_475 = vector.broadcast %max3A_474 : f32 to vector<16xf32>
        %max3A_476 = arith.maximumf %sub3A_468, %max3A_475 : vector<16xf32>
        %broadcast_in_dim3A_477 = arith.constant -0.0174140781 : f32
        %broadcast_in_dim3A_478 = vector.broadcast %broadcast_in_dim3A_477 : f32 to vector<16xf32>
        %mul3A_479 = arith.mulf %broadcast_in_dim3A_478, %exp3A_473 : vector<16xf32>
        %add3A_480 = arith.constant 0.0826912373 : f32
        %add3A_481 = vector.broadcast %add3A_480 : f32 to vector<16xf32>
        %add3A_482 = arith.addf %mul3A_479, %add3A_481 : vector<16xf32>
        %mul3A_483 = arith.mulf %add3A_482, %exp3A_473 : vector<16xf32>
        %add3A_484 = arith.constant -0.190354332 : f32
        %add3A_485 = vector.broadcast %add3A_484 : f32 to vector<16xf32>
        %add3A_486 = arith.addf %mul3A_483, %add3A_485 : vector<16xf32>
        %mul3A_487 = arith.mulf %add3A_486, %exp3A_473 : vector<16xf32>
        %add3A_488 = arith.constant 0.315747321 : f32
        %add3A_489 = vector.broadcast %add3A_488 : f32 to vector<16xf32>
        %add3A_490 = arith.addf %mul3A_487, %add3A_489 : vector<16xf32>
        %mul3A_491 = arith.mulf %add3A_490, %exp3A_473 : vector<16xf32>
        %add3A_492 = arith.constant -0.497373223 : f32
        %add3A_493 = vector.broadcast %add3A_492 : f32 to vector<16xf32>
        %add3A_494 = arith.addf %mul3A_491, %add3A_493 : vector<16xf32>
        %mul3A_495 = arith.mulf %add3A_494, %exp3A_473 : vector<16xf32>
        %add3A_496 = arith.constant 0.99984771 : f32
        %add3A_497 = vector.broadcast %add3A_496 : f32 to vector<16xf32>
        %add3A_498 = arith.addf %mul3A_495, %add3A_497 : vector<16xf32>
        %mul3A_499 = arith.mulf %add3A_498, %exp3A_473 : vector<16xf32>
        %add3A_500 = arith.constant 1.47206504E-6 : f32
        %add3A_501 = vector.broadcast %add3A_500 : f32 to vector<16xf32>
        %add3A_502 = arith.addf %mul3A_499, %add3A_501 : vector<16xf32>
        %add3A_503 = arith.addf %max3A_476, %add3A_502 : vector<16xf32>
        %mul3A_504 = arith.mulf %add3A_503, %get3A_465 : vector<16xf32>
        %add3A_505 = arith.addf %add3A_449, %mul3A_504 : vector<16xf32>
        %add3A_506 = arith.addf %add3A_450, %get3A_465 : vector<16xf32>
        %add3A_507 = arith.addf %add3A_451, %add3A_503 : vector<16xf32>
        %scan3A_508 = arith.constant 7 : i32
        %scan3A_509 = arith.addi %scan3A_120, %scan3A_508 : i32
        %mul3A_510 = arith.constant 16 : i32
        %mul3A_511 = arith.muli %scan3A_509, %mul3A_510 : i32
        %get3A_512 = arith.index_cast %scan3A_110 : i32 to index
        %get3A_513 = arith.index_cast %mul3A_511 : i32 to index
        %get3A_514 = tpu.vector_load %arg7[%get3A_512, %get3A_513] {strides = array<i32>} : memref<16x512xf32, #tpu.memory_space<vmem>>, vector<1x16xf32>,
        %get3A_515 = vector.shape_cast %get3A_514 : vector<1x16xf32> to vector<16xf32>
        %mul3A_516 = arith.constant 16 : i32
        %mul3A_517 = arith.muli %scan3A_509, %mul3A_516 : i32
        %get3A_518 = arith.index_cast %scan3A_110 : i32 to index
        %get3A_519 = arith.index_cast %mul3A_517 : i32 to index
        %get3A_520 = tpu.vector_load %arg8[%get3A_518, %get3A_519] {strides = array<i32>} : memref<16x512xf32, #tpu.memory_space<vmem>>, vector<1x16xf32>,
        %get3A_521 = vector.shape_cast %get3A_520 : vector<1x16xf32> to vector<16xf32>
        %mul3A_522 = arith.mulf %get3A_515, %get3A_521 : vector<16xf32>
        %sub3A_523 = arith.subf %get3A_515, %mul3A_522 : vector<16xf32>
        %sub3A_524 = arith.subf %sub3A_523, %mul3A_522 : vector<16xf32>
        %abs3A_525 = math.absf %sub3A_524 : vector<16xf32>
        %neg3A_526 = arith.constant 0.000000e+00 : f32
        %neg3A_527 = vector.broadcast %neg3A_526 : f32 to vector<16xf32>
        %neg3A_528 = arith.subf %neg3A_527, %abs3A_525 : vector<16xf32>
        %exp3A_529 = math.exp %neg3A_528 : vector<16xf32>
        %max3A_530 = arith.constant 0.000000e+00 : f32
        %max3A_531 = vector.broadcast %max3A_530 : f32 to vector<16xf32>
        %max3A_532 = arith.maximumf %sub3A_524, %max3A_531 : vector<16xf32>
        %broadcast_in_dim3A_533 = arith.constant -0.0174140781 : f32
        %broadcast_in_dim3A_534 = vector.broadcast %broadcast_in_dim3A_533 : f32 to vector<16xf32>
        %mul3A_535 = arith.mulf %broadcast_in_dim3A_534, %exp3A_529 : vector<16xf32>
        %add3A_536 = arith.constant 0.0826912373 : f32
        %add3A_537 = vector.broadcast %add3A_536 : f32 to vector<16xf32>
        %add3A_538 = arith.addf %mul3A_535, %add3A_537 : vector<16xf32>
        %mul3A_539 = arith.mulf %add3A_538, %exp3A_529 : vector<16xf32>
        %add3A_540 = arith.constant -0.190354332 : f32
        %add3A_541 = vector.broadcast %add3A_540 : f32 to vector<16xf32>
        %add3A_542 = arith.addf %mul3A_539, %add3A_541 : vector<16xf32>
        %mul3A_543 = arith.mulf %add3A_542, %exp3A_529 : vector<16xf32>
        %add3A_544 = arith.constant 0.315747321 : f32
        %add3A_545 = vector.broadcast %add3A_544 : f32 to vector<16xf32>
        %add3A_546 = arith.addf %mul3A_543, %add3A_545 : vector<16xf32>
        %mul3A_547 = arith.mulf %add3A_546, %exp3A_529 : vector<16xf32>
        %add3A_548 = arith.constant -0.497373223 : f32
        %add3A_549 = vector.broadcast %add3A_548 : f32 to vector<16xf32>
        %add3A_550 = arith.addf %mul3A_547, %add3A_549 : vector<16xf32>
        %mul3A_551 = arith.mulf %add3A_550, %exp3A_529 : vector<16xf32>
        %add3A_552 = arith.constant 0.99984771 : f32
        %add3A_553 = vector.broadcast %add3A_552 : f32 to vector<16xf32>
        %add3A_554 = arith.addf %mul3A_551, %add3A_553 : vector<16xf32>
        %mul3A_555 = arith.mulf %add3A_554, %exp3A_529 : vector<16xf32>
        %add3A_556 = arith.constant 1.47206504E-6 : f32
        %add3A_557 = vector.broadcast %add3A_556 : f32 to vector<16xf32>
        %add3A_558 = arith.addf %mul3A_555, %add3A_557 : vector<16xf32>
        %add3A_559 = arith.addf %max3A_532, %add3A_558 : vector<16xf32>
        %mul3A_560 = arith.mulf %add3A_559, %get3A_521 : vector<16xf32>
        %add3A_561 = arith.addf %add3A_505, %mul3A_560 : vector<16xf32>
        %add3A_562 = arith.addf %add3A_506, %get3A_521 : vector<16xf32>
        %add3A_563 = arith.addf %add3A_507, %add3A_559 : vector<16xf32>
        scf.yield %add3A_561, %add3A_562, %add3A_563 : vector<16xf32>, vector<16xf32>, vector<16xf32>
      }
      %scan3A_119 = arith.constant 32 : i32
      scf.yield %scan3A_118#0, %scan3A_118#1, %scan3A_118#2 : vector<16xf32>, vector<16xf32>, vector<16xf32>
    }
    %scan3A_98 = arith.constant 16 : i32
    %swap3A = arith.constant 0 : index
    %swap3A_99 = tpu.vector_load %arg9[%swap3A] {strides = array<i32>} : memref<48xf32, #tpu.memory_space<vmem>>, vector<16xf32>,
    %swap3A_100 = vector.shape_cast %swap3A_99 : vector<16xf32> to vector<16xf32>
    %swap3A_101 = vector.shape_cast %scan3A_97#0 : vector<16xf32> to vector<16xf32>
    tpu.vector_store %arg9[%swap3A], %swap3A_101 {strides = array<i32>} : memref<48xf32, #tpu.memory_space<vmem>>, vector<16xf32>,
    %swap3A_102 = arith.constant 16 : index
    %swap3A_103 = tpu.vector_load %arg9[%swap3A_102] {strides = array<i32>} : memref<48xf32, #tpu.memory_space<vmem>>, vector<16xf32>,
    %swap3A_104 = vector.shape_cast %swap3A_103 : vector<16xf32> to vector<16xf32>
    %swap3A_105 = vector.shape_cast %scan3A_97#1 : vector<16xf32> to vector<16xf32>
    tpu.vector_store %arg9[%swap3A_102], %swap3A_105 {strides = array<i32>} : memref<48xf32, #tpu.memory_space<vmem>>, vector<16xf32>,
    %swap3A_106 = arith.constant 32 : index
    %swap3A_107 = tpu.vector_load %arg9[%swap3A_106] {strides = array<i32>} : memref<48xf32, #tpu.memory_space<vmem>>, vector<16xf32>,
    %swap3A_108 = vector.shape_cast %swap3A_107 : vector<16xf32> to vector<16xf32>
    %swap3A_109 = vector.shape_cast %scan3A_97#2 : vector<16xf32> to vector<16xf32>
    tpu.vector_store %arg9[%swap3A_106], %swap3A_109 {strides = array<i32>} : memref<48xf32, #tpu.memory_space<vmem>>, vector<16xf32>,
    "tpu.region"() ({
      %run_scoped3A = tpu.sem_alloc : memref<!tpu.dma_semaphore, #tpu.memory_space<semaphore_mem>>
      %dma_start3A_110 = arith.constant 0 : i32
      %dma_start3A_111 = tpu.memref_slice %arg4[%add3A, %dma_start3A_110] : memref<32x48xf32, #tpu.memory_space<hbm>> -> memref<1x48xf32, #tpu.memory_space<hbm>>
      %dma_start3A_112 = tpu.memref_squeeze %dma_start3A_111 : memref<1x48xf32, #tpu.memory_space<hbm>> -> memref<48xf32, #tpu.memory_space<hbm>>
      %dma_start3A_113 = arith.constant 0 : i32
      %dma_start3A_114 = tpu.memref_slice %arg4[%add3A, %dma_start3A_113] : memref<32x48xf32, #tpu.memory_space<hbm>> -> memref<1x48xf32, #tpu.memory_space<hbm>>
      %dma_start3A_115 = tpu.memref_squeeze %dma_start3A_114 : memref<1x48xf32, #tpu.memory_space<hbm>> -> memref<48xf32, #tpu.memory_space<hbm>>
      tpu.enqueue_dma source(%arg9 : memref<48xf32, #tpu.memory_space<vmem>>) target(%dma_start3A_115 : memref<48xf32, #tpu.memory_space<hbm>>) target_semaphore(%run_scoped3A : memref<!tpu.dma_semaphore, #tpu.memory_space<semaphore_mem>>)
      %dma_wait3A_116 = arith.constant 0 : i32
      %dma_wait3A_117 = tpu.memref_slice %arg4[%add3A, %dma_wait3A_116] : memref<32x48xf32, #tpu.memory_space<hbm>> -> memref<1x48xf32, #tpu.memory_space<hbm>>
      %dma_wait3A_118 = tpu.memref_squeeze %dma_wait3A_117 : memref<1x48xf32, #tpu.memory_space<hbm>> -> memref<48xf32, #tpu.memory_space<hbm>>
      %dma_wait3A_119 = arith.constant 0 : i32
      %dma_wait3A_120 = tpu.memref_slice %arg4[%add3A, %dma_wait3A_119] : memref<32x48xf32, #tpu.memory_space<hbm>> -> memref<1x48xf32, #tpu.memory_space<hbm>>
      %dma_wait3A_121 = tpu.memref_squeeze %dma_wait3A_120 : memref<1x48xf32, #tpu.memory_space<hbm>> -> memref<48xf32, #tpu.memory_space<hbm>>
      tpu.wait_dma2 semaphore(%run_scoped3A : memref<!tpu.dma_semaphore, #tpu.memory_space<semaphore_mem>>) src(%arg9 : memref<48xf32, #tpu.memory_space<vmem>>) dst(%dma_wait3A_121 : memref<48xf32, #tpu.memory_space<hbm>>)
      tpu.yield
    }) : () -> ()
    return
  }
}

module attributes {stable_mosaic.version = 14 : i64} {
  func.func @_thresh_body(%arg0: i32, %arg1: memref<1xf32, #tpu.memory_space<smem>>, %arg2: memref<1024x512xf32, #tpu.memory_space<vmem>>, %arg3: memref<1024x512xf32, #tpu.memory_space<vmem>>, %arg4: memref<3xf32, #tpu.memory_space<smem>>) attributes {dimension_semantics = [#tpu.dimension_semantics<arbitrary>], iteration_bounds = array<i64: 8>, scalar_prefetch = 0 : i64, scratch_operands = 0 : i64, tpu.core_type = #tpu.core_type<tc>, window_params = [{transform_indices = @transform_0, window_bounds = array<i64: 1>}, {transform_indices = @transform_1, window_bounds = array<i64: 1024, 512>}, {transform_indices = @transform_2, window_bounds = array<i64: 1024, 512>}, {transform_indices = @transform_3, window_bounds = array<i64: 3>}]} {
    %get3A = arith.constant 0 : index
    %get3A_0 = memref.load %arg1[%get3A] : memref<1xf32, #tpu.memory_space<smem>>
    %get3A_1 = arith.constant 0 : index
    %get3A_2 = arith.constant 0 : index
    %get3A_3 = vector.load %arg2[%get3A_1, %get3A_2] : memref<1024x512xf32, #tpu.memory_space<vmem>>, vector<1024x512xf32>
    %get3A_4 = arith.constant 0 : index
    %get3A_5 = arith.constant 0 : index
    %get3A_6 = vector.load %arg3[%get3A_4, %get3A_5] : memref<1024x512xf32, #tpu.memory_space<vmem>>, vector<1024x512xf32>
    %max3A = arith.constant 0.000000e+00 : f32
    %max3A_7 = vector.broadcast %max3A : f32 to vector<1024x512xf32>
    %max3A_8 = arith.maximumf %get3A_3, %max3A_7 : vector<1024x512xf32>
    %mul3A = arith.mulf %get3A_3, %get3A_6 : vector<1024x512xf32>
    %sub3A = arith.subf %max3A_8, %mul3A : vector<1024x512xf32>
    %abs3A = math.absf %get3A_3 : vector<1024x512xf32>
    %neg3A = arith.constant 0.000000e+00 : f32
    %neg3A_9 = vector.broadcast %neg3A : f32 to vector<1024x512xf32>
    %neg3A_10 = arith.subf %neg3A_9, %abs3A : vector<1024x512xf32>
    %exp3A = math.exp %neg3A_10 : vector<1024x512xf32>
    %log1p3A = math.log1p %exp3A : vector<1024x512xf32>
    %add3A = arith.addf %sub3A, %log1p3A : vector<1024x512xf32>
    %eq3A = arith.constant 0.000000e+00 : f32
    %eq3A_11 = vector.broadcast %eq3A : f32 to vector<1024x512xf32>
    %eq3A_12 = arith.cmpf oeq, %get3A_6, %eq3A_11 : vector<1024x512xf32>
    %jit3A = arith.constant -1.000000e+00 : f32
    %broadcast_in_dim3A = vector.broadcast %jit3A : f32 to vector<1024x512xf32>
    %select_n3A = arith.select %eq3A_12, %add3A, %broadcast_in_dim3A : vector<1024x512xi1>, vector<1024x512xf32>
    %ge3A = vector.broadcast %get3A_0 : f32 to vector<1024x512xf32>
    %ge3A_13 = arith.cmpf oge, %select_n3A, %ge3A : vector<1024x512xf32>
    %jit3A_14 = arith.constant 1.000000e+00 : f32
    %jit3A_15 = arith.constant 0.000000e+00 : f32
    %broadcast_in_dim3A_16 = vector.broadcast %jit3A_14 : f32 to vector<1024x512xf32>
    %broadcast_in_dim3A_17 = vector.broadcast %jit3A_15 : f32 to vector<1024x512xf32>
    %select_n3A_18 = arith.select %ge3A_13, %broadcast_in_dim3A_16, %broadcast_in_dim3A_17 : vector<1024x512xi1>, vector<1024x512xf32>
    %reduce_sum3A = vector.shape_cast %select_n3A_18 : vector<1024x512xf32> to vector<1x1024x512xf32>
    %reduce_sum3A_19 = arith.constant dense<0.000000e+00> : vector<1xf32>
    %reduce_sum3A_20 = vector.multi_reduction <add>, %reduce_sum3A, %reduce_sum3A_19 [1, 2] : vector<1x1024x512xf32> to vector<1xf32>
    %reduce_sum3A_21 = vector.shape_cast %reduce_sum3A_20 : vector<1xf32> to vector<1x1x1xf32>
    %reduce_sum3A_22 = vector.extract %reduce_sum3A_21[0, 0, 0] : f32 from vector<1x1x1xf32>
    %gt3A = vector.broadcast %get3A_0 : f32 to vector<1024x512xf32>
    %gt3A_23 = arith.cmpf ogt, %select_n3A, %gt3A : vector<1024x512xf32>
    %jit3A_24 = arith.constant 1.000000e+00 : f32
    %jit3A_25 = arith.constant 0.000000e+00 : f32
    %broadcast_in_dim3A_26 = vector.broadcast %jit3A_24 : f32 to vector<1024x512xf32>
    %broadcast_in_dim3A_27 = vector.broadcast %jit3A_25 : f32 to vector<1024x512xf32>
    %select_n3A_28 = arith.select %gt3A_23, %broadcast_in_dim3A_26, %broadcast_in_dim3A_27 : vector<1024x512xi1>, vector<1024x512xf32>
    %reduce_sum3A_29 = vector.shape_cast %select_n3A_28 : vector<1024x512xf32> to vector<1x1024x512xf32>
    %reduce_sum3A_30 = arith.constant dense<0.000000e+00> : vector<1xf32>
    %reduce_sum3A_31 = vector.multi_reduction <add>, %reduce_sum3A_29, %reduce_sum3A_30 [1, 2] : vector<1x1024x512xf32> to vector<1xf32>
    %reduce_sum3A_32 = vector.shape_cast %reduce_sum3A_31 : vector<1xf32> to vector<1x1x1xf32>
    %reduce_sum3A_33 = vector.extract %reduce_sum3A_32[0, 0, 0] : f32 from vector<1x1x1xf32>
    %gt3A_34 = vector.broadcast %get3A_0 : f32 to vector<1024x512xf32>
    %gt3A_35 = arith.cmpf ogt, %select_n3A, %gt3A_34 : vector<1024x512xf32>
    %jit3A_36 = arith.constant 0.000000e+00 : f32
    %broadcast_in_dim3A_37 = vector.broadcast %jit3A_36 : f32 to vector<1024x512xf32>
    %select_n3A_38 = arith.select %gt3A_35, %add3A, %broadcast_in_dim3A_37 : vector<1024x512xi1>, vector<1024x512xf32>
    %reduce_sum3A_39 = vector.shape_cast %select_n3A_38 : vector<1024x512xf32> to vector<1x1024x512xf32>
    %reduce_sum3A_40 = arith.constant dense<0.000000e+00> : vector<1xf32>
    %reduce_sum3A_41 = vector.multi_reduction <add>, %reduce_sum3A_39, %reduce_sum3A_40 [1, 2] : vector<1x1024x512xf32> to vector<1xf32>
    %reduce_sum3A_42 = vector.shape_cast %reduce_sum3A_41 : vector<1xf32> to vector<1x1x1xf32>
    %reduce_sum3A_43 = vector.extract %reduce_sum3A_42[0, 0, 0] : f32 from vector<1x1x1xf32>
    %eq3A_44 = arith.constant 0 : i32
    %eq3A_45 = arith.cmpi eq, %arg0, %eq3A_44 : i32
    %convert_element_type3A = arith.extui %eq3A_45 : i1 to i32
    %cond3A = arith.constant 0 : i32
    %cond3A_46 = arith.cmpi ne, %convert_element_type3A, %cond3A : i32
    scf.if %cond3A_46 {
      %swap3A_61 = arith.constant 0.000000e+00 : f32
      %swap3A_62 = arith.constant 0 : index
      %swap3A_63 = memref.load %arg4[%swap3A_62] : memref<3xf32, #tpu.memory_space<smem>>
      memref.store %swap3A_61, %arg4[%swap3A_62] : memref<3xf32, #tpu.memory_space<smem>>
      %swap3A_64 = arith.constant 0.000000e+00 : f32
      %swap3A_65 = arith.constant 1 : index
      %swap3A_66 = memref.load %arg4[%swap3A_65] : memref<3xf32, #tpu.memory_space<smem>>
      memref.store %swap3A_64, %arg4[%swap3A_65] : memref<3xf32, #tpu.memory_space<smem>>
      %swap3A_67 = arith.constant 0.000000e+00 : f32
      %swap3A_68 = arith.constant 2 : index
      %swap3A_69 = memref.load %arg4[%swap3A_68] : memref<3xf32, #tpu.memory_space<smem>>
      memref.store %swap3A_67, %arg4[%swap3A_68] : memref<3xf32, #tpu.memory_space<smem>>
    } else {
    }
    %get3A_47 = arith.constant 0 : index
    %get3A_48 = memref.load %arg4[%get3A_47] : memref<3xf32, #tpu.memory_space<smem>>
    %add3A_49 = arith.addf %get3A_48, %reduce_sum3A_22 : f32
    %swap3A = arith.constant 0 : index
    %swap3A_50 = memref.load %arg4[%swap3A] : memref<3xf32, #tpu.memory_space<smem>>
    memref.store %add3A_49, %arg4[%swap3A] : memref<3xf32, #tpu.memory_space<smem>>
    %get3A_51 = arith.constant 1 : index
    %get3A_52 = memref.load %arg4[%get3A_51] : memref<3xf32, #tpu.memory_space<smem>>
    %add3A_53 = arith.addf %get3A_52, %reduce_sum3A_33 : f32
    %swap3A_54 = arith.constant 1 : index
    %swap3A_55 = memref.load %arg4[%swap3A_54] : memref<3xf32, #tpu.memory_space<smem>>
    memref.store %add3A_53, %arg4[%swap3A_54] : memref<3xf32, #tpu.memory_space<smem>>
    %get3A_56 = arith.constant 2 : index
    %get3A_57 = memref.load %arg4[%get3A_56] : memref<3xf32, #tpu.memory_space<smem>>
    %add3A_58 = arith.addf %get3A_57, %reduce_sum3A_43 : f32
    %swap3A_59 = arith.constant 2 : index
    %swap3A_60 = memref.load %arg4[%swap3A_59] : memref<3xf32, #tpu.memory_space<smem>>
    memref.store %add3A_58, %arg4[%swap3A_59] : memref<3xf32, #tpu.memory_space<smem>>
    return
  }
  func.func @transform_0(%arg0: i32) -> i32 {
    %c0_i32 = arith.constant 0 : i32
    %c0_i32_0 = arith.constant 0 : i32
    return %c0_i32 : i32
  }
  func.func @transform_1(%arg0: i32) -> (i32, i32) {
    %c0_i32 = arith.constant 0 : i32
    %c0_i32_0 = arith.constant 0 : i32
    return %arg0, %c0_i32 : i32, i32
  }
  func.func @transform_2(%arg0: i32) -> (i32, i32) {
    %c0_i32 = arith.constant 0 : i32
    %c0_i32_0 = arith.constant 0 : i32
    return %arg0, %c0_i32 : i32, i32
  }
  func.func @transform_3(%arg0: i32) -> i32 {
    %c0_i32 = arith.constant 0 : i32
    %c0_i32_0 = arith.constant 0 : i32
    return %c0_i32 : i32
  }
}

module attributes {stable_mosaic.version = 14 : i64} {
  func.func @_tc_main_body(%arg0: i32, %arg1: memref<512x512xf32, #tpu.memory_space<vmem>>, %arg2: memref<512x512xf32, #tpu.memory_space<vmem>>, %arg3: memref<3xf32, #tpu.memory_space<smem>>) attributes {dimension_semantics = [#tpu.dimension_semantics<arbitrary>], iteration_bounds = array<i64: 12>, scalar_prefetch = 0 : i64, scratch_operands = 0 : i64, tpu.core_type = #tpu.core_type<tc>, window_params = [{transform_indices = @transform_0, window_bounds = array<i64: 512, 512>}, {transform_indices = @transform_1, window_bounds = array<i64: 512, 512>}, {transform_indices = @transform_2, window_bounds = array<i64: 3>}]} {
    %get3A = arith.constant 0 : index
    %get3A_0 = arith.constant 0 : index
    %get3A_1 = vector.load %arg1[%get3A, %get3A_0] : memref<512x512xf32, #tpu.memory_space<vmem>>, vector<512x512xf32>
    %get3A_2 = arith.constant 0 : index
    %get3A_3 = arith.constant 0 : index
    %get3A_4 = vector.load %arg2[%get3A_2, %get3A_3] : memref<512x512xf32, #tpu.memory_space<vmem>>, vector<512x512xf32>
    %max3A = arith.constant 0.000000e+00 : f32
    %max3A_5 = vector.broadcast %max3A : f32 to vector<512x512xf32>
    %max3A_6 = arith.maximumf %get3A_1, %max3A_5 : vector<512x512xf32>
    %mul3A = arith.mulf %get3A_1, %get3A_4 : vector<512x512xf32>
    %sub3A = arith.subf %max3A_6, %mul3A : vector<512x512xf32>
    %abs3A = math.absf %get3A_1 : vector<512x512xf32>
    %neg3A = arith.constant 0.000000e+00 : f32
    %neg3A_7 = vector.broadcast %neg3A : f32 to vector<512x512xf32>
    %neg3A_8 = arith.subf %neg3A_7, %abs3A : vector<512x512xf32>
    %exp3A = math.exp %neg3A_8 : vector<512x512xf32>
    %log1p3A = math.log1p %exp3A : vector<512x512xf32>
    %add3A = arith.addf %sub3A, %log1p3A : vector<512x512xf32>
    %mul3A_9 = arith.mulf %add3A, %get3A_4 : vector<512x512xf32>
    %reduce_sum3A = vector.shape_cast %mul3A_9 : vector<512x512xf32> to vector<1x512x512xf32>
    %reduce_sum3A_10 = arith.constant dense<0.000000e+00> : vector<1xf32>
    %reduce_sum3A_11 = vector.multi_reduction <add>, %reduce_sum3A, %reduce_sum3A_10 [1, 2] : vector<1x512x512xf32> to vector<1xf32>
    %reduce_sum3A_12 = vector.shape_cast %reduce_sum3A_11 : vector<1xf32> to vector<1x1x1xf32>
    %reduce_sum3A_13 = vector.extract %reduce_sum3A_12[0, 0, 0] : f32 from vector<1x1x1xf32>
    %reduce_sum3A_14 = vector.shape_cast %get3A_4 : vector<512x512xf32> to vector<1x512x512xf32>
    %reduce_sum3A_15 = arith.constant dense<0.000000e+00> : vector<1xf32>
    %reduce_sum3A_16 = vector.multi_reduction <add>, %reduce_sum3A_14, %reduce_sum3A_15 [1, 2] : vector<1x512x512xf32> to vector<1xf32>
    %reduce_sum3A_17 = vector.shape_cast %reduce_sum3A_16 : vector<1xf32> to vector<1x1x1xf32>
    %reduce_sum3A_18 = vector.extract %reduce_sum3A_17[0, 0, 0] : f32 from vector<1x1x1xf32>
    %reduce_sum3A_19 = vector.shape_cast %add3A : vector<512x512xf32> to vector<1x512x512xf32>
    %reduce_sum3A_20 = arith.constant dense<0.000000e+00> : vector<1xf32>
    %reduce_sum3A_21 = vector.multi_reduction <add>, %reduce_sum3A_19, %reduce_sum3A_20 [1, 2] : vector<1x512x512xf32> to vector<1xf32>
    %reduce_sum3A_22 = vector.shape_cast %reduce_sum3A_21 : vector<1xf32> to vector<1x1x1xf32>
    %reduce_sum3A_23 = vector.extract %reduce_sum3A_22[0, 0, 0] : f32 from vector<1x1x1xf32>
    %eq3A = arith.constant 0 : i32
    %eq3A_24 = arith.cmpi eq, %arg0, %eq3A : i32
    %convert_element_type3A = arith.extui %eq3A_24 : i1 to i32
    %cond3A = arith.constant 0 : i32
    %cond3A_25 = arith.cmpi ne, %convert_element_type3A, %cond3A : i32
    scf.if %cond3A_25 {
      %swap3A_40 = arith.constant 0.000000e+00 : f32
      %swap3A_41 = arith.constant 0 : index
      %swap3A_42 = memref.load %arg3[%swap3A_41] : memref<3xf32, #tpu.memory_space<smem>>
      memref.store %swap3A_40, %arg3[%swap3A_41] : memref<3xf32, #tpu.memory_space<smem>>
      %swap3A_43 = arith.constant 0.000000e+00 : f32
      %swap3A_44 = arith.constant 1 : index
      %swap3A_45 = memref.load %arg3[%swap3A_44] : memref<3xf32, #tpu.memory_space<smem>>
      memref.store %swap3A_43, %arg3[%swap3A_44] : memref<3xf32, #tpu.memory_space<smem>>
      %swap3A_46 = arith.constant 0.000000e+00 : f32
      %swap3A_47 = arith.constant 2 : index
      %swap3A_48 = memref.load %arg3[%swap3A_47] : memref<3xf32, #tpu.memory_space<smem>>
      memref.store %swap3A_46, %arg3[%swap3A_47] : memref<3xf32, #tpu.memory_space<smem>>
    } else {
    }
    %get3A_26 = arith.constant 0 : index
    %get3A_27 = memref.load %arg3[%get3A_26] : memref<3xf32, #tpu.memory_space<smem>>
    %add3A_28 = arith.addf %get3A_27, %reduce_sum3A_13 : f32
    %swap3A = arith.constant 0 : index
    %swap3A_29 = memref.load %arg3[%swap3A] : memref<3xf32, #tpu.memory_space<smem>>
    memref.store %add3A_28, %arg3[%swap3A] : memref<3xf32, #tpu.memory_space<smem>>
    %get3A_30 = arith.constant 1 : index
    %get3A_31 = memref.load %arg3[%get3A_30] : memref<3xf32, #tpu.memory_space<smem>>
    %add3A_32 = arith.addf %get3A_31, %reduce_sum3A_18 : f32
    %swap3A_33 = arith.constant 1 : index
    %swap3A_34 = memref.load %arg3[%swap3A_33] : memref<3xf32, #tpu.memory_space<smem>>
    memref.store %add3A_32, %arg3[%swap3A_33] : memref<3xf32, #tpu.memory_space<smem>>
    %get3A_35 = arith.constant 2 : index
    %get3A_36 = memref.load %arg3[%get3A_35] : memref<3xf32, #tpu.memory_space<smem>>
    %add3A_37 = arith.addf %get3A_36, %reduce_sum3A_23 : f32
    %swap3A_38 = arith.constant 2 : index
    %swap3A_39 = memref.load %arg3[%swap3A_38] : memref<3xf32, #tpu.memory_space<smem>>
    memref.store %add3A_37, %arg3[%swap3A_38] : memref<3xf32, #tpu.memory_space<smem>>
    return
  }
  func.func @transform_0(%arg0: i32) -> (i32, i32) {
    %c0_i32 = arith.constant 0 : i32
    %c0_i32_0 = arith.constant 0 : i32
    return %arg0, %c0_i32 : i32, i32
  }
  func.func @transform_1(%arg0: i32) -> (i32, i32) {
    %c0_i32 = arith.constant 0 : i32
    %c0_i32_0 = arith.constant 0 : i32
    return %arg0, %c0_i32 : i32, i32
  }
  func.func @transform_2(%arg0: i32) -> i32 {
    %c0_i32 = arith.constant 0 : i32
    %c0_i32_0 = arith.constant 0 : i32
    return %c0_i32 : i32
  }
}

</mosaic_0001>

<sc_bundles>
// kernel: kernel.4.cloned.1.call-start
scs
__scs_entry_jumppad:
0x0: {  	(pc) =	sbr.rel $0x88, $3  }
0x1: {  	(tag) =	ssettag $0x0;
	lr =	simm.s32 $0x1  }
0x2: {  	[smem:$0x3F9F] =	sst lr;
	_ =	strace $0xD0000000  }
0x3: {  	_ = 	snop  }
0x4: {  	_ = 	snop  }
0x5: {  	_ = 	snop  }
0x6: {  	_ = 	snop  }
0x7: {  	_ = 	snop  }
__scs_overlays_trampoline_lowered:
0x8: {  	[smem:$0x3FAE] =	sst s0  }
0x9: {  	[smem:$0x3FAF] =	sst s1  }
0xa: {  	[smem:$0x3FB0] =	sst s2  }
0xb: {  	[smem:$0x3FB1] =	sst s3  }
0xc: {  	[smem:$0x3FB2] =	sst s4  }
0xd: {  	[smem:$0x3FB3] =	sst s5  }
0xe: {  	[smem:$0x3FB4] =	sst s6  }
0xf: {  	[smem:$0x3FB5] =	sst s7  }
0x10: {  	[smem:$0x3FB6] =	sst s8  }
0x11: {  	[smem:$0x3FB7] =	sst s9;
	s0 =	simm.s32 @!p0 $0x0  }
0x12: {  	s1 =	sld [smem:$0x3F9D];
	s0 =	simm.s32 @p0 $0x1  }
0x13: {  	[smem:$0x3FB8] =	sst s0;
	s0 =	simm.s32 @!p1 $0x0  }
0x14: {  	s2 =	sld [smem:$0x3F9C];
	s0 =	simm.s32 @p1 $0x1  }
0x15: {  	[smem:$0x3FB9] =	sst s0;
	s0 =	simm.s32 @!p2 $0x0  }
0x16: {  	s3 =	sld [smem:$0x3FDB];
	s0 =	simm.s32 @p2 $0x1  }
0x17: {  	s4 =	simm.s32 $0x1BF5;
	[smem:$0x3FBB] =	sst s0  }
0x18: {  	s0 =	sld [smem:$0x3F9E];
	_ =	swait.ge [sflag:s4], $0x0  }
0x19: {  	s7 =	sld [smem:$0x3F9F]  }
0x1a: {  	s8 =	sadd.s32 $0xFFFFE003, lr  }
0x1b: {  	s9 =	sadd.s32 $0xFFFFFEF7, lr;
	s5 =	simm.s32 $0xFFFFFFFF;
	p2 =	slt.u32 s8, $0xFFFFF086  }
0x1c: {  	p1 =	slt.u32 s9, $0xF7A;
	s5 =	simm.s32 @!p2 $0x0  }
0x1d: {  	s5 =	simm.s32 @p1 $0x1;
	p0 =	seq.s32 s7, s2  }
0x1e: {  	s7 =	smul.u32 @!p0 $0xF7A, s2;
	p2 =	seq.s32 @!p0 s5, $0x0  }
0x1f: {  	s9 =	smul.u32 $0xF7A, s1;
	s8 =	simm.s32 @!p0 $0x1BF5;
	p2 =	por !p2, p0  }
0x20: {  	[sflag:s8] =	ssyncset.s32 @!p0 $0xFFFFF086;
	s6 =	sadd.s32 @!p0 s3, s7;
	s7 =	simm.s32 @!p0 $0x108  }
0x21: {  	s3 =	sadd.s32 s3, s9;
	s6 =	sadd.s32 @!p0 $0x88, s6;
	s7 =	simm.s32 @p2 $0x1082  }
0x22: {  	[simem:s7], [sflag:s8] =	dma.local @!p0 [hbm:s6], $0xF7A  }
0x23: {  	s9 =	sor.u32 $0xD0000000, s2;
	s6 =	simm.s32 $0x108;
	_ =	swait.ge @!p0 [sflag:s8], $0x0  }
0x24: {  	s3 =	sadd.s32 $0x88, s3;
	s6 =	simm.s32 @!p1 $0x1082;
	[sflag:s4] =	ssyncset.s32 $0xFFFFF086  }
0x25: {  	[simem:s6], [sflag:s4] =	dma.local [hbm:s3], $0xF7A  }
0x26: {  	[smem:$0x3F9F] =	sst s1;
	(tag) =	ssettag s2;
	_ =	strace s9  }
0x27: {  	s1 =	sld [smem:$0x3FAF]  }
0x28: {  	s2 =	sld [smem:$0x3FB0]  }
0x29: {  	s4 =	sld [smem:$0x3FB2]  }
0x2a: {  	p0 =	seq.s32 s5, $0x0;
	s5 =	sld [smem:$0x3FB3]  }
0x2b: {  	s6 =	sld [smem:$0x3FB4]  }
0x2c: {  	s7 =	sld [smem:$0x3FB5]  }
0x2d: {  	s3 =	simm.s32 $0x108;
	s8 =	sld [smem:$0x3FB6]  }
0x2e: {  	s3 =	simm.s32 @!p0 $0x1082;
	s9 =	sld [smem:$0x3FB7]  }
0x2f: {  	lr =	sadd.s32 s0, s3;
	s0 =	sld [smem:$0x3FAE]  }
0x30: {  	s3 =	sld [smem:$0x3FB1]  }
0x31: {  	[smem:$0x3FBA] =	sst s10  }
0x32: {  	s10 =	sld [smem:$0x3FB8];
	_ =	sdelay $0x3  }
0x33: {  	p0 =	seq.s32 s10, $0x1;
	s10 =	sld [smem:$0x3FBA];
	_ =	sdelay $0x3  }
0x34: {  	[smem:$0x3FBA] =	sst s10  }
0x35: {  	s10 =	sld [smem:$0x3FB9];
	_ =	sdelay $0x3  }
0x36: {  	p1 =	seq.s32 s10, $0x1;
	s10 =	sld [smem:$0x3FBA];
	_ =	sdelay $0x3  }
0x37: {  	[smem:$0x3FBA] =	sst s10  }
0x38: {  	s10 =	sld [smem:$0x3FBB]  }
0x39: {  	_ = 	snop;
	(pc) =	sbr.ind lr, $3  }
0x3a: {  	_ = 	snop  }
0x3b: {  	_ = 	snop  }
0x3c: {  	p2 =	seq.s32 s10, $0x1;
	s10 =	sld [smem:$0x3FBA]  }
0x3d: {  	_ =	shalt  }
0x3e: {  	_ =	shalt  }
0x3f: {  	_ =	shalt  }
0x40: {  	_ =	shalt  }
0x41: {  	_ =	shalt  }
0x42: {  	_ =	shalt  }
0x43: {  	_ =	shalt  }
0x44: {  	_ =	shalt  }
0x45: {  	_ =	shalt  }
0x46: {  	_ =	shalt  }
0x47: {  	_ =	shalt  }
0x48: {  	_ =	shalt  }
0x49: {  	_ =	shalt  }
0x4a: {  	_ =	shalt  }
0x4b: {  	_ =	shalt  }
0x4c: {  	_ =	shalt  }
0x4d: {  	_ =	shalt  }
0x4e: {  	_ =	shalt  }
0x4f: {  	_ =	shalt  }
0x50: {  	_ =	shalt  }
0x51: {  	_ =	shalt  }
0x52: {  	_ =	shalt  }
0x53: {  	_ =	shalt  }
0x54: {  	_ =	shalt  }
0x55: {  	_ =	shalt  }
0x56: {  	_ =	shalt  }
0x57: {  	_ =	shalt  }
0x58: {  	_ =	shalt  }
0x59: {  	_ =	shalt  }
0x5a: {  	_ =	shalt  }
0x5b: {  	_ =	shalt  }
0x5c: {  	_ =	shalt  }
0x5d: {  	_ =	shalt  }
0x5e: {  	_ =	shalt  }
0x5f: {  	_ =	shalt  }
0x60: {  	_ =	shalt  }
0x61: {  	_ =	shalt  }
0x62: {  	_ =	shalt  }
0x63: {  	_ =	shalt  }
0x64: {  	_ =	shalt  }
0x65: {  	_ =	shalt  }
0x66: {  	_ =	shalt  }
0x67: {  	_ =	shalt  }
0x68: {  	_ =	shalt  }
0x69: {  	_ =	shalt  }
0x6a: {  	_ =	shalt  }
0x6b: {  	_ =	shalt  }
0x6c: {  	_ =	shalt  }
0x6d: {  	_ =	shalt  }
0x6e: {  	_ =	shalt  }
0x6f: {  	_ =	shalt  }
0x70: {  	_ =	shalt  }
0x71: {  	_ =	shalt  }
0x72: {  	_ =	shalt  }
0x73: {  	_ =	shalt  }
0x74: {  	_ =	shalt  }
0x75: {  	_ =	shalt  }
0x76: {  	_ =	shalt  }
0x77: {  	_ =	shalt  }
0x78: {  	_ =	shalt  }
0x79: {  	_ =	shalt  }
0x7a: {  	_ =	shalt  }
0x7b: {  	_ =	shalt  }
0x7c: {  	_ =	shalt  }
0x7d: {  	_ =	shalt  }
0x7e: {  	_ =	shalt  }
0x7f: {  	_ =	shalt  }
0x80: {  	_ =	shalt  }
0x81: {  	_ =	shalt  }
0x82: {  	_ =	shalt  }
0x83: {  	_ =	shalt  }
0x84: {  	_ =	shalt  }
0x85: {  	_ =	shalt  }
0x86: {  	_ =	shalt  }
0x87: {  	_ =	shalt  }
.Lfunc_end0:
.L_simem_size_0:
called_computation_lowered:
.L_overlay_start_0:
0x88: {  	s2 =	sld [smem:$0x3FD9]  }
0x89: {  	s3 =	sld [smem:$0x3FFE];
	_ =	sdelay $0x1  }
0x8a: {  	s1 =	srdreg.scid  }
0x8b: {  	s0 =	sand.u32 $0x1, s1  }
0x8c: {  	s17 =	sshll.u32 s0, $0xA;
	s2 =	sadd.s32 s3, s2  }
0x8d: {  	s2 =	sadd.s32 s2, s17  }
0x8e: {  	[smem:$0x3FC6] =	sst s2  }
0x8f: {  	_ = 	snop  }
0x90: {  	s2 =	sld [smem:$0x3FC9]  }
0x91: {  	s18 =	sld [smem:$0x3FC8];
	(tm) =	ssettm $0x1  }
0x92: {  	s4 =	sld [smem:$0x3FFB];
	_ =	sdelay $0x3  }
0x93: {  	_ =	strace s4  }
0x94: {  	s4 =	sld [smem:$0x3FFC];
	_ =	sdelay $0x3  }
0x95: {  	_ =	strace s4  }
0x96: {  	s4 =	sld [smem:$0x3FFD];
	_ =	sdelay $0x3  }
0x97: {  	_ =	strace s4  }
0x98: {  	_ =	strace $0x8FFFFFFF  }
0x99: {  	s19 =	sld [smem:$0x3FDB];
	_ =	sdelay $0x1  }
0x9a: {  	s5 =	simm.s32 $_scs_section_size  }
0x9b: {  	s6 =	simm.s32 $_size__tile_overlayer_lowered;
	s7 =	simm.s32 $_tile_overlayer_lowered  }
0x9c: {  	s22 =	simm.s32 $0x1BFF;
	s21 =	sshll.u32 s7, $0x1;
	s4 =	sadd.s32 s5, s19  }
0x9d: {  	s8 =	simm.s32 $0x0;
	s20 =	sshll.u32 s6, $0x1;
	s6 =	sadd.s32 s21, s4  }
0x9e: {  	[timem:s8], [sflag:s22] =	dma.local [hbm:s6], s20  }
0x9f: {  	_ =	swait.ge [sflag:s22], s20  }
0xa0: {  	s5 =	ssub.s32 $0x0, s20;
	[sflag:s22] =	ssyncset.done $0x0  }
0xa1: {  	[sflag:s22] =	ssyncadd.s32 s5;
	_ =	sdelay $0x1  }
0xa2: {  	s23 =	simm.s32 $0x1B8B  }
0xa3: {  	_ =	swait.ge [sflag:s23], $0x1  }
0xa4: {  	[sflag:s23] =	ssyncset.done $0x0  }
0xa5: {  	s25 =	simm.s32 $0x1B8E;
	s24 =	sld [smem:$0x3FFE];
	[sflag:s23] =	ssyncadd.s32 $0xFFFFFFFF  }
0xa6: {  	s26 =	simm.s32 $execute0_lowered;
	[smem:$0x3FD2] =	sst s25  }
0xa7: {  	s6 =	sshll.u32 s26, $0x1;
	_ =	strace $0x80000046;
	[dreg:$0x1] =	wrdreg $0xFFFFFFFF  }
0xa8: {  	s28 =	simm.s32 $_size_execute0_lowered;
	s4 =	sadd.s32 s4, s6;
	[dreg:$0x0] =	wrdreg $0x0  }
0xa9: {  	s6 =	sshll.u32 s28, $0x1;
	[dreg:$0x2] =	wrdreg s4  }
0xaa: {  	[dreg:$0x3] =	wrdreg s6  }
0xab: {  	[dreg:$0x4] =	wrdreg $0xC0  }
0xac: {  	_ =	task [dreg:s8], $0x5FFFF  }
0xad: {  	[dreg:$0x1] =	wrdreg $0xFFFFFFFF  }
0xae: {  	[dreg:$0x0] =	wrdreg $0x60  }
0xaf: {  	[dreg:$0x2] =	wrdreg s2  }
0xb0: {  	[dreg:$0x3] =	wrdreg s18  }
0xb1: {  	[dreg:$0x4] =	wrdreg s24  }
0xb2: {  	[dreg:$0x5] =	wrdreg $0x9  }
0xb3: {  	_ =	task.clear_ibuf [dreg:s8], $0x6FFFF;
	_ =	strace $0x90000046  }
0xb4: {  	s29 =	simm.s32 $0x9;
	_ =	strace $0x80000048  }
0xb5: {  	_ =	swait.ge [sflag:s29], $0x1  }
0xb6: {  	[sflag:s29] =	ssyncadd.s32 $0xFFFFFFFF  }
0xb7: {  	_ =	strace $0x90000048  }
0xb8: {  	_ =	sfence  }
0xb9: {  	s30 =	sld [smem:$0x0];
	_ =	sdelay $0x2  }
0xba: {  	s31 =	sshll.u32 s1, $0xD;
	s1 =	sshrl.u32 s1, $0x2  }
0xbb: {  	s3 =	sand.u32 $0x4000, s31;
	s1 =	sadd.s32 s1, s30  }
0xbc: {  	s0 =	sor.u32 s3, s0;
	s1 =	sshll.u32 s1, $0x11  }
0xbd: {  	s0 =	sor.u32 s1, s0  }
0xbe: {  	s0 =	sadd.s32 $0x8F2B, s0  }
0xbf: {  	[sflag:s0] =	ssyncadd.remote.s32 $0x1  }
0xc0: {  	_ =	sfence.sel $0xFFFF  }
0xc1: {  	[dreg:$0x0] =	wrdreg $0xFFFFFFFF;
	(pc) =	sbr.abs _section_cstart, $3  }
0xc2: {  	[dreg:$0x1] =	wrdreg $0xFFFFFFFF  }
0xc3: {  	_ =	task.clear_ibuf [dreg:s8], $0x2FFFF;
	_ =	strace $0x9FFFFFFF  }
0xc4: {  	(tm) =	ssettm $0x7FFFFFFF  }
0xc5: {  	_ =	shalt  }
tec
execute0_lowered:
.L_overlay_start_1:
0x0: {  	(tag) =	ssettag $0x1  }
0x1: {  	s9 =	rddreg [dreg:$0x0]  }
0x2: {  	s10 =	rddreg [dreg:$0x1]  }
0x3: {  	s3 =	rddreg [dreg:$0x2]  }
0x4: {  	s0 =	rddreg [dreg:$0x3];
	s2 =	simm.s32 $0x0;
	s4 =	srdreg.scid  }
0x5: {  	s1 =	stileid.u32;
	s15 =	simm.s32 $0x6000;
	s16 =	simm.s32 $0x1  }
0x6: {  	s17 =	simm.s32 $0x2;
	s18 =	simm.s32 $0x3;
	s19 =	simm.s32 $0x4  }
0x7: {  	s20 =	simm.s32 $0x8000;
	s21 =	simm.s32 $0x5;
	s22 =	simm.s32 $0x0  }
0x8: {  	[smem:$0x7FF] =	sst s2;
	s4 =	sand.u32 $0x1, s4;
	s5 =	sshll.u32 s1, $0x1  }
0x9: {  	_ =	strace $0x80000047;
	s5 =	sor.u32 s4, s5;
	s4 =	ssub.s32 $0x2, s4  }
0xa: {  	s6 =	sshll.u32 s5, $0x4;
	s8 =	sshll.u32 s5, $0xC;
	s30 =	sshrl.u32 s4, $0x1  }
0xb: {  	s11 =	sadd.s32 s6, s3;
	s5 =	sor.u32 $0x60000, s8;
	s12 =	ssub.s32 s4, s30  }
0xc: {  	s31 =	sor.u32 $0x60400, s8;
	s13 =	sor.u32 $0x60800, s8;
	s14 =	sor.u32 $0x60C00, s8  }
0xd: {  	s3 =	sadd.s32 s9, s5;
	s4 =	sadd.s32 s10, s5;
	s5 =	sadd.s32 s9, s31  }
0xe: {  	s6 =	sadd.s32 s10, s31;
	s7 =	sadd.s32 s9, s13;
	s8 =	sadd.s32 s10, s13  }
0xf: {  	s9 =	sadd.s32 s9, s14;
	s10 =	sadd.s32 s10, s14;
	s11 =	sadd.s32 $0x800, s11  }
0x10: {  	s12 =	smax.u32 s12, $0x1;
	s13 =	simm.s32 $0x2000;
	s14 =	simm.s32 $0x4000  }
.LBB2_1:
0x11: {  	[tilespmem:s2], [sflag:$0x1] =	stream.linear.gather [hbm4b:s3+s2], $0x2000, $0x38;
	[tilespmem:$0x8080] =	vst v63  }
0x12: {  	_ = 	snop  }
0x13: {  	[tilespmem:s13], [sflag:$0x2] =	stream.linear.gather [hbm4b:s4+s2], $0x2000, $0x38;
	[tilespmem:$0x8080] =	vst v63  }
0x14: {  	_ = 	snop  }
0x15: {  	[tilespmem:s14], [sflag:$0x3] =	stream.linear.gather [hbm4b:s5+s2], $0x2000, $0x38;
	[tilespmem:$0x8080] =	vst v63  }
0x16: {  	_ = 	snop  }
0x17: {  	[tilespmem:s15], [sflag:$0x4] =	stream.linear.gather [hbm4b:s6+s2], $0x2000, $0x38;
	[tilespmem:$0x8080] =	vst v63  }
0x18: {  	_ =	swait.ge [sflag:s16], $0x2000  }
0x19: {  	[sflag:s16] =	ssyncset.done $0x0  }
0x1a: {  	[sflag:s16] =	ssyncadd.s32 $0xFFFFE000  }
0x1b: {  	_ =	swait.ge [sflag:s17], $0x2000  }
0x1c: {  	s23 =	simm.s32 $0x0;
	[sflag:s17] =	ssyncset.done $0x0  }
0x1d: {  	v1 =	vimm.f32 $0.0e+00;
	s24 =	simm.s32 $0x0;
	v0 =	vimm.f32 $0.0e+00;
	v2 =	vimm.f32 $0.0e+00;
	s25 =	simm.s32 $0x0;
	[sflag:s17] =	ssyncadd.s32 $0xFFFFE000  }
.LBB2_2:
0x1e: {  	s26 =	sshll.u32 s24, $0x2;
	s28 =	sand.u32 $0x7, s23  }
0x1f: {  	s26 =	sand.u32 $0xFFFFC000, s26;
	s28 =	sshll.u32 s28, $0x9  }
0x20: {  	s26 =	sor.u32 s28, s26  }
0x21: {  	s26 =	sshrl.u32 s26, $0x2  }
0x22: {  	s28 =	sadd.s32 $0x2040, s26  }
0x23: {  	v3 =	vld [tilespmem:s28+$0x30]  }
0x24: {  	v13 =	vld [tilespmem:s28+$0x20]  }
0x25: {  	s26 =	sor.u32 $0x40, s26;
	v17 =	vld [tilespmem:s28+$0x0]  }
0x26: {  	v4 =	vld [tilespmem:s26+$0x20]  }
0x27: {  	v6 =	vld [tilespmem:s26+$0x30]  }
0x28: {  	v8 =	vld [tilespmem:s26+$0x10]  }
0x29: {  	v16 =	vld [tilespmem:s28+$0x10]  }
0x2a: {  	v7 =	vld [tilespmem:s28+$0xFFFFFFE0]  }
0x2b: {  	v14 =	vld [tilespmem:s26+$0xFFFFFFF0]  }
0x2c: {  	v9 =	vld [tilespmem:s28+$0xFFFFFFF0]  }
0x2d: {  	v5 =	vld [tilespmem:s28+$0xFFFFFFD0]  }
0x2e: {  	v18 =	vld [tilespmem:s26+$0x0];
	v11 =	vmul.f32 v13, v4  }
0x2f: {  	v21 =	vld [tilespmem:s26+$0xFFFFFFD0];
	v15 =	vmul.f32 v3, v6  }
0x30: {  	v22 =	vld [tilespmem:s26+$0xFFFFFFE0];
	v19 =	vmul.f32 v16, v8;
	v4 =	vsub.f32 v4, v11  }
0x31: {  	v10 =	vld [tilespmem:s28+$0xFFFFFFC0];
	v6 =	vsub.f32 v6, v15  }
0x32: {  	v23 =	vmul.f32 v9, v14;
	v12 =	vsub.f32 v4, v11;
	v4 =	vsub.f32 v8, v19;
	v8 =	vld [tilespmem:s26+$0xFFFFFFC0]  }
0x33: {  	v20 =	vsub.f32 v6, v15  }
0x34: {  	v6 =	vsub.f32 v14, v23;
	v14 =	vmul.f32 v5, v21;
	v24 =	vand.u32 $0x7FFFFFFF, v12  }
0x35: {  	v15 =	vmul.f32 v17, v18;
	v11 =	vsub.f32 v4, v19;
	v4 =	vsub.f32 $0.0e+00, v24  }
0x36: {  	v6 =	vsub.f32 v6, v23;
	v21 =	vsub.f32 v21, v14;
	v24 =	vmul.f32 v7, v22  }
0x37: {  	v18 =	vsub.f32 v18, v15;
	v4 =	vmul.f32 $1.442695020e+00, v4;
	v23 =	vmul.f32 v10, v8  }
0x38: {  	v19 =	vand.u32 $0x7FFFFFFF, v11;
	v26 =	vsub.f32 v21, v14;
	v22 =	vsub.f32 v22, v24  }
0x39: {  	v15 =	vsub.f32 v18, v15;
	(erf) = vpow2.f32 v4;
	v4 =	vsub.f32 v8, v23  }
0x3a: {  	v19 =	vsub.f32 $0.0e+00, v19;
	v14 =	vand.u32 $0x7FFFFFFF, v26;
	v22 =	vsub.f32 v22, v24  }
0x3b: {  	v18 =	vsub.f32 v4, v23;
	v4 =	vsub.f32 $0.0e+00, v14  }
0x3c: {  	v25 =	vand.u32 $0x7FFFFFFF, v20;
	v19 =	vmul.f32 $1.442695020e+00, v19;
	v14 =	vand.u32 $0x7FFFFFFF, v22  }
0x3d: {  	v21 =	vand.u32 $0x7FFFFFFF, v15;
	v14 =	vsub.f32 $0.0e+00, v14;
	v4 =	vmul.f32 $1.442695020e+00, v4  }
0x3e: {  	v21 =	vsub.f32 $0.0e+00, v21;
	(erf) = vpow2.f32 v19;
	v23 =	vand.u32 $0x7FFFFFFF, v18  }
0x3f: {  	v19 =	vsub.f32 $0.0e+00, v23;
	v14 =	vmul.f32 $1.442695020e+00, v14;
	(erf) = vpow2.f32 v4  }
0x40: {  	v8 =	vand.u32 $0x7FFFFFFF, v6;
	v23 =	vsub.f32 $0.0e+00, v25;
	v4 =	vmul.f32 $1.442695020e+00, v21  }
0x41: {  	v8 =	vsub.f32 $0.0e+00, v8;
	(erf) = vpow2.f32 v14;
	v14 =	vmul.f32 $1.442695020e+00, v19  }
0x42: {  	v19 =	vmul.f32 $1.442695020e+00, v23;
	(erf) = vpow2.f32 v4  }
0x43: {  	v8 =	vmul.f32 $1.442695020e+00, v8;
	v4 =	vadd.f32 v10, v0;
	(erf) = vpow2.f32 v14  }
0x44: {  	(erf) = vpow2.f32 v19  }
0x45: {  	v0 =	vpop (erf);
	v4 =	vadd.f32 v5, v4;
	(erf) = vpow2.f32 v8  }
0x46: {  	v8 =	vmul.f32 $1.741407810e-02, v0  }
0x47: {  	v14 =	vpop (erf);
	v4 =	vadd.f32 v7, v4  }
0x48: {  	v19 =	vmul.f32 $1.741407810e-02, v14;
	v8 =	vsub.f32 $8.269123730e-02, v8;
	v23 =	vpop (erf)  }
0x49: {  	v4 =	vadd.f32 v9, v4;
	v21 =	vmul.f32 $1.741407810e-02, v23  }
0x4a: {  	v19 =	vsub.f32 $8.269123730e-02, v19;
	v8 =	vmul.f32 v8, v0;
	v24 =	vpop (erf)  }
0x4b: {  	v4 =	vadd.f32 v17, v4;
	v25 =	vpop (erf)  }
0x4c: {  	v58 =	vmax.f32 v12, $0.0e+00;
	v19 =	vmul.f32 v19, v14;
	v8 =	vadd.f32 $-1.903543320e-01, v8;
	v28 =	vpop (erf)  }
0x4d: {  	v27 =	vmul.f32 $1.741407810e-02, v24;
	v29 =	vsub.f32 $8.269123730e-02, v21;
	v4 =	vadd.f32 v16, v4;
	v21 =	vpop (erf)  }
0x4e: {  	v30 =	vmul.f32 $1.741407810e-02, v25;
	v19 =	vadd.f32 $-1.903543320e-01, v19;
	v31 =	vmul.f32 $1.741407810e-02, v28;
	v32 =	vpop (erf)  }
0x4f: {  	v27 =	vsub.f32 $8.269123730e-02, v27;
	v29 =	vmul.f32 v29, v23;
	v33 =	vmul.f32 $1.741407810e-02, v32  }
0x50: {  	v26 =	vmax.f32 v26, $0.0e+00;
	v30 =	vsub.f32 $8.269123730e-02, v30;
	v31 =	vsub.f32 $8.269123730e-02, v31  }
0x51: {  	v27 =	vmul.f32 v27, v24;
	v29 =	vadd.f32 $-1.903543320e-01, v29;
	v33 =	vsub.f32 $8.269123730e-02, v33  }
0x52: {  	v4 =	vadd.f32 v13, v4;
	v30 =	vmul.f32 v30, v25;
	v31 =	vmul.f32 v31, v28  }
0x53: {  	v27 =	vadd.f32 $-1.903543320e-01, v27;
	v29 =	vmul.f32 v29, v23;
	v33 =	vmul.f32 v33, v32  }
0x54: {  	v8 =	vmul.f32 v8, v0;
	v30 =	vadd.f32 $-1.903543320e-01, v30;
	v31 =	vadd.f32 $-1.903543320e-01, v31  }
0x55: {  	v27 =	vmul.f32 v27, v24;
	v29 =	vadd.f32 $3.157473210e-01, v29;
	v33 =	vadd.f32 $-1.903543320e-01, v33  }
0x56: {  	v34 =	vadd.f32 $3.157473210e-01, v8;
	v8 =	vmul.f32 v30, v25;
	v30 =	vmul.f32 v31, v28  }
0x57: {  	v27 =	vadd.f32 $3.157473210e-01, v27;
	v29 =	vmul.f32 v29, v23;
	v31 =	vmul.f32 v33, v32  }
0x58: {  	v19 =	vmul.f32 v19, v14;
	v8 =	vadd.f32 $3.157473210e-01, v8;
	v30 =	vadd.f32 $3.157473210e-01, v30  }
0x59: {  	v27 =	vmul.f32 v27, v24;
	v29 =	vadd.f32 $-4.973732230e-01, v29;
	v31 =	vadd.f32 $3.157473210e-01, v31  }
0x5a: {  	v50 =	vadd.f32 v3, v4;
	v4 =	vmul.f32 v8, v25;
	v8 =	vmul.f32 v30, v28  }
0x5b: {  	v27 =	vadd.f32 $-4.973732230e-01, v27;
	v29 =	vmul.f32 v29, v23;
	v30 =	vmul.f32 v31, v32  }
0x5c: {  	v22 =	vmax.f32 v22, $0.0e+00;
	v19 =	vadd.f32 $3.157473210e-01, v19;
	v8 =	vadd.f32 $-4.973732230e-01, v8  }
0x5d: {  	v27 =	vmul.f32 v27, v24;
	v29 =	vadd.f32 $9.998477100e-01, v29;
	v30 =	vadd.f32 $-4.973732230e-01, v30  }
0x5e: {  	v19 =	vmul.f32 v19, v14;
	v4 =	vadd.f32 $-4.973732230e-01, v4;
	v8 =	vmul.f32 v8, v28  }
0x5f: {  	v27 =	vadd.f32 $9.998477100e-01, v27;
	v23 =	vmul.f32 v29, v23;
	v29 =	vmul.f32 v30, v32  }
0x60: {  	s29 =	sadd.s32 $0x400, s28;
	s28 =	sadd.s32 $0x400, s26;
	v4 =	vmul.f32 v4, v25;
	v30 =	vmax.f32 v6, $0.0e+00;
	v6 =	vadd.f32 $9.998477100e-01, v8  }
0x61: {  	v35 =	vld [tilespmem:s28+$0x10];
	v8 =	vmul.f32 v27, v24;
	v23 =	vadd.f32 $1.472065040e-06, v23;
	v24 =	vadd.f32 $9.998477100e-01, v29  }
0x62: {  	v39 =	vld [tilespmem:s28+$0xFFFFFFD0];
	v19 =	vadd.f32 $-4.973732230e-01, v19;
	v4 =	vadd.f32 $9.998477100e-01, v4;
	v6 =	vmul.f32 v6, v28  }
0x63: {  	v31 =	vld [tilespmem:s28+$0x30];
	v27 =	vmul.f32 $1.741407810e-02, v21;
	v23 =	vadd.f32 v23, v26;
	v26 =	vmul.f32 v24, v32  }
0x64: {  	v18 =	vmax.f32 v18, $0.0e+00;
	v28 =	vadd.f32 $1.472065040e-06, v8;
	v8 =	vld [tilespmem:s29+$0xFFFFFFC0];
	v6 =	vadd.f32 $1.472065040e-06, v6  }
0x65: {  	v24 =	vmul.f32 v4, v25;
	v25 =	vsub.f32 $8.269123730e-02, v27;
	v4 =	vld [tilespmem:s29+$0x30];
	v26 =	vadd.f32 $1.472065040e-06, v26  }
0x66: {  	v19 =	vmul.f32 v19, v14;
	v27 =	vmul.f32 v23, v5;
	v5 =	vld [tilespmem:s29+$0x20];
	v22 =	vadd.f32 v28, v22  }
0x67: {  	v18 =	vadd.f32 v6, v18;
	v25 =	vmul.f32 v25, v21;
	v28 =	vadd.f32 v26, v30;
	v30 =	vld [tilespmem:s28+$0x20]  }
0x68: {  	v54 =	vld [tilespmem:s28+$0xFFFFFFE0];
	v19 =	vadd.f32 $9.998477100e-01, v19;
	v51 =	vmul.f32 v22, v7;
	v26 =	vmul.f32 v34, v0  }
0x69: {  	v7 =	vld [tilespmem:s29+$0x10];
	v33 =	vadd.f32 v8, v50;
	v10 =	vmul.f32 v18, v10;
	v25 =	vadd.f32 $-1.903543320e-01, v25  }
0x6a: {  	v1 =	vadd.f32 v18, v1;
	v36 =	vadd.f32 $-4.973732230e-01, v26;
	v26 =	vmax.f32 v15, $0.0e+00;
	v15 =	vld [tilespmem:s28+$0xFFFFFFF0]  }
0x6b: {  	v38 =	vmul.f32 v4, v31;
	v25 =	vmul.f32 v25, v21;
	v2 =	vadd.f32 v10, v2;
	v10 =	vld [tilespmem:s29+$0xFFFFFFF0]  }
0x6c: {  	v52 =	vmul.f32 v28, v9;
	v9 =	vld [tilespmem:s29+$0xFFFFFFE0];
	v1 =	vadd.f32 v23, v1;
	v18 =	vmul.f32 v5, v30  }
0x6d: {  	v29 =	vmax.f32 v11, $0.0e+00;
	v6 =	vld [tilespmem:s29+$0x0];
	v31 =	vsub.f32 v31, v38;
	v37 =	vadd.f32 $3.157473210e-01, v25  }
0x6e: {  	v25 =	vld [tilespmem:s29+$0xFFFFFFD0];
	v22 =	vadd.f32 v22, v1;
	v53 =	vmul.f32 v36, v0;
	v11 =	vsub.f32 v30, v18  }
0x6f: {  	v23 =	vld [tilespmem:s28+$0x0];
	v2 =	vadd.f32 v27, v2;
	v37 =	vmul.f32 v37, v21;
	v30 =	vmul.f32 v7, v35  }
0x70: {  	v27 =	vadd.f32 v28, v22;
	v22 =	vld [tilespmem:s28+$0xFFFFFFC0];
	v28 =	vmul.f32 v10, v15;
	v1 =	vsub.f32 v11, v18  }
0x71: {  	v40 =	vmul.f32 v9, v54;
	v18 =	vadd.f32 v51, v2;
	v11 =	vsub.f32 v35, v30  }
0x72: {  	v2 =	vsub.f32 v31, v38;
	v31 =	vmul.f32 v19, v14;
	v15 =	vsub.f32 v15, v28  }
0x73: {  	v19 =	vmul.f32 v25, v39;
	v36 =	vsub.f32 v54, v40;
	v55 =	vand.u32 $0x7FFFFFFF, v1  }
0x74: {  	v11 =	vsub.f32 v11, v30;
	v30 =	vmul.f32 v6, v23;
	v56 =	vand.u32 $0x7FFFFFFF, v2  }
0x75: {  	v41 =	vmul.f32 v8, v22;
	v39 =	vsub.f32 v39, v19;
	v14 =	vsub.f32 $0.0e+00, v55  }
0x76: {  	v28 =	vsub.f32 v15, v28;
	v57 =	vand.u32 $0x7FFFFFFF, v11;
	v23 =	vsub.f32 v23, v30  }
0x77: {  	v39 =	vsub.f32 v39, v19;
	v22 =	vsub.f32 v22, v41;
	v14 =	vmul.f32 $1.442695020e+00, v14  }
0x78: {  	v15 =	vmax.f32 v28, $0.0e+00;
	v19 =	vsub.f32 v36, v40;
	v38 =	vsub.f32 $0.0e+00, v57  }
0x79: {  	v40 =	vsub.f32 v22, v41;
	(erf) = vpow2.f32 v14;
	v14 =	vand.u32 $0x7FFFFFFF, v28  }
0x7a: {  	v12 =	vand.u32 $0x7FFFFFFF, v39;
	v59 =	vsub.f32 $0.0e+00, v14;
	v14 =	vsub.f32 v23, v30  }
0x7b: {  	v22 =	vand.u32 $0x7FFFFFFF, v19;
	v28 =	vmul.f32 $1.442695020e+00, v38;
	v12 =	vsub.f32 $0.0e+00, v12  }
0x7c: {  	v22 =	vsub.f32 $0.0e+00, v22;
	v38 =	vadd.f32 v52, v18;
	v30 =	vand.u32 $0x7FFFFFFF, v14  }
0x7d: {  	(erf) = vpow2.f32 v28;
	v12 =	vmul.f32 $1.442695020e+00, v12;
	v30 =	vsub.f32 $0.0e+00, v30  }
0x7e: {  	v18 =	vadd.f32 $-4.973732230e-01, v37;
	v28 =	vand.u32 $0x7FFFFFFF, v40;
	v22 =	vmul.f32 $1.442695020e+00, v22  }
0x7f: {  	v28 =	vsub.f32 $0.0e+00, v28;
	(erf) = vpow2.f32 v12;
	v12 =	vmul.f32 $1.442695020e+00, v30  }
0x80: {  	v60 =	vadd.f32 v25, v33;
	v35 =	vsub.f32 $0.0e+00, v56;
	(erf) = vpow2.f32 v22  }
0x81: {  	v18 =	vmul.f32 v18, v21;
	v22 =	vmul.f32 $1.442695020e+00, v28;
	v30 =	vadd.f32 $9.998477100e-01, v53  }
0x82: {  	v24 =	vadd.f32 $1.472065040e-06, v24;
	v28 =	vmul.f32 $1.442695020e+00, v35;
	(erf) = vpow2.f32 v12  }
0x83: {  	v0 =	vmul.f32 v30, v0;
	v30 =	vadd.f32 v9, v60;
	(erf) = vpow2.f32 v22;
	v12 =	vpop (erf)  }
0x84: {  	v24 =	vadd.f32 v24, v26;
	v23 =	vmul.f32 $1.442695020e+00, v59;
	v22 =	vmul.f32 $1.741407810e-02, v12  }
0x85: {  	(erf) = vpow2.f32 v28;
	v28 =	vadd.f32 $9.998477100e-01, v18;
	v30 =	vadd.f32 v10, v30  }
0x86: {  	v0 =	vadd.f32 $1.472065040e-06, v0;
	(erf) = vpow2.f32 v23;
	v18 =	vpop (erf);
	v22 =	vsub.f32 $8.269123730e-02, v22  }
0x87: {  	v23 =	vmul.f32 $1.741407810e-02, v18;
	v28 =	vmul.f32 v28, v21;
	v30 =	vadd.f32 v6, v30  }
0x88: {  	v21 =	vadd.f32 v0, v58;
	v0 =	vmax.f32 v20, $0.0e+00;
	v61 =	vpop (erf);
	v22 =	vmul.f32 v22, v12  }
0x89: {  	v20 =	vsub.f32 $8.269123730e-02, v23;
	v28 =	vadd.f32 $1.472065040e-06, v28;
	v62 =	vmul.f32 $1.741407810e-02, v61;
	v63 =	vpop (erf)  }
0x8a: {  	v23 =	vmul.f32 v21, v13;
	v13 =	vmul.f32 $1.741407810e-02, v63;
	v45 =	vadd.f32 $-1.903543320e-01, v22  }
0x8b: {  	v17 =	vmul.f32 v24, v17;
	v22 =	vadd.f32 v28, v0;
	v28 =	vadd.f32 v7, v30;
	v30 =	vpop (erf)  }
0x8c: {  	v31 =	vadd.f32 $1.472065040e-06, v31;
	v20 =	vmul.f32 v20, v18;
	v0 =	vsub.f32 $8.269123730e-02, v62;
	v48 =	vpop (erf)  }
0x8d: {  	v46 =	vsub.f32 $8.269123730e-02, v13;
	v47 =	vmul.f32 $1.741407810e-02, v30;
	v49 =	vmul.f32 $1.741407810e-02, v48  }
0x8e: {  	v20 =	vadd.f32 $-1.903543320e-01, v20;
	v35 =	vmul.f32 v45, v12;
	v0 =	vmul.f32 v0, v61;
	v13 =	vpop (erf)  }
0x8f: {  	v33 =	vmul.f32 v46, v63;
	v42 =	vadd.f32 v5, v28;
	v43 =	vpop (erf);
	v41 =	vsub.f32 $8.269123730e-02, v49  }
0x90: {  	v36 =	vsub.f32 $8.269123730e-02, v47;
	v0 =	vadd.f32 $-1.903543320e-01, v0;
	v44 =	vmul.f32 $1.741407810e-02, v43  }
0x91: {  	v20 =	vmul.f32 v20, v18;
	v33 =	vadd.f32 $-1.903543320e-01, v33;
	v50 =	vmul.f32 v41, v48  }
0x92: {  	v36 =	vmul.f32 v36, v30;
	v51 =	vmul.f32 v0, v61;
	v44 =	vsub.f32 $8.269123730e-02, v44  }
0x93: {  	v28 =	vadd.f32 $3.157473210e-01, v35;
	v33 =	vmul.f32 v33, v63;
	v35 =	vadd.f32 $-1.903543320e-01, v50  }
0x94: {  	v36 =	vadd.f32 $-1.903543320e-01, v36;
	v41 =	vadd.f32 $3.157473210e-01, v51;
	v52 =	vmul.f32 v44, v43  }
0x95: {  	v0 =	vadd.f32 v4, v42;
	v33 =	vadd.f32 $3.157473210e-01, v33;
	v35 =	vmul.f32 v35, v48  }
0x96: {  	v36 =	vmul.f32 v36, v30;
	v41 =	vmul.f32 v41, v61;
	v42 =	vadd.f32 $-1.903543320e-01, v52  }
0x97: {  	v53 =	vmul.f32 v33, v63;
	v33 =	vadd.f32 $3.157473210e-01, v20;
	v20 =	vadd.f32 $3.157473210e-01, v35  }
0x98: {  	v36 =	vadd.f32 $3.157473210e-01, v36;
	v54 =	vadd.f32 $-4.973732230e-01, v41;
	v55 =	vmul.f32 v42, v43  }
0x99: {  	v57 =	vadd.f32 v31, v29;
	v56 =	vadd.f32 $-4.973732230e-01, v53;
	v20 =	vmul.f32 v20, v48  }
0x9a: {  	v36 =	vmul.f32 v36, v30;
	v29 =	vmul.f32 v54, v61;
	v31 =	vadd.f32 $3.157473210e-01, v55  }
0x9b: {  	v27 =	vadd.f32 v24, v27;
	v58 =	vmul.f32 v56, v63;
	v20 =	vadd.f32 $-4.973732230e-01, v20  }
0x9c: {  	v36 =	vadd.f32 $-4.973732230e-01, v36;
	v29 =	vadd.f32 $9.998477100e-01, v29;
	v31 =	vmul.f32 v31, v43  }
0x9d: {  	v39 =	vmax.f32 v39, $0.0e+00;
	v35 =	vadd.f32 $9.998477100e-01, v58;
	v20 =	vmul.f32 v20, v48  }
0x9e: {  	v36 =	vmul.f32 v36, v30;
	v26 =	vmul.f32 v29, v61;
	v31 =	vadd.f32 $-4.973732230e-01, v31  }
0x9f: {  	v16 =	vmul.f32 v57, v16;
	v59 =	vmul.f32 v35, v63;
	v61 =	vadd.f32 $9.998477100e-01, v20  }
0xa0: {  	v60 =	vadd.f32 $9.998477100e-01, v36;
	v26 =	vadd.f32 $1.472065040e-06, v26;
	v31 =	vmul.f32 v31, v43  }
0xa1: {  	v32 =	vadd.f32 v17, v38;
	v29 =	vmul.f32 $1.741407810e-02, v13;
	v62 =	vmul.f32 v61, v48  }
0xa2: {  	v20 =	vmul.f32 v60, v30;
	v30 =	vadd.f32 v26, v39;
	v63 =	vadd.f32 $9.998477100e-01, v31  }
0xa3: {  	v34 =	vadd.f32 $1.472065040e-06, v59;
	v26 =	vmax.f32 v40, $0.0e+00;
	v31 =	vadd.f32 $1.472065040e-06, v62  }
0xa4: {  	s26 =	simm.s32 $0x8;
	s29 =	sadd.s32 $0x400, s29;
	s28 =	sadd.s32 $0x400, s28;
	v24 =	vmul.f32 v30, v25;
	v25 =	vadd.f32 v57, v27;
	v27 =	vmul.f32 v63, v43  }
.LBB2_3:
0xa5: {  	v17 =	vld [tilespmem:s29+$0xFFFFFFC0];
	s26 =	sadd.s32 $0x8, s26;
	v26 =	vadd.f32 v31, v26;
	v31 =	vsub.f32 $8.269123730e-02, v29;
	v35 =	vmul.f32 v22, v3;
	v3 =	vmovc v4  }
0xa6: {  	v19 =	vmax.f32 v19, $0.0e+00;
	v4 =	vld [tilespmem:s29+$0x30];
	p0 =	slt.u32 s26, $0x18;
	v27 =	vadd.f32 $1.472065040e-06, v27;
	v32 =	vadd.f32 v16, v32  }
0xa7: {  	v37 =	vmul.f32 v33, v18;
	v19 =	vadd.f32 v34, v19;
	v29 =	vld [tilespmem:s29+$0x20];
	v36 =	vmul.f32 v26, v8  }
0xa8: {  	v16 =	vld [tilespmem:s29+$0x0];
	v15 =	vadd.f32 v27, v15;
	v27 =	vmul.f32 v31, v13;
	v23 =	vadd.f32 v23, v32  }
0xa9: {  	v33 =	vadd.f32 $-4.973732230e-01, v37;
	v32 =	vmul.f32 v19, v9;
	v9 =	vadd.f32 v21, v25;
	v31 =	vld [tilespmem:s28+$0x20]  }
0xaa: {  	v21 =	vld [tilespmem:s28+$0x30];
	v34 =	vmul.f32 v15, v10;
	v10 =	vmul.f32 v28, v12;
	v27 =	vadd.f32 $-1.903543320e-01, v27;
	v8 =	vmovc v17  }
0xab: {  	v25 =	vmax.f32 v14, $0.0e+00;
	v14 =	vadd.f32 v35, v23;
	v22 =	vadd.f32 v22, v9;
	v28 =	vld [tilespmem:s28+$0x10]  }
0xac: {  	v0 =	vadd.f32 v8, v0;
	v17 =	vld [tilespmem:s29+$0x10];
	v23 =	vadd.f32 $-4.973732230e-01, v10;
	v10 =	vmul.f32 v27, v13  }
0xad: {  	v14 =	vadd.f32 v36, v14;
	v22 =	vadd.f32 v26, v22;
	v27 =	vmax.f32 v11, $0.0e+00;
	v9 =	vld [tilespmem:s29+$0xFFFFFFE0]  }
0xae: {  	v26 =	vmul.f32 v33, v18;
	v35 =	vld [tilespmem:s28+$0xFFFFFFF0];
	v11 =	vmul.f32 v29, v31;
	v33 =	vadd.f32 $3.157473210e-01, v10  }
0xaf: {  	v14 =	vadd.f32 v24, v14;
	v22 =	vadd.f32 v30, v22;
	v10 =	vld [tilespmem:s29+$0xFFFFFFF0];
	v36 =	vmul.f32 v4, v21  }
0xb0: {  	v24 =	vld [tilespmem:s29+$0xFFFFFFD0];
	v30 =	vsub.f32 v31, v11;
	v31 =	vadd.f32 $9.998477100e-01, v26;
	v33 =	vmul.f32 v33, v13  }
0xb1: {  	v19 =	vadd.f32 v19, v22;
	v37 =	vld [tilespmem:s28+$0x0];
	v38 =	vmul.f32 v17, v28;
	v21 =	vsub.f32 v21, v36  }
0xb2: {  	v23 =	vmul.f32 v23, v12;
	v32 =	vadd.f32 v32, v14;
	v22 =	vld [tilespmem:s28+$0xFFFFFFD0];
	v39 =	vsub.f32 v30, v11  }
0xb3: {  	v26 =	vadd.f32 v15, v19;
	v18 =	vmul.f32 v31, v18;
	v14 =	vld [tilespmem:s28+$0xFFFFFFE0];
	v11 =	vsub.f32 v28, v38  }
0xb4: {  	v36 =	vsub.f32 v21, v36;
	v19 =	vld [tilespmem:s28+$0xFFFFFFC0];
	v15 =	vmul.f32 v10, v35;
	v28 =	vand.u32 $0x7FFFFFFF, v39  }
0xb5: {  	v11 =	vsub.f32 v11, v38;
	v21 =	vsub.f32 $0.0e+00, v28  }
0xb6: {  	v28 =	vsub.f32 v35, v15;
	v31 =	vmul.f32 v16, v37;
	v35 =	vand.u32 $0x7FFFFFFF, v36  }
0xb7: {  	v30 =	vmul.f32 v24, v22;
	v38 =	vand.u32 $0x7FFFFFFF, v11;
	v21 =	vmul.f32 $1.442695020e+00, v21  }
0xb8: {  	v40 =	vmul.f32 v9, v14;
	v28 =	vsub.f32 v28, v15;
	v38 =	vsub.f32 $0.0e+00, v38  }
0xb9: {  	v37 =	vsub.f32 v37, v31;
	v41 =	vmul.f32 v8, v19;
	v22 =	vsub.f32 v22, v30  }
0xba: {  	v14 =	vsub.f32 v14, v40;
	v15 =	vmax.f32 v28, $0.0e+00;
	(erf) = vpow2.f32 v21  }
0xbb: {  	v21 =	vand.u32 $0x7FFFFFFF, v28;
	v30 =	vsub.f32 v22, v30;
	v22 =	vmul.f32 $1.442695020e+00, v38  }
0xbc: {  	v28 =	vsub.f32 v19, v41;
	v38 =	vmax.f32 v1, $0.0e+00;
	v1 =	vmovc v39;
	v19 =	vsub.f32 v14, v40  }
0xbd: {  	v21 =	vsub.f32 $0.0e+00, v21;
	v14 =	vsub.f32 v37, v31;
	v39 =	vand.u32 $0x7FFFFFFF, v30  }
0xbe: {  	v31 =	vsub.f32 v28, v41;
	v28 =	vsub.f32 $0.0e+00, v39;
	v37 =	vand.u32 $0x7FFFFFFF, v19  }
0xbf: {  	v21 =	vmul.f32 $1.442695020e+00, v21;
	v37 =	vsub.f32 $0.0e+00, v37;
	(erf) = vpow2.f32 v22  }
0xc0: {  	v39 =	vand.u32 $0x7FFFFFFF, v14;
	v22 =	vand.u32 $0x7FFFFFFF, v31;
	v28 =	vmul.f32 $1.442695020e+00, v28  }
0xc1: {  	v39 =	vsub.f32 $0.0e+00, v39;
	v22 =	vsub.f32 $0.0e+00, v22;
	v37 =	vmul.f32 $1.442695020e+00, v37  }
0xc2: {  	v32 =	vadd.f32 v34, v32;
	v35 =	vsub.f32 $0.0e+00, v35;
	(erf) = vpow2.f32 v28  }
0xc3: {  	v33 =	vadd.f32 $-4.973732230e-01, v33;
	v28 =	vmul.f32 $1.442695020e+00, v39;
	(erf) = vpow2.f32 v37;
	v34 =	vpop (erf)  }
0xc4: {  	v23 =	vadd.f32 $9.998477100e-01, v23;
	v35 =	vmul.f32 $1.442695020e+00, v35;
	v22 =	vmul.f32 $1.442695020e+00, v22  }
0xc5: {  	v0 =	vadd.f32 v24, v0;
	(erf) = vpow2.f32 v28;
	v28 =	vmul.f32 v33, v13  }
0xc6: {  	v37 =	vadd.f32 $1.472065040e-06, v18;
	(erf) = vpow2.f32 v22;
	v22 =	vmul.f32 v23, v12;
	v12 =	vmovc v34  }
0xc7: {  	v23 =	vmul.f32 $1.741407810e-02, v12;
	(erf) = vpow2.f32 v35;
	v28 =	vadd.f32 $9.998477100e-01, v28  }
0xc8: {  	v0 =	vadd.f32 v9, v0;
	(erf) = vpow2.f32 v21;
	v18 =	vpop (erf);
	v21 =	vadd.f32 $1.472065040e-06, v22  }
0xc9: {  	v22 =	vmul.f32 $1.741407810e-02, v18;
	v23 =	vsub.f32 $8.269123730e-02, v23;
	v13 =	vmul.f32 v28, v13  }
0xca: {  	v0 =	vadd.f32 v10, v0;
	v28 =	vmax.f32 v2, $0.0e+00;
	v2 =	vmovc v36;
	v21 =	vadd.f32 v21, v38  }
0xcb: {  	v33 =	vsub.f32 $8.269123730e-02, v22;
	v22 =	vmul.f32 v23, v12;
	v34 =	vpop (erf);
	v13 =	vadd.f32 $1.472065040e-06, v13  }
0xcc: {  	v0 =	vadd.f32 v16, v0;
	v40 =	vmul.f32 $1.741407810e-02, v34;
	v36 =	vpop (erf);
	v23 =	vmul.f32 v21, v5  }
0xcd: {  	v5 =	vmovc v29;
	v38 =	vmul.f32 $1.741407810e-02, v36;
	v41 =	vadd.f32 $-1.903543320e-01, v22;
	v22 =	vadd.f32 v13, v28  }
0xce: {  	v0 =	vadd.f32 v17, v0;
	v28 =	vmul.f32 v33, v18;
	v44 =	vsub.f32 $8.269123730e-02, v40;
	v35 =	vpop (erf)  }
0xcf: {  	v29 =	vsub.f32 $8.269123730e-02, v38;
	v33 =	vmul.f32 $1.741407810e-02, v35;
	v38 =	vmul.f32 v41, v12;
	v39 =	vpop (erf)  }
0xd0: {  	v42 =	vadd.f32 $-1.903543320e-01, v28;
	v40 =	vmul.f32 $1.741407810e-02, v39;
	v41 =	vmul.f32 v44, v34;
	v13 =	vpop (erf)  }
0xd1: {  	v0 =	vadd.f32 v5, v0;
	v28 =	vmul.f32 v29, v36;
	v29 =	vsub.f32 $8.269123730e-02, v33;
	v43 =	vpop (erf)  }
0xd2: {  	v33 =	vsub.f32 $8.269123730e-02, v40;
	v40 =	vadd.f32 $-1.903543320e-01, v41;
	v41 =	vmul.f32 $1.741407810e-02, v43  }
0xd3: {  	v44 =	vadd.f32 $-1.903543320e-01, v28;
	v29 =	vmul.f32 v29, v35;
	v28 =	vadd.f32 $3.157473210e-01, v38  }
0xd4: {  	v33 =	vmul.f32 v33, v39;
	v38 =	vmul.f32 v40, v34;
	v40 =	vsub.f32 $8.269123730e-02, v41  }
0xd5: {  	v0 =	vadd.f32 v4, v0;
	v41 =	vmul.f32 v44, v36;
	v29 =	vadd.f32 $-1.903543320e-01, v29  }
0xd6: {  	v33 =	vadd.f32 $-1.903543320e-01, v33;
	v38 =	vadd.f32 $3.157473210e-01, v38;
	v40 =	vmul.f32 v40, v43  }
0xd7: {  	v42 =	vmul.f32 v42, v18;
	v41 =	vadd.f32 $3.157473210e-01, v41;
	v29 =	vmul.f32 v29, v35  }
0xd8: {  	v44 =	vmul.f32 v33, v39;
	v38 =	vmul.f32 v38, v34;
	v40 =	vadd.f32 $-1.903543320e-01, v40  }
0xd9: {  	v33 =	vadd.f32 $3.157473210e-01, v42;
	v41 =	vmul.f32 v41, v36;
	v29 =	vadd.f32 $3.157473210e-01, v29  }
0xda: {  	v42 =	vadd.f32 $3.157473210e-01, v44;
	v38 =	vadd.f32 $-4.973732230e-01, v38;
	v40 =	vmul.f32 v40, v43  }
0xdb: {  	v37 =	vadd.f32 v37, v27;
	v41 =	vadd.f32 $-4.973732230e-01, v41;
	v29 =	vmul.f32 v29, v35  }
0xdc: {  	v27 =	vmul.f32 v42, v39;
	v38 =	vmul.f32 v38, v34;
	v40 =	vadd.f32 $3.157473210e-01, v40  }
0xdd: {  	v20 =	vadd.f32 $1.472065040e-06, v20;
	v41 =	vmul.f32 v41, v36;
	v29 =	vadd.f32 $-4.973732230e-01, v29  }
0xde: {  	v27 =	vadd.f32 $-4.973732230e-01, v27;
	v38 =	vadd.f32 $9.998477100e-01, v38;
	v40 =	vmul.f32 v40, v43  }
0xdf: {  	v25 =	vadd.f32 v20, v25;
	v41 =	vadd.f32 $9.998477100e-01, v41;
	v29 =	vmul.f32 v29, v35  }
0xe0: {  	v20 =	vmul.f32 v27, v39;
	v27 =	vmul.f32 v38, v34;
	v34 =	vadd.f32 $-4.973732230e-01, v40  }
0xe1: {  	v36 =	vmul.f32 v41, v36;
	v38 =	vadd.f32 $9.998477100e-01, v29;
	v29 =	vmul.f32 $1.741407810e-02, v13  }
0xe2: {  	v40 =	vadd.f32 $9.998477100e-01, v20;
	v27 =	vadd.f32 $1.472065040e-06, v27;
	v41 =	vmul.f32 v34, v43  }
.Ltmp0:
0xe3: {  	v30 =	vmax.f32 v30, $0.0e+00;
	v34 =	vadd.f32 $1.472065040e-06, v36;
	v20 =	vmul.f32 v38, v35;
	(pc) =	sbr.rel @p0 .LBB2_3-.Ltmp0, $4  }
0xe4: {  	v35 =	vmul.f32 v40, v39;
	v30 =	vadd.f32 v27, v30;
	v27 =	vadd.f32 v25, v26  }
0xe5: {  	v38 =	vmul.f32 v25, v6;
	v6 =	vmovc v16;
	v26 =	vmax.f32 v31, $0.0e+00;
	v36 =	vadd.f32 $9.998477100e-01, v41  }
0xe6: {  	v31 =	vadd.f32 $1.472065040e-06, v35;
	v24 =	vmul.f32 v30, v24;
	v25 =	vadd.f32 v37, v27  }
0xe7: {  	s29 =	sadd.s32 $0x400, s29;
	s28 =	sadd.s32 $0x400, s28;
	v16 =	vmul.f32 v37, v7;
	v7 =	vmovc v17;
	v32 =	vadd.f32 v38, v32;
	v27 =	vmul.f32 v36, v43  }
0xe8: {  	v17 =	vsub.f32 $8.269123730e-02, v29;
	_ =	sdelay $0x1  }
0xe9: {  	v26 =	vadd.f32 v31, v26;
	v17 =	vmul.f32 v17, v13  }
0xea: {  	v3 =	vmul.f32 v22, v3;
	v19 =	vmax.f32 v19, $0.0e+00;
	v21 =	vadd.f32 v21, v25  }
0xeb: {  	v51 =	vmul.f32 v33, v18;
	v56 =	vadd.f32 $1.472065040e-06, v20;
	v17 =	vadd.f32 $-1.903543320e-01, v17  }
0xec: {  	v52 =	vmul.f32 v28, v12;
	v27 =	vadd.f32 $1.472065040e-06, v27;
	v16 =	vadd.f32 v16, v32  }
0xed: {  	v19 =	vadd.f32 v34, v19;
	v21 =	vadd.f32 v22, v21;
	v17 =	vmul.f32 v17, v13  }
0xee: {  	v14 =	vmax.f32 v14, $0.0e+00;
	v53 =	vadd.f32 $-4.973732230e-01, v51;
	v16 =	vadd.f32 v23, v16  }
0xef: {  	v8 =	vmul.f32 v26, v8;
	v21 =	vadd.f32 v26, v21;
	v17 =	vadd.f32 $3.157473210e-01, v17  }
0xf0: {  	v54 =	vadd.f32 $-4.973732230e-01, v52;
	v55 =	vmul.f32 v53, v18;
	v3 =	vadd.f32 v3, v16  }
0xf1: {  	v15 =	vadd.f32 v27, v15;
	v21 =	vadd.f32 v30, v21;
	v17 =	vmul.f32 v17, v13  }
0xf2: {  	v16 =	vmul.f32 v54, v12;
	v3 =	vadd.f32 v8, v3;
	v8 =	vadd.f32 $9.998477100e-01, v55  }
0xf3: {  	v9 =	vmul.f32 v19, v9;
	v19 =	vadd.f32 v19, v21;
	v17 =	vadd.f32 $-4.973732230e-01, v17  }
0xf4: {  	v16 =	vadd.f32 $9.998477100e-01, v16;
	v3 =	vadd.f32 v24, v3;
	v8 =	vmul.f32 v8, v18  }
0xf5: {  	v10 =	vmul.f32 v15, v10;
	v15 =	vadd.f32 v15, v19;
	v17 =	vmul.f32 v17, v13  }
0xf6: {  	v57 =	vmul.f32 v16, v12;
	v3 =	vadd.f32 v9, v3;
	v8 =	vadd.f32 $1.472065040e-06, v8  }
0xf7: {  	v11 =	vmax.f32 v11, $0.0e+00;
	v9 =	vadd.f32 v56, v14;
	v58 =	vadd.f32 $9.998477100e-01, v17  }
0xf8: {  	v1 =	vmax.f32 v1, $0.0e+00;
	v12 =	vadd.f32 $1.472065040e-06, v57;
	v3 =	vadd.f32 v10, v3  }
0xf9: {  	v8 =	vadd.f32 v8, v11;
	v6 =	vmul.f32 v9, v6;
	v59 =	vmul.f32 v58, v13  }
0xfa: {  	v1 =	vadd.f32 v12, v1;
	v9 =	vadd.f32 v9, v15  }
0xfb: {  	s25 =	sadd.s32 $0x1, s25;
	v3 =	vadd.f32 v6, v3;
	v61 =	vmul.f32 v8, v7;
	v60 =	vadd.f32 $1.472065040e-06, v59  }
0xfc: {  	v2 =	vmax.f32 v2, $0.0e+00;
	p0 =	sne.s32 s25, $0x10;
	v63 =	vadd.f32 v8, v9  }
.Ltmp1:
0xfd: {  	v3 =	vadd.f32 v61, v3;
	v62 =	vadd.f32 v60, v2;
	v2 =	vmul.f32 v1, v5;
	(pc) =	sbr.rel @p0 .LBB2_2-.Ltmp1, $3  }
0xfe: {  	_ = 	snop  }
0xff: {  	v1 =	vadd.f32 v1, v63;
	v4 =	vmul.f32 v62, v4;
	v2 =	vadd.f32 v2, v3;
	_ =	sdelay $0x1  }
0x100: {  	s24 =	sadd.s32 $0x200, s24;
	s23 =	sadd.s32 $0x1, s23;
	v1 =	vadd.f32 v62, v1;
	v2 =	vadd.f32 v4, v2  }
0x101: {  	s23 =	simm.s32 $0x0  }
0x102: {  	[tilespmem:s23], [sflag:$0x1] =	stream.linear.gather [hbm4b:s7+s23], $0x2000, $0x38;
	[tilespmem:$0x8080] =	vst v63  }
0x103: {  	_ = 	snop  }
0x104: {  	[tilespmem:s13], [sflag:$0x2] =	stream.linear.gather [hbm4b:s8+s23], $0x2000, $0x38;
	[tilespmem:$0x8080] =	vst v63  }
0x105: {  	_ =	swait.ge [sflag:s18], $0x2000  }
0x106: {  	[sflag:s18] =	ssyncset.done $0x0  }
0x107: {  	[sflag:s18] =	ssyncadd.s32 $0xFFFFE000  }
0x108: {  	_ =	swait.ge [sflag:s19], $0x2000  }
0x109: {  	[sflag:s19] =	ssyncset.done $0x0  }
0x10a: {  	s24 =	simm.s32 $0x0;
	s25 =	simm.s32 $0x0;
	[sflag:s19] =	ssyncadd.s32 $0xFFFFE000  }
.LBB2_6:
0x10b: {  	s26 =	sshll.u32 s24, $0x2;
	s28 =	sand.u32 $0x7, s23  }
0x10c: {  	s26 =	sand.u32 $0xFFFFC000, s26;
	s28 =	sshll.u32 s28, $0x9  }
0x10d: {  	s26 =	sor.u32 s28, s26  }
0x10e: {  	s26 =	sshrl.u32 s26, $0x2  }
0x10f: {  	s28 =	sadd.s32 $0x6040, s26  }
0x110: {  	v3 =	vld [tilespmem:s28+$0x30]  }
0x111: {  	v13 =	vld [tilespmem:s28+$0x20]  }
0x112: {  	s26 =	sadd.s32 $0x4040, s26;
	v17 =	vld [tilespmem:s28+$0x0]  }
0x113: {  	v4 =	vld [tilespmem:s26+$0x20]  }
0x114: {  	v6 =	vld [tilespmem:s26+$0x30]  }
0x115: {  	v8 =	vld [tilespmem:s26+$0x10]  }
0x116: {  	v16 =	vld [tilespmem:s28+$0x10]  }
0x117: {  	v7 =	vld [tilespmem:s28+$0xFFFFFFE0]  }
0x118: {  	v14 =	vld [tilespmem:s26+$0xFFFFFFF0]  }
0x119: {  	v9 =	vld [tilespmem:s28+$0xFFFFFFF0]  }
0x11a: {  	v5 =	vld [tilespmem:s28+$0xFFFFFFD0]  }
0x11b: {  	v18 =	vld [tilespmem:s26+$0x0];
	v11 =	vmul.f32 v13, v4  }
0x11c: {  	v21 =	vld [tilespmem:s26+$0xFFFFFFD0];
	v15 =	vmul.f32 v3, v6  }
0x11d: {  	v22 =	vld [tilespmem:s26+$0xFFFFFFE0];
	v19 =	vmul.f32 v16, v8;
	v4 =	vsub.f32 v4, v11  }
0x11e: {  	v10 =	vld [tilespmem:s28+$0xFFFFFFC0];
	v6 =	vsub.f32 v6, v15  }
0x11f: {  	v23 =	vmul.f32 v9, v14;
	v12 =	vsub.f32 v4, v11;
	v4 =	vsub.f32 v8, v19;
	v8 =	vld [tilespmem:s26+$0xFFFFFFC0]  }
0x120: {  	v20 =	vsub.f32 v6, v15  }
0x121: {  	v6 =	vsub.f32 v14, v23;
	v14 =	vmul.f32 v5, v21;
	v24 =	vand.u32 $0x7FFFFFFF, v12  }
0x122: {  	v15 =	vmul.f32 v17, v18;
	v11 =	vsub.f32 v4, v19;
	v4 =	vsub.f32 $0.0e+00, v24  }
0x123: {  	v6 =	vsub.f32 v6, v23;
	v21 =	vsub.f32 v21, v14;
	v24 =	vmul.f32 v7, v22  }
0x124: {  	v18 =	vsub.f32 v18, v15;
	v4 =	vmul.f32 $1.442695020e+00, v4;
	v23 =	vmul.f32 v10, v8  }
0x125: {  	v19 =	vand.u32 $0x7FFFFFFF, v11;
	v26 =	vsub.f32 v21, v14;
	v22 =	vsub.f32 v22, v24  }
0x126: {  	v15 =	vsub.f32 v18, v15;
	(erf) = vpow2.f32 v4;
	v4 =	vsub.f32 v8, v23  }
0x127: {  	v19 =	vsub.f32 $0.0e+00, v19;
	v14 =	vand.u32 $0x7FFFFFFF, v26;
	v22 =	vsub.f32 v22, v24  }
0x128: {  	v18 =	vsub.f32 v4, v23;
	v4 =	vsub.f32 $0.0e+00, v14  }
0x129: {  	v25 =	vand.u32 $0x7FFFFFFF, v20;
	v19 =	vmul.f32 $1.442695020e+00, v19;
	v14 =	vand.u32 $0x7FFFFFFF, v22  }
0x12a: {  	v21 =	vand.u32 $0x7FFFFFFF, v15;
	v14 =	vsub.f32 $0.0e+00, v14;
	v4 =	vmul.f32 $1.442695020e+00, v4  }
0x12b: {  	v21 =	vsub.f32 $0.0e+00, v21;
	(erf) = vpow2.f32 v19;
	v23 =	vand.u32 $0x7FFFFFFF, v18  }
0x12c: {  	v19 =	vsub.f32 $0.0e+00, v23;
	v14 =	vmul.f32 $1.442695020e+00, v14;
	(erf) = vpow2.f32 v4  }
0x12d: {  	v8 =	vand.u32 $0x7FFFFFFF, v6;
	v23 =	vsub.f32 $0.0e+00, v25;
	v4 =	vmul.f32 $1.442695020e+00, v21  }
0x12e: {  	v8 =	vsub.f32 $0.0e+00, v8;
	(erf) = vpow2.f32 v14;
	v14 =	vmul.f32 $1.442695020e+00, v19  }
0x12f: {  	v19 =	vmul.f32 $1.442695020e+00, v23;
	(erf) = vpow2.f32 v4  }
0x130: {  	v8 =	vmul.f32 $1.442695020e+00, v8;
	v4 =	vadd.f32 v10, v0;
	(erf) = vpow2.f32 v14  }
0x131: {  	(erf) = vpow2.f32 v19  }
0x132: {  	v0 =	vpop (erf);
	v4 =	vadd.f32 v5, v4;
	(erf) = vpow2.f32 v8  }
0x133: {  	v8 =	vmul.f32 $1.741407810e-02, v0  }
0x134: {  	v14 =	vpop (erf);
	v4 =	vadd.f32 v7, v4  }
0x135: {  	v19 =	vmul.f32 $1.741407810e-02, v14;
	v8 =	vsub.f32 $8.269123730e-02, v8;
	v23 =	vpop (erf)  }
0x136: {  	v4 =	vadd.f32 v9, v4;
	v21 =	vmul.f32 $1.741407810e-02, v23  }
0x137: {  	v19 =	vsub.f32 $8.269123730e-02, v19;
	v8 =	vmul.f32 v8, v0;
	v24 =	vpop (erf)  }
0x138: {  	v4 =	vadd.f32 v17, v4;
	v25 =	vpop (erf)  }
0x139: {  	v58 =	vmax.f32 v12, $0.0e+00;
	v19 =	vmul.f32 v19, v14;
	v8 =	vadd.f32 $-1.903543320e-01, v8;
	v28 =	vpop (erf)  }
0x13a: {  	v27 =	vmul.f32 $1.741407810e-02, v24;
	v29 =	vsub.f32 $8.269123730e-02, v21;
	v4 =	vadd.f32 v16, v4;
	v21 =	vpop (erf)  }
0x13b: {  	v30 =	vmul.f32 $1.741407810e-02, v25;
	v19 =	vadd.f32 $-1.903543320e-01, v19;
	v31 =	vmul.f32 $1.741407810e-02, v28;
	v32 =	vpop (erf)  }
0x13c: {  	v27 =	vsub.f32 $8.269123730e-02, v27;
	v29 =	vmul.f32 v29, v23;
	v33 =	vmul.f32 $1.741407810e-02, v32  }
0x13d: {  	v26 =	vmax.f32 v26, $0.0e+00;
	v30 =	vsub.f32 $8.269123730e-02, v30;
	v31 =	vsub.f32 $8.269123730e-02, v31  }
0x13e: {  	v27 =	vmul.f32 v27, v24;
	v29 =	vadd.f32 $-1.903543320e-01, v29;
	v33 =	vsub.f32 $8.269123730e-02, v33  }
0x13f: {  	v4 =	vadd.f32 v13, v4;
	v30 =	vmul.f32 v30, v25;
	v31 =	vmul.f32 v31, v28  }
0x140: {  	v27 =	vadd.f32 $-1.903543320e-01, v27;
	v29 =	vmul.f32 v29, v23;
	v33 =	vmul.f32 v33, v32  }
0x141: {  	v8 =	vmul.f32 v8, v0;
	v30 =	vadd.f32 $-1.903543320e-01, v30;
	v31 =	vadd.f32 $-1.903543320e-01, v31  }
0x142: {  	v27 =	vmul.f32 v27, v24;
	v29 =	vadd.f32 $3.157473210e-01, v29;
	v33 =	vadd.f32 $-1.903543320e-01, v33  }
0x143: {  	v34 =	vadd.f32 $3.157473210e-01, v8;
	v8 =	vmul.f32 v30, v25;
	v30 =	vmul.f32 v31, v28  }
0x144: {  	v27 =	vadd.f32 $3.157473210e-01, v27;
	v29 =	vmul.f32 v29, v23;
	v31 =	vmul.f32 v33, v32  }
0x145: {  	v19 =	vmul.f32 v19, v14;
	v8 =	vadd.f32 $3.157473210e-01, v8;
	v30 =	vadd.f32 $3.157473210e-01, v30  }
0x146: {  	v27 =	vmul.f32 v27, v24;
	v29 =	vadd.f32 $-4.973732230e-01, v29;
	v31 =	vadd.f32 $3.157473210e-01, v31  }
0x147: {  	v50 =	vadd.f32 v3, v4;
	v4 =	vmul.f32 v8, v25;
	v8 =	vmul.f32 v30, v28  }
0x148: {  	v27 =	vadd.f32 $-4.973732230e-01, v27;
	v29 =	vmul.f32 v29, v23;
	v30 =	vmul.f32 v31, v32  }
0x149: {  	v22 =	vmax.f32 v22, $0.0e+00;
	v19 =	vadd.f32 $3.157473210e-01, v19;
	v8 =	vadd.f32 $-4.973732230e-01, v8  }
0x14a: {  	v27 =	vmul.f32 v27, v24;
	v29 =	vadd.f32 $9.998477100e-01, v29;
	v30 =	vadd.f32 $-4.973732230e-01, v30  }
0x14b: {  	v19 =	vmul.f32 v19, v14;
	v4 =	vadd.f32 $-4.973732230e-01, v4;
	v8 =	vmul.f32 v8, v28  }
0x14c: {  	v27 =	vadd.f32 $9.998477100e-01, v27;
	v23 =	vmul.f32 v29, v23;
	v29 =	vmul.f32 v30, v32  }
0x14d: {  	s29 =	sadd.s32 $0x400, s28;
	s28 =	sadd.s32 $0x400, s26;
	v4 =	vmul.f32 v4, v25;
	v30 =	vmax.f32 v6, $0.0e+00;
	v6 =	vadd.f32 $9.998477100e-01, v8  }
0x14e: {  	v35 =	vld [tilespmem:s28+$0x10];
	v8 =	vmul.f32 v27, v24;
	v23 =	vadd.f32 $1.472065040e-06, v23;
	v24 =	vadd.f32 $9.998477100e-01, v29  }
0x14f: {  	v39 =	vld [tilespmem:s28+$0xFFFFFFD0];
	v19 =	vadd.f32 $-4.973732230e-01, v19;
	v4 =	vadd.f32 $9.998477100e-01, v4;
	v6 =	vmul.f32 v6, v28  }
0x150: {  	v31 =	vld [tilespmem:s28+$0x30];
	v27 =	vmul.f32 $1.741407810e-02, v21;
	v23 =	vadd.f32 v23, v26;
	v26 =	vmul.f32 v24, v32  }
0x151: {  	v18 =	vmax.f32 v18, $0.0e+00;
	v28 =	vadd.f32 $1.472065040e-06, v8;
	v8 =	vld [tilespmem:s29+$0xFFFFFFC0];
	v6 =	vadd.f32 $1.472065040e-06, v6  }
0x152: {  	v24 =	vmul.f32 v4, v25;
	v25 =	vsub.f32 $8.269123730e-02, v27;
	v4 =	vld [tilespmem:s29+$0x30];
	v26 =	vadd.f32 $1.472065040e-06, v26  }
0x153: {  	v19 =	vmul.f32 v19, v14;
	v27 =	vmul.f32 v23, v5;
	v5 =	vld [tilespmem:s29+$0x20];
	v22 =	vadd.f32 v28, v22  }
0x154: {  	v18 =	vadd.f32 v6, v18;
	v25 =	vmul.f32 v25, v21;
	v28 =	vadd.f32 v26, v30;
	v30 =	vld [tilespmem:s28+$0x20]  }
0x155: {  	v54 =	vld [tilespmem:s28+$0xFFFFFFE0];
	v19 =	vadd.f32 $9.998477100e-01, v19;
	v51 =	vmul.f32 v22, v7;
	v26 =	vmul.f32 v34, v0  }
0x156: {  	v7 =	vld [tilespmem:s29+$0x10];
	v33 =	vadd.f32 v8, v50;
	v10 =	vmul.f32 v18, v10;
	v25 =	vadd.f32 $-1.903543320e-01, v25  }
0x157: {  	v1 =	vadd.f32 v18, v1;
	v36 =	vadd.f32 $-4.973732230e-01, v26;
	v26 =	vmax.f32 v15, $0.0e+00;
	v15 =	vld [tilespmem:s28+$0xFFFFFFF0]  }
0x158: {  	v38 =	vmul.f32 v4, v31;
	v25 =	vmul.f32 v25, v21;
	v2 =	vadd.f32 v10, v2;
	v10 =	vld [tilespmem:s29+$0xFFFFFFF0]  }
0x159: {  	v52 =	vmul.f32 v28, v9;
	v9 =	vld [tilespmem:s29+$0xFFFFFFE0];
	v1 =	vadd.f32 v23, v1;
	v18 =	vmul.f32 v5, v30  }
0x15a: {  	v29 =	vmax.f32 v11, $0.0e+00;
	v6 =	vld [tilespmem:s29+$0x0];
	v31 =	vsub.f32 v31, v38;
	v37 =	vadd.f32 $3.157473210e-01, v25  }
0x15b: {  	v25 =	vld [tilespmem:s29+$0xFFFFFFD0];
	v22 =	vadd.f32 v22, v1;
	v53 =	vmul.f32 v36, v0;
	v11 =	vsub.f32 v30, v18  }
0x15c: {  	v23 =	vld [tilespmem:s28+$0x0];
	v2 =	vadd.f32 v27, v2;
	v37 =	vmul.f32 v37, v21;
	v30 =	vmul.f32 v7, v35  }
0x15d: {  	v27 =	vadd.f32 v28, v22;
	v22 =	vld [tilespmem:s28+$0xFFFFFFC0];
	v28 =	vmul.f32 v10, v15;
	v1 =	vsub.f32 v11, v18  }
0x15e: {  	v40 =	vmul.f32 v9, v54;
	v18 =	vadd.f32 v51, v2;
	v11 =	vsub.f32 v35, v30  }
0x15f: {  	v2 =	vsub.f32 v31, v38;
	v31 =	vmul.f32 v19, v14;
	v15 =	vsub.f32 v15, v28  }
0x160: {  	v19 =	vmul.f32 v25, v39;
	v36 =	vsub.f32 v54, v40;
	v55 =	vand.u32 $0x7FFFFFFF, v1  }
0x161: {  	v11 =	vsub.f32 v11, v30;
	v30 =	vmul.f32 v6, v23;
	v56 =	vand.u32 $0x7FFFFFFF, v2  }
0x162: {  	v41 =	vmul.f32 v8, v22;
	v39 =	vsub.f32 v39, v19;
	v14 =	vsub.f32 $0.0e+00, v55  }
0x163: {  	v28 =	vsub.f32 v15, v28;
	v57 =	vand.u32 $0x7FFFFFFF, v11;
	v23 =	vsub.f32 v23, v30  }
0x164: {  	v39 =	vsub.f32 v39, v19;
	v22 =	vsub.f32 v22, v41;
	v14 =	vmul.f32 $1.442695020e+00, v14  }
0x165: {  	v15 =	vmax.f32 v28, $0.0e+00;
	v19 =	vsub.f32 v36, v40;
	v38 =	vsub.f32 $0.0e+00, v57  }
0x166: {  	v40 =	vsub.f32 v22, v41;
	(erf) = vpow2.f32 v14;
	v14 =	vand.u32 $0x7FFFFFFF, v28  }
0x167: {  	v12 =	vand.u32 $0x7FFFFFFF, v39;
	v59 =	vsub.f32 $0.0e+00, v14;
	v14 =	vsub.f32 v23, v30  }
0x168: {  	v22 =	vand.u32 $0x7FFFFFFF, v19;
	v28 =	vmul.f32 $1.442695020e+00, v38;
	v12 =	vsub.f32 $0.0e+00, v12  }
0x169: {  	v22 =	vsub.f32 $0.0e+00, v22;
	v38 =	vadd.f32 v52, v18;
	v30 =	vand.u32 $0x7FFFFFFF, v14  }
0x16a: {  	(erf) = vpow2.f32 v28;
	v12 =	vmul.f32 $1.442695020e+00, v12;
	v30 =	vsub.f32 $0.0e+00, v30  }
0x16b: {  	v18 =	vadd.f32 $-4.973732230e-01, v37;
	v28 =	vand.u32 $0x7FFFFFFF, v40;
	v22 =	vmul.f32 $1.442695020e+00, v22  }
0x16c: {  	v28 =	vsub.f32 $0.0e+00, v28;
	(erf) = vpow2.f32 v12;
	v12 =	vmul.f32 $1.442695020e+00, v30  }
0x16d: {  	v60 =	vadd.f32 v25, v33;
	v35 =	vsub.f32 $0.0e+00, v56;
	(erf) = vpow2.f32 v22  }
0x16e: {  	v18 =	vmul.f32 v18, v21;
	v22 =	vmul.f32 $1.442695020e+00, v28;
	v30 =	vadd.f32 $9.998477100e-01, v53  }
0x16f: {  	v24 =	vadd.f32 $1.472065040e-06, v24;
	v28 =	vmul.f32 $1.442695020e+00, v35;
	(erf) = vpow2.f32 v12  }
0x170: {  	v0 =	vmul.f32 v30, v0;
	v30 =	vadd.f32 v9, v60;
	(erf) = vpow2.f32 v22;
	v12 =	vpop (erf)  }
0x171: {  	v24 =	vadd.f32 v24, v26;
	v23 =	vmul.f32 $1.442695020e+00, v59;
	v22 =	vmul.f32 $1.741407810e-02, v12  }
0x172: {  	(erf) = vpow2.f32 v28;
	v28 =	vadd.f32 $9.998477100e-01, v18;
	v30 =	vadd.f32 v10, v30  }
0x173: {  	v0 =	vadd.f32 $1.472065040e-06, v0;
	(erf) = vpow2.f32 v23;
	v18 =	vpop (erf);
	v22 =	vsub.f32 $8.269123730e-02, v22  }
0x174: {  	v23 =	vmul.f32 $1.741407810e-02, v18;
	v28 =	vmul.f32 v28, v21;
	v30 =	vadd.f32 v6, v30  }
0x175: {  	v21 =	vadd.f32 v0, v58;
	v0 =	vmax.f32 v20, $0.0e+00;
	v61 =	vpop (erf);
	v22 =	vmul.f32 v22, v12  }
0x176: {  	v20 =	vsub.f32 $8.269123730e-02, v23;
	v28 =	vadd.f32 $1.472065040e-06, v28;
	v62 =	vmul.f32 $1.741407810e-02, v61;
	v63 =	vpop (erf)  }
0x177: {  	v23 =	vmul.f32 v21, v13;
	v13 =	vmul.f32 $1.741407810e-02, v63;
	v45 =	vadd.f32 $-1.903543320e-01, v22  }
0x178: {  	v17 =	vmul.f32 v24, v17;
	v22 =	vadd.f32 v28, v0;
	v28 =	vadd.f32 v7, v30;
	v30 =	vpop (erf)  }
0x179: {  	v31 =	vadd.f32 $1.472065040e-06, v31;
	v20 =	vmul.f32 v20, v18;
	v0 =	vsub.f32 $8.269123730e-02, v62;
	v48 =	vpop (erf)  }
0x17a: {  	v46 =	vsub.f32 $8.269123730e-02, v13;
	v47 =	vmul.f32 $1.741407810e-02, v30;
	v49 =	vmul.f32 $1.741407810e-02, v48  }
0x17b: {  	v20 =	vadd.f32 $-1.903543320e-01, v20;
	v35 =	vmul.f32 v45, v12;
	v0 =	vmul.f32 v0, v61;
	v13 =	vpop (erf)  }
0x17c: {  	v33 =	vmul.f32 v46, v63;
	v42 =	vadd.f32 v5, v28;
	v43 =	vpop (erf);
	v41 =	vsub.f32 $8.269123730e-02, v49  }
0x17d: {  	v36 =	vsub.f32 $8.269123730e-02, v47;
	v0 =	vadd.f32 $-1.903543320e-01, v0;
	v44 =	vmul.f32 $1.741407810e-02, v43  }
0x17e: {  	v20 =	vmul.f32 v20, v18;
	v33 =	vadd.f32 $-1.903543320e-01, v33;
	v50 =	vmul.f32 v41, v48  }
0x17f: {  	v36 =	vmul.f32 v36, v30;
	v51 =	vmul.f32 v0, v61;
	v44 =	vsub.f32 $8.269123730e-02, v44  }
0x180: {  	v28 =	vadd.f32 $3.157473210e-01, v35;
	v33 =	vmul.f32 v33, v63;
	v35 =	vadd.f32 $-1.903543320e-01, v50  }
0x181: {  	v36 =	vadd.f32 $-1.903543320e-01, v36;
	v41 =	vadd.f32 $3.157473210e-01, v51;
	v52 =	vmul.f32 v44, v43  }
0x182: {  	v0 =	vadd.f32 v4, v42;
	v33 =	vadd.f32 $3.157473210e-01, v33;
	v35 =	vmul.f32 v35, v48  }
0x183: {  	v36 =	vmul.f32 v36, v30;
	v41 =	vmul.f32 v41, v61;
	v42 =	vadd.f32 $-1.903543320e-01, v52  }
0x184: {  	v53 =	vmul.f32 v33, v63;
	v33 =	vadd.f32 $3.157473210e-01, v20;
	v20 =	vadd.f32 $3.157473210e-01, v35  }
0x185: {  	v36 =	vadd.f32 $3.157473210e-01, v36;
	v54 =	vadd.f32 $-4.973732230e-01, v41;
	v55 =	vmul.f32 v42, v43  }
0x186: {  	v57 =	vadd.f32 v31, v29;
	v56 =	vadd.f32 $-4.973732230e-01, v53;
	v20 =	vmul.f32 v20, v48  }
0x187: {  	v36 =	vmul.f32 v36, v30;
	v29 =	vmul.f32 v54, v61;
	v31 =	vadd.f32 $3.157473210e-01, v55  }
0x188: {  	v27 =	vadd.f32 v24, v27;
	v58 =	vmul.f32 v56, v63;
	v20 =	vadd.f32 $-4.973732230e-01, v20  }
0x189: {  	v36 =	vadd.f32 $-4.973732230e-01, v36;
	v29 =	vadd.f32 $9.998477100e-01, v29;
	v31 =	vmul.f32 v31, v43  }
0x18a: {  	v39 =	vmax.f32 v39, $0.0e+00;
	v35 =	vadd.f32 $9.998477100e-01, v58;
	v20 =	vmul.f32 v20, v48  }
0x18b: {  	v36 =	vmul.f32 v36, v30;
	v26 =	vmul.f32 v29, v61;
	v31 =	vadd.f32 $-4.973732230e-01, v31  }
0x18c: {  	v16 =	vmul.f32 v57, v16;
	v59 =	vmul.f32 v35, v63;
	v61 =	vadd.f32 $9.998477100e-01, v20  }
0x18d: {  	v60 =	vadd.f32 $9.998477100e-01, v36;
	v26 =	vadd.f32 $1.472065040e-06, v26;
	v31 =	vmul.f32 v31, v43  }
0x18e: {  	v32 =	vadd.f32 v17, v38;
	v29 =	vmul.f32 $1.741407810e-02, v13;
	v62 =	vmul.f32 v61, v48  }
0x18f: {  	v20 =	vmul.f32 v60, v30;
	v30 =	vadd.f32 v26, v39;
	v63 =	vadd.f32 $9.998477100e-01, v31  }
0x190: {  	v34 =	vadd.f32 $1.472065040e-06, v59;
	v26 =	vmax.f32 v40, $0.0e+00;
	v31 =	vadd.f32 $1.472065040e-06, v62  }
0x191: {  	s26 =	simm.s32 $0x8;
	s29 =	sadd.s32 $0x400, s29;
	s28 =	sadd.s32 $0x400, s28;
	v24 =	vmul.f32 v30, v25;
	v25 =	vadd.f32 v57, v27;
	v27 =	vmul.f32 v63, v43  }
.LBB2_7:
0x192: {  	v17 =	vld [tilespmem:s29+$0xFFFFFFC0];
	s26 =	sadd.s32 $0x8, s26;
	v26 =	vadd.f32 v31, v26;
	v31 =	vsub.f32 $8.269123730e-02, v29;
	v35 =	vmul.f32 v22, v3;
	v3 =	vmovc v4  }
0x193: {  	v19 =	vmax.f32 v19, $0.0e+00;
	v4 =	vld [tilespmem:s29+$0x30];
	p0 =	slt.u32 s26, $0x18;
	v27 =	vadd.f32 $1.472065040e-06, v27;
	v32 =	vadd.f32 v16, v32  }
0x194: {  	v37 =	vmul.f32 v33, v18;
	v19 =	vadd.f32 v34, v19;
	v29 =	vld [tilespmem:s29+$0x20];
	v36 =	vmul.f32 v26, v8  }
0x195: {  	v16 =	vld [tilespmem:s29+$0x0];
	v15 =	vadd.f32 v27, v15;
	v27 =	vmul.f32 v31, v13;
	v23 =	vadd.f32 v23, v32  }
0x196: {  	v33 =	vadd.f32 $-4.973732230e-01, v37;
	v32 =	vmul.f32 v19, v9;
	v9 =	vadd.f32 v21, v25;
	v31 =	vld [tilespmem:s28+$0x20]  }
0x197: {  	v21 =	vld [tilespmem:s28+$0x30];
	v34 =	vmul.f32 v15, v10;
	v10 =	vmul.f32 v28, v12;
	v27 =	vadd.f32 $-1.903543320e-01, v27;
	v8 =	vmovc v17  }
0x198: {  	v25 =	vmax.f32 v14, $0.0e+00;
	v14 =	vadd.f32 v35, v23;
	v22 =	vadd.f32 v22, v9;
	v28 =	vld [tilespmem:s28+$0x10]  }
0x199: {  	v0 =	vadd.f32 v8, v0;
	v17 =	vld [tilespmem:s29+$0x10];
	v23 =	vadd.f32 $-4.973732230e-01, v10;
	v10 =	vmul.f32 v27, v13  }
0x19a: {  	v14 =	vadd.f32 v36, v14;
	v22 =	vadd.f32 v26, v22;
	v27 =	vmax.f32 v11, $0.0e+00;
	v9 =	vld [tilespmem:s29+$0xFFFFFFE0]  }
0x19b: {  	v26 =	vmul.f32 v33, v18;
	v35 =	vld [tilespmem:s28+$0xFFFFFFF0];
	v11 =	vmul.f32 v29, v31;
	v33 =	vadd.f32 $3.157473210e-01, v10  }
0x19c: {  	v14 =	vadd.f32 v24, v14;
	v22 =	vadd.f32 v30, v22;
	v10 =	vld [tilespmem:s29+$0xFFFFFFF0];
	v36 =	vmul.f32 v4, v21  }
0x19d: {  	v24 =	vld [tilespmem:s29+$0xFFFFFFD0];
	v30 =	vsub.f32 v31, v11;
	v31 =	vadd.f32 $9.998477100e-01, v26;
	v33 =	vmul.f32 v33, v13  }
0x19e: {  	v19 =	vadd.f32 v19, v22;
	v37 =	vld [tilespmem:s28+$0x0];
	v38 =	vmul.f32 v17, v28;
	v21 =	vsub.f32 v21, v36  }
0x19f: {  	v23 =	vmul.f32 v23, v12;
	v32 =	vadd.f32 v32, v14;
	v22 =	vld [tilespmem:s28+$0xFFFFFFD0];
	v39 =	vsub.f32 v30, v11  }
0x1a0: {  	v26 =	vadd.f32 v15, v19;
	v18 =	vmul.f32 v31, v18;
	v14 =	vld [tilespmem:s28+$0xFFFFFFE0];
	v11 =	vsub.f32 v28, v38  }
0x1a1: {  	v36 =	vsub.f32 v21, v36;
	v19 =	vld [tilespmem:s28+$0xFFFFFFC0];
	v15 =	vmul.f32 v10, v35;
	v28 =	vand.u32 $0x7FFFFFFF, v39  }
0x1a2: {  	v11 =	vsub.f32 v11, v38;
	v21 =	vsub.f32 $0.0e+00, v28  }
0x1a3: {  	v28 =	vsub.f32 v35, v15;
	v31 =	vmul.f32 v16, v37;
	v35 =	vand.u32 $0x7FFFFFFF, v36  }
0x1a4: {  	v30 =	vmul.f32 v24, v22;
	v38 =	vand.u32 $0x7FFFFFFF, v11;
	v21 =	vmul.f32 $1.442695020e+00, v21  }
0x1a5: {  	v40 =	vmul.f32 v9, v14;
	v28 =	vsub.f32 v28, v15;
	v38 =	vsub.f32 $0.0e+00, v38  }
0x1a6: {  	v37 =	vsub.f32 v37, v31;
	v41 =	vmul.f32 v8, v19;
	v22 =	vsub.f32 v22, v30  }
0x1a7: {  	v14 =	vsub.f32 v14, v40;
	v15 =	vmax.f32 v28, $0.0e+00;
	(erf) = vpow2.f32 v21  }
0x1a8: {  	v21 =	vand.u32 $0x7FFFFFFF, v28;
	v30 =	vsub.f32 v22, v30;
	v22 =	vmul.f32 $1.442695020e+00, v38  }
0x1a9: {  	v28 =	vsub.f32 v19, v41;
	v38 =	vmax.f32 v1, $0.0e+00;
	v1 =	vmovc v39;
	v19 =	vsub.f32 v14, v40  }
0x1aa: {  	v21 =	vsub.f32 $0.0e+00, v21;
	v14 =	vsub.f32 v37, v31;
	v39 =	vand.u32 $0x7FFFFFFF, v30  }
0x1ab: {  	v31 =	vsub.f32 v28, v41;
	v28 =	vsub.f32 $0.0e+00, v39;
	v37 =	vand.u32 $0x7FFFFFFF, v19  }
0x1ac: {  	v21 =	vmul.f32 $1.442695020e+00, v21;
	v37 =	vsub.f32 $0.0e+00, v37;
	(erf) = vpow2.f32 v22  }
0x1ad: {  	v39 =	vand.u32 $0x7FFFFFFF, v14;
	v22 =	vand.u32 $0x7FFFFFFF, v31;
	v28 =	vmul.f32 $1.442695020e+00, v28  }
0x1ae: {  	v39 =	vsub.f32 $0.0e+00, v39;
	v22 =	vsub.f32 $0.0e+00, v22;
	v37 =	vmul.f32 $1.442695020e+00, v37  }
0x1af: {  	v32 =	vadd.f32 v34, v32;
	v35 =	vsub.f32 $0.0e+00, v35;
	(erf) = vpow2.f32 v28  }
0x1b0: {  	v33 =	vadd.f32 $-4.973732230e-01, v33;
	v28 =	vmul.f32 $1.442695020e+00, v39;
	(erf) = vpow2.f32 v37;
	v34 =	vpop (erf)  }
0x1b1: {  	v23 =	vadd.f32 $9.998477100e-01, v23;
	v35 =	vmul.f32 $1.442695020e+00, v35;
	v22 =	vmul.f32 $1.442695020e+00, v22  }
0x1b2: {  	v0 =	vadd.f32 v24, v0;
	(erf) = vpow2.f32 v28;
	v28 =	vmul.f32 v33, v13  }
0x1b3: {  	v37 =	vadd.f32 $1.472065040e-06, v18;
	(erf) = vpow2.f32 v22;
	v22 =	vmul.f32 v23, v12;
	v12 =	vmovc v34  }
0x1b4: {  	v23 =	vmul.f32 $1.741407810e-02, v12;
	(erf) = vpow2.f32 v35;
	v28 =	vadd.f32 $9.998477100e-01, v28  }
0x1b5: {  	v0 =	vadd.f32 v9, v0;
	(erf) = vpow2.f32 v21;
	v18 =	vpop (erf);
	v21 =	vadd.f32 $1.472065040e-06, v22  }
0x1b6: {  	v22 =	vmul.f32 $1.741407810e-02, v18;
	v23 =	vsub.f32 $8.269123730e-02, v23;
	v13 =	vmul.f32 v28, v13  }
0x1b7: {  	v0 =	vadd.f32 v10, v0;
	v28 =	vmax.f32 v2, $0.0e+00;
	v2 =	vmovc v36;
	v21 =	vadd.f32 v21, v38  }
0x1b8: {  	v33 =	vsub.f32 $8.269123730e-02, v22;
	v22 =	vmul.f32 v23, v12;
	v34 =	vpop (erf);
	v13 =	vadd.f32 $1.472065040e-06, v13  }
0x1b9: {  	v0 =	vadd.f32 v16, v0;
	v40 =	vmul.f32 $1.741407810e-02, v34;
	v36 =	vpop (erf);
	v23 =	vmul.f32 v21, v5  }
0x1ba: {  	v5 =	vmovc v29;
	v38 =	vmul.f32 $1.741407810e-02, v36;
	v41 =	vadd.f32 $-1.903543320e-01, v22;
	v22 =	vadd.f32 v13, v28  }
0x1bb: {  	v0 =	vadd.f32 v17, v0;
	v28 =	vmul.f32 v33, v18;
	v44 =	vsub.f32 $8.269123730e-02, v40;
	v35 =	vpop (erf)  }
0x1bc: {  	v29 =	vsub.f32 $8.269123730e-02, v38;
	v33 =	vmul.f32 $1.741407810e-02, v35;
	v38 =	vmul.f32 v41, v12;
	v39 =	vpop (erf)  }
0x1bd: {  	v42 =	vadd.f32 $-1.903543320e-01, v28;
	v40 =	vmul.f32 $1.741407810e-02, v39;
	v41 =	vmul.f32 v44, v34;
	v13 =	vpop (erf)  }
0x1be: {  	v0 =	vadd.f32 v5, v0;
	v28 =	vmul.f32 v29, v36;
	v29 =	vsub.f32 $8.269123730e-02, v33;
	v43 =	vpop (erf)  }
0x1bf: {  	v33 =	vsub.f32 $8.269123730e-02, v40;
	v40 =	vadd.f32 $-1.903543320e-01, v41;
	v41 =	vmul.f32 $1.741407810e-02, v43  }
0x1c0: {  	v44 =	vadd.f32 $-1.903543320e-01, v28;
	v29 =	vmul.f32 v29, v35;
	v28 =	vadd.f32 $3.157473210e-01, v38  }
0x1c1: {  	v33 =	vmul.f32 v33, v39;
	v38 =	vmul.f32 v40, v34;
	v40 =	vsub.f32 $8.269123730e-02, v41  }
0x1c2: {  	v0 =	vadd.f32 v4, v0;
	v41 =	vmul.f32 v44, v36;
	v29 =	vadd.f32 $-1.903543320e-01, v29  }
0x1c3: {  	v33 =	vadd.f32 $-1.903543320e-01, v33;
	v38 =	vadd.f32 $3.157473210e-01, v38;
	v40 =	vmul.f32 v40, v43  }
0x1c4: {  	v42 =	vmul.f32 v42, v18;
	v41 =	vadd.f32 $3.157473210e-01, v41;
	v29 =	vmul.f32 v29, v35  }
0x1c5: {  	v44 =	vmul.f32 v33, v39;
	v38 =	vmul.f32 v38, v34;
	v40 =	vadd.f32 $-1.903543320e-01, v40  }
0x1c6: {  	v33 =	vadd.f32 $3.157473210e-01, v42;
	v41 =	vmul.f32 v41, v36;
	v29 =	vadd.f32 $3.157473210e-01, v29  }
0x1c7: {  	v42 =	vadd.f32 $3.157473210e-01, v44;
	v38 =	vadd.f32 $-4.973732230e-01, v38;
	v40 =	vmul.f32 v40, v43  }
0x1c8: {  	v37 =	vadd.f32 v37, v27;
	v41 =	vadd.f32 $-4.973732230e-01, v41;
	v29 =	vmul.f32 v29, v35  }
0x1c9: {  	v27 =	vmul.f32 v42, v39;
	v38 =	vmul.f32 v38, v34;
	v40 =	vadd.f32 $3.157473210e-01, v40  }
0x1ca: {  	v20 =	vadd.f32 $1.472065040e-06, v20;
	v41 =	vmul.f32 v41, v36;
	v29 =	vadd.f32 $-4.973732230e-01, v29  }
0x1cb: {  	v27 =	vadd.f32 $-4.973732230e-01, v27;
	v38 =	vadd.f32 $9.998477100e-01, v38;
	v40 =	vmul.f32 v40, v43  }
0x1cc: {  	v25 =	vadd.f32 v20, v25;
	v41 =	vadd.f32 $9.998477100e-01, v41;
	v29 =	vmul.f32 v29, v35  }
0x1cd: {  	v20 =	vmul.f32 v27, v39;
	v27 =	vmul.f32 v38, v34;
	v34 =	vadd.f32 $-4.973732230e-01, v40  }
0x1ce: {  	v36 =	vmul.f32 v41, v36;
	v38 =	vadd.f32 $9.998477100e-01, v29;
	v29 =	vmul.f32 $1.741407810e-02, v13  }
0x1cf: {  	v40 =	vadd.f32 $9.998477100e-01, v20;
	v27 =	vadd.f32 $1.472065040e-06, v27;
	v41 =	vmul.f32 v34, v43  }
.Ltmp2:
0x1d0: {  	v30 =	vmax.f32 v30, $0.0e+00;
	v34 =	vadd.f32 $1.472065040e-06, v36;
	v20 =	vmul.f32 v38, v35;
	(pc) =	sbr.rel @p0 .LBB2_7-.Ltmp2, $4  }
0x1d1: {  	v35 =	vmul.f32 v40, v39;
	v30 =	vadd.f32 v27, v30;
	v27 =	vadd.f32 v25, v26  }
0x1d2: {  	v38 =	vmul.f32 v25, v6;
	v6 =	vmovc v16;
	v26 =	vmax.f32 v31, $0.0e+00;
	v36 =	vadd.f32 $9.998477100e-01, v41  }
0x1d3: {  	v31 =	vadd.f32 $1.472065040e-06, v35;
	v24 =	vmul.f32 v30, v24;
	v25 =	vadd.f32 v37, v27  }
0x1d4: {  	s29 =	sadd.s32 $0x400, s29;
	s28 =	sadd.s32 $0x400, s28;
	v16 =	vmul.f32 v37, v7;
	v7 =	vmovc v17;
	v32 =	vadd.f32 v38, v32;
	v27 =	vmul.f32 v36, v43  }
0x1d5: {  	v17 =	vsub.f32 $8.269123730e-02, v29;
	_ =	sdelay $0x1  }
0x1d6: {  	v26 =	vadd.f32 v31, v26;
	v17 =	vmul.f32 v17, v13  }
0x1d7: {  	v3 =	vmul.f32 v22, v3;
	v19 =	vmax.f32 v19, $0.0e+00;
	v21 =	vadd.f32 v21, v25  }
0x1d8: {  	v51 =	vmul.f32 v33, v18;
	v56 =	vadd.f32 $1.472065040e-06, v20;
	v17 =	vadd.f32 $-1.903543320e-01, v17  }
0x1d9: {  	v52 =	vmul.f32 v28, v12;
	v27 =	vadd.f32 $1.472065040e-06, v27;
	v16 =	vadd.f32 v16, v32  }
0x1da: {  	v19 =	vadd.f32 v34, v19;
	v21 =	vadd.f32 v22, v21;
	v17 =	vmul.f32 v17, v13  }
0x1db: {  	v14 =	vmax.f32 v14, $0.0e+00;
	v53 =	vadd.f32 $-4.973732230e-01, v51;
	v16 =	vadd.f32 v23, v16  }
0x1dc: {  	v8 =	vmul.f32 v26, v8;
	v21 =	vadd.f32 v26, v21;
	v17 =	vadd.f32 $3.157473210e-01, v17  }
0x1dd: {  	v54 =	vadd.f32 $-4.973732230e-01, v52;
	v55 =	vmul.f32 v53, v18;
	v3 =	vadd.f32 v3, v16  }
0x1de: {  	v15 =	vadd.f32 v27, v15;
	v21 =	vadd.f32 v30, v21;
	v17 =	vmul.f32 v17, v13  }
0x1df: {  	v16 =	vmul.f32 v54, v12;
	v3 =	vadd.f32 v8, v3;
	v8 =	vadd.f32 $9.998477100e-01, v55  }
0x1e0: {  	v9 =	vmul.f32 v19, v9;
	v19 =	vadd.f32 v19, v21;
	v17 =	vadd.f32 $-4.973732230e-01, v17  }
0x1e1: {  	v16 =	vadd.f32 $9.998477100e-01, v16;
	v3 =	vadd.f32 v24, v3;
	v8 =	vmul.f32 v8, v18  }
0x1e2: {  	v10 =	vmul.f32 v15, v10;
	v15 =	vadd.f32 v15, v19;
	v17 =	vmul.f32 v17, v13  }
0x1e3: {  	v57 =	vmul.f32 v16, v12;
	v3 =	vadd.f32 v9, v3;
	v8 =	vadd.f32 $1.472065040e-06, v8  }
0x1e4: {  	v11 =	vmax.f32 v11, $0.0e+00;
	v9 =	vadd.f32 v56, v14;
	v58 =	vadd.f32 $9.998477100e-01, v17  }
0x1e5: {  	v1 =	vmax.f32 v1, $0.0e+00;
	v12 =	vadd.f32 $1.472065040e-06, v57;
	v3 =	vadd.f32 v10, v3  }
0x1e6: {  	v8 =	vadd.f32 v8, v11;
	v6 =	vmul.f32 v9, v6;
	v59 =	vmul.f32 v58, v13  }
0x1e7: {  	v1 =	vadd.f32 v12, v1;
	v9 =	vadd.f32 v9, v15  }
0x1e8: {  	s25 =	sadd.s32 $0x1, s25;
	v3 =	vadd.f32 v6, v3;
	v61 =	vmul.f32 v8, v7;
	v60 =	vadd.f32 $1.472065040e-06, v59  }
0x1e9: {  	v2 =	vmax.f32 v2, $0.0e+00;
	p0 =	sne.s32 s25, $0x10;
	v63 =	vadd.f32 v8, v9  }
.Ltmp3:
0x1ea: {  	v3 =	vadd.f32 v61, v3;
	v62 =	vadd.f32 v60, v2;
	v2 =	vmul.f32 v1, v5;
	(pc) =	sbr.rel @p0 .LBB2_6-.Ltmp3, $3  }
0x1eb: {  	_ = 	snop  }
0x1ec: {  	v1 =	vadd.f32 v1, v63;
	v4 =	vmul.f32 v62, v4;
	v2 =	vadd.f32 v2, v3;
	_ =	sdelay $0x1  }
0x1ed: {  	s24 =	sadd.s32 $0x200, s24;
	s23 =	sadd.s32 $0x1, s23;
	v1 =	vadd.f32 v62, v1;
	v2 =	vadd.f32 v4, v2  }
0x1ee: {  	s23 =	simm.s32 $0x0  }
0x1ef: {  	[tilespmem:s14], [sflag:$0x3] =	stream.linear.gather [hbm4b:s9+s23], $0x2000, $0x38;
	[tilespmem:$0x8080] =	vst v63  }
0x1f0: {  	_ = 	snop  }
0x1f1: {  	[tilespmem:s15], [sflag:$0x4] =	stream.linear.gather [hbm4b:s10+s23], $0x2000, $0x38;
	[tilespmem:$0x8080] =	vst v63  }
0x1f2: {  	_ =	swait.ge [sflag:s16], $0x2000  }
0x1f3: {  	[sflag:s16] =	ssyncset.done $0x0  }
0x1f4: {  	[sflag:s16] =	ssyncadd.s32 $0xFFFFE000  }
0x1f5: {  	_ =	swait.ge [sflag:s17], $0x2000  }
0x1f6: {  	[sflag:s17] =	ssyncset.done $0x0  }
0x1f7: {  	s24 =	simm.s32 $0x0;
	s25 =	simm.s32 $0x0;
	[sflag:s17] =	ssyncadd.s32 $0xFFFFE000  }
.LBB2_10:
0x1f8: {  	s26 =	sshll.u32 s24, $0x2;
	s28 =	sand.u32 $0x7, s23  }
0x1f9: {  	s26 =	sand.u32 $0xFFFFC000, s26;
	s28 =	sshll.u32 s28, $0x9  }
0x1fa: {  	s26 =	sor.u32 s28, s26  }
0x1fb: {  	s26 =	sshrl.u32 s26, $0x2  }
0x1fc: {  	s28 =	sadd.s32 $0x2040, s26  }
0x1fd: {  	v3 =	vld [tilespmem:s28+$0x30]  }
0x1fe: {  	v13 =	vld [tilespmem:s28+$0x20]  }
0x1ff: {  	s26 =	sor.u32 $0x40, s26;
	v17 =	vld [tilespmem:s28+$0x0]  }
0x200: {  	v4 =	vld [tilespmem:s26+$0x20]  }
0x201: {  	v6 =	vld [tilespmem:s26+$0x30]  }
0x202: {  	v8 =	vld [tilespmem:s26+$0x10]  }
0x203: {  	v16 =	vld [tilespmem:s28+$0x10]  }
0x204: {  	v7 =	vld [tilespmem:s28+$0xFFFFFFE0]  }
0x205: {  	v14 =	vld [tilespmem:s26+$0xFFFFFFF0]  }
0x206: {  	v9 =	vld [tilespmem:s28+$0xFFFFFFF0]  }
0x207: {  	v5 =	vld [tilespmem:s28+$0xFFFFFFD0]  }
0x208: {  	v18 =	vld [tilespmem:s26+$0x0];
	v11 =	vmul.f32 v13, v4  }
0x209: {  	v21 =	vld [tilespmem:s26+$0xFFFFFFD0];
	v15 =	vmul.f32 v3, v6  }
0x20a: {  	v22 =	vld [tilespmem:s26+$0xFFFFFFE0];
	v19 =	vmul.f32 v16, v8;
	v4 =	vsub.f32 v4, v11  }
0x20b: {  	v10 =	vld [tilespmem:s28+$0xFFFFFFC0];
	v6 =	vsub.f32 v6, v15  }
0x20c: {  	v23 =	vmul.f32 v9, v14;
	v12 =	vsub.f32 v4, v11;
	v4 =	vsub.f32 v8, v19;
	v8 =	vld [tilespmem:s26+$0xFFFFFFC0]  }
0x20d: {  	v20 =	vsub.f32 v6, v15  }
0x20e: {  	v6 =	vsub.f32 v14, v23;
	v14 =	vmul.f32 v5, v21;
	v24 =	vand.u32 $0x7FFFFFFF, v12  }
0x20f: {  	v15 =	vmul.f32 v17, v18;
	v11 =	vsub.f32 v4, v19;
	v4 =	vsub.f32 $0.0e+00, v24  }
0x210: {  	v6 =	vsub.f32 v6, v23;
	v21 =	vsub.f32 v21, v14;
	v24 =	vmul.f32 v7, v22  }
0x211: {  	v18 =	vsub.f32 v18, v15;
	v4 =	vmul.f32 $1.442695020e+00, v4;
	v23 =	vmul.f32 v10, v8  }
0x212: {  	v19 =	vand.u32 $0x7FFFFFFF, v11;
	v26 =	vsub.f32 v21, v14;
	v22 =	vsub.f32 v22, v24  }
0x213: {  	v15 =	vsub.f32 v18, v15;
	(erf) = vpow2.f32 v4;
	v4 =	vsub.f32 v8, v23  }
0x214: {  	v19 =	vsub.f32 $0.0e+00, v19;
	v14 =	vand.u32 $0x7FFFFFFF, v26;
	v22 =	vsub.f32 v22, v24  }
0x215: {  	v18 =	vsub.f32 v4, v23;
	v4 =	vsub.f32 $0.0e+00, v14  }
0x216: {  	v25 =	vand.u32 $0x7FFFFFFF, v20;
	v19 =	vmul.f32 $1.442695020e+00, v19;
	v14 =	vand.u32 $0x7FFFFFFF, v22  }
0x217: {  	v21 =	vand.u32 $0x7FFFFFFF, v15;
	v14 =	vsub.f32 $0.0e+00, v14;
	v4 =	vmul.f32 $1.442695020e+00, v4  }
0x218: {  	v21 =	vsub.f32 $0.0e+00, v21;
	(erf) = vpow2.f32 v19;
	v23 =	vand.u32 $0x7FFFFFFF, v18  }
0x219: {  	v19 =	vsub.f32 $0.0e+00, v23;
	v14 =	vmul.f32 $1.442695020e+00, v14;
	(erf) = vpow2.f32 v4  }
0x21a: {  	v8 =	vand.u32 $0x7FFFFFFF, v6;
	v23 =	vsub.f32 $0.0e+00, v25;
	v4 =	vmul.f32 $1.442695020e+00, v21  }
0x21b: {  	v8 =	vsub.f32 $0.0e+00, v8;
	(erf) = vpow2.f32 v14;
	v14 =	vmul.f32 $1.442695020e+00, v19  }
0x21c: {  	v19 =	vmul.f32 $1.442695020e+00, v23;
	(erf) = vpow2.f32 v4  }
0x21d: {  	v8 =	vmul.f32 $1.442695020e+00, v8;
	v4 =	vadd.f32 v10, v0;
	(erf) = vpow2.f32 v14  }
0x21e: {  	(erf) = vpow2.f32 v19  }
0x21f: {  	v0 =	vpop (erf);
	v4 =	vadd.f32 v5, v4;
	(erf) = vpow2.f32 v8  }
0x220: {  	v8 =	vmul.f32 $1.741407810e-02, v0  }
0x221: {  	v14 =	vpop (erf);
	v4 =	vadd.f32 v7, v4  }
0x222: {  	v19 =	vmul.f32 $1.741407810e-02, v14;
	v8 =	vsub.f32 $8.269123730e-02, v8;
	v23 =	vpop (erf)  }
0x223: {  	v4 =	vadd.f32 v9, v4;
	v21 =	vmul.f32 $1.741407810e-02, v23  }
0x224: {  	v19 =	vsub.f32 $8.269123730e-02, v19;
	v8 =	vmul.f32 v8, v0;
	v24 =	vpop (erf)  }
0x225: {  	v4 =	vadd.f32 v17, v4;
	v25 =	vpop (erf)  }
0x226: {  	v58 =	vmax.f32 v12, $0.0e+00;
	v19 =	vmul.f32 v19, v14;
	v8 =	vadd.f32 $-1.903543320e-01, v8;
	v28 =	vpop (erf)  }
0x227: {  	v27 =	vmul.f32 $1.741407810e-02, v24;
	v29 =	vsub.f32 $8.269123730e-02, v21;
	v4 =	vadd.f32 v16, v4;
	v21 =	vpop (erf)  }
0x228: {  	v30 =	vmul.f32 $1.741407810e-02, v25;
	v19 =	vadd.f32 $-1.903543320e-01, v19;
	v31 =	vmul.f32 $1.741407810e-02, v28;
	v32 =	vpop (erf)  }
0x229: {  	v27 =	vsub.f32 $8.269123730e-02, v27;
	v29 =	vmul.f32 v29, v23;
	v33 =	vmul.f32 $1.741407810e-02, v32  }
0x22a: {  	v26 =	vmax.f32 v26, $0.0e+00;
	v30 =	vsub.f32 $8.269123730e-02, v30;
	v31 =	vsub.f32 $8.269123730e-02, v31  }
0x22b: {  	v27 =	vmul.f32 v27, v24;
	v29 =	vadd.f32 $-1.903543320e-01, v29;
	v33 =	vsub.f32 $8.269123730e-02, v33  }
0x22c: {  	v4 =	vadd.f32 v13, v4;
	v30 =	vmul.f32 v30, v25;
	v31 =	vmul.f32 v31, v28  }
0x22d: {  	v27 =	vadd.f32 $-1.903543320e-01, v27;
	v29 =	vmul.f32 v29, v23;
	v33 =	vmul.f32 v33, v32  }
0x22e: {  	v8 =	vmul.f32 v8, v0;
	v30 =	vadd.f32 $-1.903543320e-01, v30;
	v31 =	vadd.f32 $-1.903543320e-01, v31  }
0x22f: {  	v27 =	vmul.f32 v27, v24;
	v29 =	vadd.f32 $3.157473210e-01, v29;
	v33 =	vadd.f32 $-1.903543320e-01, v33  }
0x230: {  	v34 =	vadd.f32 $3.157473210e-01, v8;
	v8 =	vmul.f32 v30, v25;
	v30 =	vmul.f32 v31, v28  }
0x231: {  	v27 =	vadd.f32 $3.157473210e-01, v27;
	v29 =	vmul.f32 v29, v23;
	v31 =	vmul.f32 v33, v32  }
0x232: {  	v19 =	vmul.f32 v19, v14;
	v8 =	vadd.f32 $3.157473210e-01, v8;
	v30 =	vadd.f32 $3.157473210e-01, v30  }
0x233: {  	v27 =	vmul.f32 v27, v24;
	v29 =	vadd.f32 $-4.973732230e-01, v29;
	v31 =	vadd.f32 $3.157473210e-01, v31  }
0x234: {  	v50 =	vadd.f32 v3, v4;
	v4 =	vmul.f32 v8, v25;
	v8 =	vmul.f32 v30, v28  }
0x235: {  	v27 =	vadd.f32 $-4.973732230e-01, v27;
	v29 =	vmul.f32 v29, v23;
	v30 =	vmul.f32 v31, v32  }
0x236: {  	v22 =	vmax.f32 v22, $0.0e+00;
	v19 =	vadd.f32 $3.157473210e-01, v19;
	v8 =	vadd.f32 $-4.973732230e-01, v8  }
0x237: {  	v27 =	vmul.f32 v27, v24;
	v29 =	vadd.f32 $9.998477100e-01, v29;
	v30 =	vadd.f32 $-4.973732230e-01, v30  }
0x238: {  	v19 =	vmul.f32 v19, v14;
	v4 =	vadd.f32 $-4.973732230e-01, v4;
	v8 =	vmul.f32 v8, v28  }
0x239: {  	v27 =	vadd.f32 $9.998477100e-01, v27;
	v23 =	vmul.f32 v29, v23;
	v29 =	vmul.f32 v30, v32  }
0x23a: {  	s29 =	sadd.s32 $0x400, s28;
	s28 =	sadd.s32 $0x400, s26;
	v4 =	vmul.f32 v4, v25;
	v30 =	vmax.f32 v6, $0.0e+00;
	v6 =	vadd.f32 $9.998477100e-01, v8  }
0x23b: {  	v35 =	vld [tilespmem:s28+$0x10];
	v8 =	vmul.f32 v27, v24;
	v23 =	vadd.f32 $1.472065040e-06, v23;
	v24 =	vadd.f32 $9.998477100e-01, v29  }
0x23c: {  	v39 =	vld [tilespmem:s28+$0xFFFFFFD0];
	v19 =	vadd.f32 $-4.973732230e-01, v19;
	v4 =	vadd.f32 $9.998477100e-01, v4;
	v6 =	vmul.f32 v6, v28  }
0x23d: {  	v31 =	vld [tilespmem:s28+$0x30];
	v27 =	vmul.f32 $1.741407810e-02, v21;
	v23 =	vadd.f32 v23, v26;
	v26 =	vmul.f32 v24, v32  }
0x23e: {  	v18 =	vmax.f32 v18, $0.0e+00;
	v28 =	vadd.f32 $1.472065040e-06, v8;
	v8 =	vld [tilespmem:s29+$0xFFFFFFC0];
	v6 =	vadd.f32 $1.472065040e-06, v6  }
0x23f: {  	v24 =	vmul.f32 v4, v25;
	v25 =	vsub.f32 $8.269123730e-02, v27;
	v4 =	vld [tilespmem:s29+$0x30];
	v26 =	vadd.f32 $1.472065040e-06, v26  }
0x240: {  	v19 =	vmul.f32 v19, v14;
	v27 =	vmul.f32 v23, v5;
	v5 =	vld [tilespmem:s29+$0x20];
	v22 =	vadd.f32 v28, v22  }
0x241: {  	v18 =	vadd.f32 v6, v18;
	v25 =	vmul.f32 v25, v21;
	v28 =	vadd.f32 v26, v30;
	v30 =	vld [tilespmem:s28+$0x20]  }
0x242: {  	v54 =	vld [tilespmem:s28+$0xFFFFFFE0];
	v19 =	vadd.f32 $9.998477100e-01, v19;
	v51 =	vmul.f32 v22, v7;
	v26 =	vmul.f32 v34, v0  }
0x243: {  	v7 =	vld [tilespmem:s29+$0x10];
	v33 =	vadd.f32 v8, v50;
	v10 =	vmul.f32 v18, v10;
	v25 =	vadd.f32 $-1.903543320e-01, v25  }
0x244: {  	v1 =	vadd.f32 v18, v1;
	v36 =	vadd.f32 $-4.973732230e-01, v26;
	v26 =	vmax.f32 v15, $0.0e+00;
	v15 =	vld [tilespmem:s28+$0xFFFFFFF0]  }
0x245: {  	v38 =	vmul.f32 v4, v31;
	v25 =	vmul.f32 v25, v21;
	v2 =	vadd.f32 v10, v2;
	v10 =	vld [tilespmem:s29+$0xFFFFFFF0]  }
0x246: {  	v52 =	vmul.f32 v28, v9;
	v9 =	vld [tilespmem:s29+$0xFFFFFFE0];
	v1 =	vadd.f32 v23, v1;
	v18 =	vmul.f32 v5, v30  }
0x247: {  	v29 =	vmax.f32 v11, $0.0e+00;
	v6 =	vld [tilespmem:s29+$0x0];
	v31 =	vsub.f32 v31, v38;
	v37 =	vadd.f32 $3.157473210e-01, v25  }
0x248: {  	v25 =	vld [tilespmem:s29+$0xFFFFFFD0];
	v22 =	vadd.f32 v22, v1;
	v53 =	vmul.f32 v36, v0;
	v11 =	vsub.f32 v30, v18  }
0x249: {  	v23 =	vld [tilespmem:s28+$0x0];
	v2 =	vadd.f32 v27, v2;
	v37 =	vmul.f32 v37, v21;
	v30 =	vmul.f32 v7, v35  }
0x24a: {  	v27 =	vadd.f32 v28, v22;
	v22 =	vld [tilespmem:s28+$0xFFFFFFC0];
	v28 =	vmul.f32 v10, v15;
	v1 =	vsub.f32 v11, v18  }
0x24b: {  	v40 =	vmul.f32 v9, v54;
	v18 =	vadd.f32 v51, v2;
	v11 =	vsub.f32 v35, v30  }
0x24c: {  	v2 =	vsub.f32 v31, v38;
	v31 =	vmul.f32 v19, v14;
	v15 =	vsub.f32 v15, v28  }
0x24d: {  	v19 =	vmul.f32 v25, v39;
	v36 =	vsub.f32 v54, v40;
	v55 =	vand.u32 $0x7FFFFFFF, v1  }
0x24e: {  	v11 =	vsub.f32 v11, v30;
	v30 =	vmul.f32 v6, v23;
	v56 =	vand.u32 $0x7FFFFFFF, v2  }
0x24f: {  	v41 =	vmul.f32 v8, v22;
	v39 =	vsub.f32 v39, v19;
	v14 =	vsub.f32 $0.0e+00, v55  }
0x250: {  	v28 =	vsub.f32 v15, v28;
	v57 =	vand.u32 $0x7FFFFFFF, v11;
	v23 =	vsub.f32 v23, v30  }
0x251: {  	v39 =	vsub.f32 v39, v19;
	v22 =	vsub.f32 v22, v41;
	v14 =	vmul.f32 $1.442695020e+00, v14  }
0x252: {  	v15 =	vmax.f32 v28, $0.0e+00;
	v19 =	vsub.f32 v36, v40;
	v38 =	vsub.f32 $0.0e+00, v57  }
0x253: {  	v40 =	vsub.f32 v22, v41;
	(erf) = vpow2.f32 v14;
	v14 =	vand.u32 $0x7FFFFFFF, v28  }
0x254: {  	v12 =	vand.u32 $0x7FFFFFFF, v39;
	v59 =	vsub.f32 $0.0e+00, v14;
	v14 =	vsub.f32 v23, v30  }
0x255: {  	v22 =	vand.u32 $0x7FFFFFFF, v19;
	v28 =	vmul.f32 $1.442695020e+00, v38;
	v12 =	vsub.f32 $0.0e+00, v12  }
0x256: {  	v22 =	vsub.f32 $0.0e+00, v22;
	v38 =	vadd.f32 v52, v18;
	v30 =	vand.u32 $0x7FFFFFFF, v14  }
0x257: {  	(erf) = vpow2.f32 v28;
	v12 =	vmul.f32 $1.442695020e+00, v12;
	v30 =	vsub.f32 $0.0e+00, v30  }
0x258: {  	v18 =	vadd.f32 $-4.973732230e-01, v37;
	v28 =	vand.u32 $0x7FFFFFFF, v40;
	v22 =	vmul.f32 $1.442695020e+00, v22  }
0x259: {  	v28 =	vsub.f32 $0.0e+00, v28;
	(erf) = vpow2.f32 v12;
	v12 =	vmul.f32 $1.442695020e+00, v30  }
0x25a: {  	v60 =	vadd.f32 v25, v33;
	v35 =	vsub.f32 $0.0e+00, v56;
	(erf) = vpow2.f32 v22  }
0x25b: {  	v18 =	vmul.f32 v18, v21;
	v22 =	vmul.f32 $1.442695020e+00, v28;
	v30 =	vadd.f32 $9.998477100e-01, v53  }
0x25c: {  	v24 =	vadd.f32 $1.472065040e-06, v24;
	v28 =	vmul.f32 $1.442695020e+00, v35;
	(erf) = vpow2.f32 v12  }
0x25d: {  	v0 =	vmul.f32 v30, v0;
	v30 =	vadd.f32 v9, v60;
	(erf) = vpow2.f32 v22;
	v12 =	vpop (erf)  }
0x25e: {  	v24 =	vadd.f32 v24, v26;
	v23 =	vmul.f32 $1.442695020e+00, v59;
	v22 =	vmul.f32 $1.741407810e-02, v12  }
0x25f: {  	(erf) = vpow2.f32 v28;
	v28 =	vadd.f32 $9.998477100e-01, v18;
	v30 =	vadd.f32 v10, v30  }
0x260: {  	v0 =	vadd.f32 $1.472065040e-06, v0;
	(erf) = vpow2.f32 v23;
	v18 =	vpop (erf);
	v22 =	vsub.f32 $8.269123730e-02, v22  }
0x261: {  	v23 =	vmul.f32 $1.741407810e-02, v18;
	v28 =	vmul.f32 v28, v21;
	v30 =	vadd.f32 v6, v30  }
0x262: {  	v21 =	vadd.f32 v0, v58;
	v0 =	vmax.f32 v20, $0.0e+00;
	v61 =	vpop (erf);
	v22 =	vmul.f32 v22, v12  }
0x263: {  	v20 =	vsub.f32 $8.269123730e-02, v23;
	v28 =	vadd.f32 $1.472065040e-06, v28;
	v62 =	vmul.f32 $1.741407810e-02, v61;
	v63 =	vpop (erf)  }
0x264: {  	v23 =	vmul.f32 v21, v13;
	v13 =	vmul.f32 $1.741407810e-02, v63;
	v45 =	vadd.f32 $-1.903543320e-01, v22  }
0x265: {  	v17 =	vmul.f32 v24, v17;
	v22 =	vadd.f32 v28, v0;
	v28 =	vadd.f32 v7, v30;
	v30 =	vpop (erf)  }
0x266: {  	v31 =	vadd.f32 $1.472065040e-06, v31;
	v20 =	vmul.f32 v20, v18;
	v0 =	vsub.f32 $8.269123730e-02, v62;
	v48 =	vpop (erf)  }
0x267: {  	v46 =	vsub.f32 $8.269123730e-02, v13;
	v47 =	vmul.f32 $1.741407810e-02, v30;
	v49 =	vmul.f32 $1.741407810e-02, v48  }
0x268: {  	v20 =	vadd.f32 $-1.903543320e-01, v20;
	v35 =	vmul.f32 v45, v12;
	v0 =	vmul.f32 v0, v61;
	v13 =	vpop (erf)  }
0x269: {  	v33 =	vmul.f32 v46, v63;
	v42 =	vadd.f32 v5, v28;
	v43 =	vpop (erf);
	v41 =	vsub.f32 $8.269123730e-02, v49  }
0x26a: {  	v36 =	vsub.f32 $8.269123730e-02, v47;
	v0 =	vadd.f32 $-1.903543320e-01, v0;
	v44 =	vmul.f32 $1.741407810e-02, v43  }
0x26b: {  	v20 =	vmul.f32 v20, v18;
	v33 =	vadd.f32 $-1.903543320e-01, v33;
	v50 =	vmul.f32 v41, v48  }
0x26c: {  	v36 =	vmul.f32 v36, v30;
	v51 =	vmul.f32 v0, v61;
	v44 =	vsub.f32 $8.269123730e-02, v44  }
0x26d: {  	v28 =	vadd.f32 $3.157473210e-01, v35;
	v33 =	vmul.f32 v33, v63;
	v35 =	vadd.f32 $-1.903543320e-01, v50  }
0x26e: {  	v36 =	vadd.f32 $-1.903543320e-01, v36;
	v41 =	vadd.f32 $3.157473210e-01, v51;
	v52 =	vmul.f32 v44, v43  }
0x26f: {  	v0 =	vadd.f32 v4, v42;
	v33 =	vadd.f32 $3.157473210e-01, v33;
	v35 =	vmul.f32 v35, v48  }
0x270: {  	v36 =	vmul.f32 v36, v30;
	v41 =	vmul.f32 v41, v61;
	v42 =	vadd.f32 $-1.903543320e-01, v52  }
0x271: {  	v53 =	vmul.f32 v33, v63;
	v33 =	vadd.f32 $3.157473210e-01, v20;
	v20 =	vadd.f32 $3.157473210e-01, v35  }
0x272: {  	v36 =	vadd.f32 $3.157473210e-01, v36;
	v54 =	vadd.f32 $-4.973732230e-01, v41;
	v55 =	vmul.f32 v42, v43  }
0x273: {  	v57 =	vadd.f32 v31, v29;
	v56 =	vadd.f32 $-4.973732230e-01, v53;
	v20 =	vmul.f32 v20, v48  }
0x274: {  	v36 =	vmul.f32 v36, v30;
	v29 =	vmul.f32 v54, v61;
	v31 =	vadd.f32 $3.157473210e-01, v55  }
0x275: {  	v27 =	vadd.f32 v24, v27;
	v58 =	vmul.f32 v56, v63;
	v20 =	vadd.f32 $-4.973732230e-01, v20  }
0x276: {  	v36 =	vadd.f32 $-4.973732230e-01, v36;
	v29 =	vadd.f32 $9.998477100e-01, v29;
	v31 =	vmul.f32 v31, v43  }
0x277: {  	v39 =	vmax.f32 v39, $0.0e+00;
	v35 =	vadd.f32 $9.998477100e-01, v58;
	v20 =	vmul.f32 v20, v48  }
0x278: {  	v36 =	vmul.f32 v36, v30;
	v26 =	vmul.f32 v29, v61;
	v31 =	vadd.f32 $-4.973732230e-01, v31  }
0x279: {  	v16 =	vmul.f32 v57, v16;
	v59 =	vmul.f32 v35, v63;
	v61 =	vadd.f32 $9.998477100e-01, v20  }
0x27a: {  	v60 =	vadd.f32 $9.998477100e-01, v36;
	v26 =	vadd.f32 $1.472065040e-06, v26;
	v31 =	vmul.f32 v31, v43  }
0x27b: {  	v32 =	vadd.f32 v17, v38;
	v29 =	vmul.f32 $1.741407810e-02, v13;
	v62 =	vmul.f32 v61, v48  }
0x27c: {  	v20 =	vmul.f32 v60, v30;
	v30 =	vadd.f32 v26, v39;
	v63 =	vadd.f32 $9.998477100e-01, v31  }
0x27d: {  	v34 =	vadd.f32 $1.472065040e-06, v59;
	v26 =	vmax.f32 v40, $0.0e+00;
	v31 =	vadd.f32 $1.472065040e-06, v62  }
0x27e: {  	s26 =	simm.s32 $0x8;
	s29 =	sadd.s32 $0x400, s29;
	s28 =	sadd.s32 $0x400, s28;
	v24 =	vmul.f32 v30, v25;
	v25 =	vadd.f32 v57, v27;
	v27 =	vmul.f32 v63, v43  }
.LBB2_11:
0x27f: {  	v17 =	vld [tilespmem:s29+$0xFFFFFFC0];
	s26 =	sadd.s32 $0x8, s26;
	v26 =	vadd.f32 v31, v26;
	v31 =	vsub.f32 $8.269123730e-02, v29;
	v35 =	vmul.f32 v22, v3;
	v3 =	vmovc v4  }
0x280: {  	v19 =	vmax.f32 v19, $0.0e+00;
	v4 =	vld [tilespmem:s29+$0x30];
	p0 =	slt.u32 s26, $0x18;
	v27 =	vadd.f32 $1.472065040e-06, v27;
	v32 =	vadd.f32 v16, v32  }
0x281: {  	v37 =	vmul.f32 v33, v18;
	v19 =	vadd.f32 v34, v19;
	v29 =	vld [tilespmem:s29+$0x20];
	v36 =	vmul.f32 v26, v8  }
0x282: {  	v16 =	vld [tilespmem:s29+$0x0];
	v15 =	vadd.f32 v27, v15;
	v27 =	vmul.f32 v31, v13;
	v23 =	vadd.f32 v23, v32  }
0x283: {  	v33 =	vadd.f32 $-4.973732230e-01, v37;
	v32 =	vmul.f32 v19, v9;
	v9 =	vadd.f32 v21, v25;
	v31 =	vld [tilespmem:s28+$0x20]  }
0x284: {  	v21 =	vld [tilespmem:s28+$0x30];
	v34 =	vmul.f32 v15, v10;
	v10 =	vmul.f32 v28, v12;
	v27 =	vadd.f32 $-1.903543320e-01, v27;
	v8 =	vmovc v17  }
0x285: {  	v25 =	vmax.f32 v14, $0.0e+00;
	v14 =	vadd.f32 v35, v23;
	v22 =	vadd.f32 v22, v9;
	v28 =	vld [tilespmem:s28+$0x10]  }
0x286: {  	v0 =	vadd.f32 v8, v0;
	v17 =	vld [tilespmem:s29+$0x10];
	v23 =	vadd.f32 $-4.973732230e-01, v10;
	v10 =	vmul.f32 v27, v13  }
0x287: {  	v14 =	vadd.f32 v36, v14;
	v22 =	vadd.f32 v26, v22;
	v27 =	vmax.f32 v11, $0.0e+00;
	v9 =	vld [tilespmem:s29+$0xFFFFFFE0]  }
0x288: {  	v26 =	vmul.f32 v33, v18;
	v35 =	vld [tilespmem:s28+$0xFFFFFFF0];
	v11 =	vmul.f32 v29, v31;
	v33 =	vadd.f32 $3.157473210e-01, v10  }
0x289: {  	v14 =	vadd.f32 v24, v14;
	v22 =	vadd.f32 v30, v22;
	v10 =	vld [tilespmem:s29+$0xFFFFFFF0];
	v36 =	vmul.f32 v4, v21  }
0x28a: {  	v24 =	vld [tilespmem:s29+$0xFFFFFFD0];
	v30 =	vsub.f32 v31, v11;
	v31 =	vadd.f32 $9.998477100e-01, v26;
	v33 =	vmul.f32 v33, v13  }
0x28b: {  	v19 =	vadd.f32 v19, v22;
	v37 =	vld [tilespmem:s28+$0x0];
	v38 =	vmul.f32 v17, v28;
	v21 =	vsub.f32 v21, v36  }
0x28c: {  	v23 =	vmul.f32 v23, v12;
	v32 =	vadd.f32 v32, v14;
	v22 =	vld [tilespmem:s28+$0xFFFFFFD0];
	v39 =	vsub.f32 v30, v11  }
0x28d: {  	v26 =	vadd.f32 v15, v19;
	v18 =	vmul.f32 v31, v18;
	v14 =	vld [tilespmem:s28+$0xFFFFFFE0];
	v11 =	vsub.f32 v28, v38  }
0x28e: {  	v36 =	vsub.f32 v21, v36;
	v19 =	vld [tilespmem:s28+$0xFFFFFFC0];
	v15 =	vmul.f32 v10, v35;
	v28 =	vand.u32 $0x7FFFFFFF, v39  }
0x28f: {  	v11 =	vsub.f32 v11, v38;
	v21 =	vsub.f32 $0.0e+00, v28  }
0x290: {  	v28 =	vsub.f32 v35, v15;
	v31 =	vmul.f32 v16, v37;
	v35 =	vand.u32 $0x7FFFFFFF, v36  }
0x291: {  	v30 =	vmul.f32 v24, v22;
	v38 =	vand.u32 $0x7FFFFFFF, v11;
	v21 =	vmul.f32 $1.442695020e+00, v21  }
0x292: {  	v40 =	vmul.f32 v9, v14;
	v28 =	vsub.f32 v28, v15;
	v38 =	vsub.f32 $0.0e+00, v38  }
0x293: {  	v37 =	vsub.f32 v37, v31;
	v41 =	vmul.f32 v8, v19;
	v22 =	vsub.f32 v22, v30  }
0x294: {  	v14 =	vsub.f32 v14, v40;
	v15 =	vmax.f32 v28, $0.0e+00;
	(erf) = vpow2.f32 v21  }
0x295: {  	v21 =	vand.u32 $0x7FFFFFFF, v28;
	v30 =	vsub.f32 v22, v30;
	v22 =	vmul.f32 $1.442695020e+00, v38  }
0x296: {  	v28 =	vsub.f32 v19, v41;
	v38 =	vmax.f32 v1, $0.0e+00;
	v1 =	vmovc v39;
	v19 =	vsub.f32 v14, v40  }
0x297: {  	v21 =	vsub.f32 $0.0e+00, v21;
	v14 =	vsub.f32 v37, v31;
	v39 =	vand.u32 $0x7FFFFFFF, v30  }
0x298: {  	v31 =	vsub.f32 v28, v41;
	v28 =	vsub.f32 $0.0e+00, v39;
	v37 =	vand.u32 $0x7FFFFFFF, v19  }
0x299: {  	v21 =	vmul.f32 $1.442695020e+00, v21;
	v37 =	vsub.f32 $0.0e+00, v37;
	(erf) = vpow2.f32 v22  }
0x29a: {  	v39 =	vand.u32 $0x7FFFFFFF, v14;
	v22 =	vand.u32 $0x7FFFFFFF, v31;
	v28 =	vmul.f32 $1.442695020e+00, v28  }
0x29b: {  	v39 =	vsub.f32 $0.0e+00, v39;
	v22 =	vsub.f32 $0.0e+00, v22;
	v37 =	vmul.f32 $1.442695020e+00, v37  }
0x29c: {  	v32 =	vadd.f32 v34, v32;
	v35 =	vsub.f32 $0.0e+00, v35;
	(erf) = vpow2.f32 v28  }
0x29d: {  	v33 =	vadd.f32 $-4.973732230e-01, v33;
	v28 =	vmul.f32 $1.442695020e+00, v39;
	(erf) = vpow2.f32 v37;
	v34 =	vpop (erf)  }
0x29e: {  	v23 =	vadd.f32 $9.998477100e-01, v23;
	v35 =	vmul.f32 $1.442695020e+00, v35;
	v22 =	vmul.f32 $1.442695020e+00, v22  }
0x29f: {  	v0 =	vadd.f32 v24, v0;
	(erf) = vpow2.f32 v28;
	v28 =	vmul.f32 v33, v13  }
0x2a0: {  	v37 =	vadd.f32 $1.472065040e-06, v18;
	(erf) = vpow2.f32 v22;
	v22 =	vmul.f32 v23, v12;
	v12 =	vmovc v34  }
0x2a1: {  	v23 =	vmul.f32 $1.741407810e-02, v12;
	(erf) = vpow2.f32 v35;
	v28 =	vadd.f32 $9.998477100e-01, v28  }
0x2a2: {  	v0 =	vadd.f32 v9, v0;
	(erf) = vpow2.f32 v21;
	v18 =	vpop (erf);
	v21 =	vadd.f32 $1.472065040e-06, v22  }
0x2a3: {  	v22 =	vmul.f32 $1.741407810e-02, v18;
	v23 =	vsub.f32 $8.269123730e-02, v23;
	v13 =	vmul.f32 v28, v13  }
0x2a4: {  	v0 =	vadd.f32 v10, v0;
	v28 =	vmax.f32 v2, $0.0e+00;
	v2 =	vmovc v36;
	v21 =	vadd.f32 v21, v38  }
0x2a5: {  	v33 =	vsub.f32 $8.269123730e-02, v22;
	v22 =	vmul.f32 v23, v12;
	v34 =	vpop (erf);
	v13 =	vadd.f32 $1.472065040e-06, v13  }
0x2a6: {  	v0 =	vadd.f32 v16, v0;
	v40 =	vmul.f32 $1.741407810e-02, v34;
	v36 =	vpop (erf);
	v23 =	vmul.f32 v21, v5  }
0x2a7: {  	v5 =	vmovc v29;
	v38 =	vmul.f32 $1.741407810e-02, v36;
	v41 =	vadd.f32 $-1.903543320e-01, v22;
	v22 =	vadd.f32 v13, v28  }
0x2a8: {  	v0 =	vadd.f32 v17, v0;
	v28 =	vmul.f32 v33, v18;
	v44 =	vsub.f32 $8.269123730e-02, v40;
	v35 =	vpop (erf)  }
0x2a9: {  	v29 =	vsub.f32 $8.269123730e-02, v38;
	v33 =	vmul.f32 $1.741407810e-02, v35;
	v38 =	vmul.f32 v41, v12;
	v39 =	vpop (erf)  }
0x2aa: {  	v42 =	vadd.f32 $-1.903543320e-01, v28;
	v40 =	vmul.f32 $1.741407810e-02, v39;
	v41 =	vmul.f32 v44, v34;
	v13 =	vpop (erf)  }
0x2ab: {  	v0 =	vadd.f32 v5, v0;
	v28 =	vmul.f32 v29, v36;
	v29 =	vsub.f32 $8.269123730e-02, v33;
	v43 =	vpop (erf)  }
0x2ac: {  	v33 =	vsub.f32 $8.269123730e-02, v40;
	v40 =	vadd.f32 $-1.903543320e-01, v41;
	v41 =	vmul.f32 $1.741407810e-02, v43  }
0x2ad: {  	v44 =	vadd.f32 $-1.903543320e-01, v28;
	v29 =	vmul.f32 v29, v35;
	v28 =	vadd.f32 $3.157473210e-01, v38  }
0x2ae: {  	v33 =	vmul.f32 v33, v39;
	v38 =	vmul.f32 v40, v34;
	v40 =	vsub.f32 $8.269123730e-02, v41  }
0x2af: {  	v0 =	vadd.f32 v4, v0;
	v41 =	vmul.f32 v44, v36;
	v29 =	vadd.f32 $-1.903543320e-01, v29  }
0x2b0: {  	v33 =	vadd.f32 $-1.903543320e-01, v33;
	v38 =	vadd.f32 $3.157473210e-01, v38;
	v40 =	vmul.f32 v40, v43  }
0x2b1: {  	v42 =	vmul.f32 v42, v18;
	v41 =	vadd.f32 $3.157473210e-01, v41;
	v29 =	vmul.f32 v29, v35  }
0x2b2: {  	v44 =	vmul.f32 v33, v39;
	v38 =	vmul.f32 v38, v34;
	v40 =	vadd.f32 $-1.903543320e-01, v40  }
0x2b3: {  	v33 =	vadd.f32 $3.157473210e-01, v42;
	v41 =	vmul.f32 v41, v36;
	v29 =	vadd.f32 $3.157473210e-01, v29  }
0x2b4: {  	v42 =	vadd.f32 $3.157473210e-01, v44;
	v38 =	vadd.f32 $-4.973732230e-01, v38;
	v40 =	vmul.f32 v40, v43  }
0x2b5: {  	v37 =	vadd.f32 v37, v27;
	v41 =	vadd.f32 $-4.973732230e-01, v41;
	v29 =	vmul.f32 v29, v35  }
0x2b6: {  	v27 =	vmul.f32 v42, v39;
	v38 =	vmul.f32 v38, v34;
	v40 =	vadd.f32 $3.157473210e-01, v40  }
0x2b7: {  	v20 =	vadd.f32 $1.472065040e-06, v20;
	v41 =	vmul.f32 v41, v36;
	v29 =	vadd.f32 $-4.973732230e-01, v29  }
0x2b8: {  	v27 =	vadd.f32 $-4.973732230e-01, v27;
	v38 =	vadd.f32 $9.998477100e-01, v38;
	v40 =	vmul.f32 v40, v43  }
0x2b9: {  	v25 =	vadd.f32 v20, v25;
	v41 =	vadd.f32 $9.998477100e-01, v41;
	v29 =	vmul.f32 v29, v35  }
0x2ba: {  	v20 =	vmul.f32 v27, v39;
	v27 =	vmul.f32 v38, v34;
	v34 =	vadd.f32 $-4.973732230e-01, v40  }
0x2bb: {  	v36 =	vmul.f32 v41, v36;
	v38 =	vadd.f32 $9.998477100e-01, v29;
	v29 =	vmul.f32 $1.741407810e-02, v13  }
0x2bc: {  	v40 =	vadd.f32 $9.998477100e-01, v20;
	v27 =	vadd.f32 $1.472065040e-06, v27;
	v41 =	vmul.f32 v34, v43  }
.Ltmp4:
0x2bd: {  	v30 =	vmax.f32 v30, $0.0e+00;
	v34 =	vadd.f32 $1.472065040e-06, v36;
	v20 =	vmul.f32 v38, v35;
	(pc) =	sbr.rel @p0 .LBB2_11-.Ltmp4, $4  }
0x2be: {  	v35 =	vmul.f32 v40, v39;
	v30 =	vadd.f32 v27, v30;
	v27 =	vadd.f32 v25, v26  }
0x2bf: {  	v38 =	vmul.f32 v25, v6;
	v6 =	vmovc v16;
	v26 =	vmax.f32 v31, $0.0e+00;
	v36 =	vadd.f32 $9.998477100e-01, v41  }
0x2c0: {  	v31 =	vadd.f32 $1.472065040e-06, v35;
	v24 =	vmul.f32 v30, v24;
	v25 =	vadd.f32 v37, v27  }
0x2c1: {  	s29 =	sadd.s32 $0x400, s29;
	s28 =	sadd.s32 $0x400, s28;
	v16 =	vmul.f32 v37, v7;
	v7 =	vmovc v17;
	v32 =	vadd.f32 v38, v32;
	v27 =	vmul.f32 v36, v43  }
0x2c2: {  	v17 =	vsub.f32 $8.269123730e-02, v29;
	_ =	sdelay $0x1  }
0x2c3: {  	v26 =	vadd.f32 v31, v26;
	v17 =	vmul.f32 v17, v13  }
0x2c4: {  	v3 =	vmul.f32 v22, v3;
	v19 =	vmax.f32 v19, $0.0e+00;
	v21 =	vadd.f32 v21, v25  }
0x2c5: {  	v51 =	vmul.f32 v33, v18;
	v56 =	vadd.f32 $1.472065040e-06, v20;
	v17 =	vadd.f32 $-1.903543320e-01, v17  }
0x2c6: {  	v52 =	vmul.f32 v28, v12;
	v27 =	vadd.f32 $1.472065040e-06, v27;
	v16 =	vadd.f32 v16, v32  }
0x2c7: {  	v19 =	vadd.f32 v34, v19;
	v21 =	vadd.f32 v22, v21;
	v17 =	vmul.f32 v17, v13  }
0x2c8: {  	v14 =	vmax.f32 v14, $0.0e+00;
	v53 =	vadd.f32 $-4.973732230e-01, v51;
	v16 =	vadd.f32 v23, v16  }
0x2c9: {  	v8 =	vmul.f32 v26, v8;
	v21 =	vadd.f32 v26, v21;
	v17 =	vadd.f32 $3.157473210e-01, v17  }
0x2ca: {  	v54 =	vadd.f32 $-4.973732230e-01, v52;
	v55 =	vmul.f32 v53, v18;
	v3 =	vadd.f32 v3, v16  }
0x2cb: {  	v15 =	vadd.f32 v27, v15;
	v21 =	vadd.f32 v30, v21;
	v17 =	vmul.f32 v17, v13  }
0x2cc: {  	v16 =	vmul.f32 v54, v12;
	v3 =	vadd.f32 v8, v3;
	v8 =	vadd.f32 $9.998477100e-01, v55  }
0x2cd: {  	v9 =	vmul.f32 v19, v9;
	v19 =	vadd.f32 v19, v21;
	v17 =	vadd.f32 $-4.973732230e-01, v17  }
0x2ce: {  	v16 =	vadd.f32 $9.998477100e-01, v16;
	v3 =	vadd.f32 v24, v3;
	v8 =	vmul.f32 v8, v18  }
0x2cf: {  	v10 =	vmul.f32 v15, v10;
	v15 =	vadd.f32 v15, v19;
	v17 =	vmul.f32 v17, v13  }
0x2d0: {  	v57 =	vmul.f32 v16, v12;
	v3 =	vadd.f32 v9, v3;
	v8 =	vadd.f32 $1.472065040e-06, v8  }
0x2d1: {  	v11 =	vmax.f32 v11, $0.0e+00;
	v9 =	vadd.f32 v56, v14;
	v58 =	vadd.f32 $9.998477100e-01, v17  }
0x2d2: {  	v1 =	vmax.f32 v1, $0.0e+00;
	v12 =	vadd.f32 $1.472065040e-06, v57;
	v3 =	vadd.f32 v10, v3  }
0x2d3: {  	v8 =	vadd.f32 v8, v11;
	v6 =	vmul.f32 v9, v6;
	v59 =	vmul.f32 v58, v13  }
0x2d4: {  	v1 =	vadd.f32 v12, v1;
	v9 =	vadd.f32 v9, v15  }
0x2d5: {  	s25 =	sadd.s32 $0x1, s25;
	v3 =	vadd.f32 v6, v3;
	v61 =	vmul.f32 v8, v7;
	v60 =	vadd.f32 $1.472065040e-06, v59  }
0x2d6: {  	v2 =	vmax.f32 v2, $0.0e+00;
	p0 =	sne.s32 s25, $0x10;
	v63 =	vadd.f32 v8, v9  }
.Ltmp5:
0x2d7: {  	v3 =	vadd.f32 v61, v3;
	v62 =	vadd.f32 v60, v2;
	v2 =	vmul.f32 v1, v5;
	(pc) =	sbr.rel @p0 .LBB2_10-.Ltmp5, $3  }
0x2d8: {  	_ = 	snop  }
0x2d9: {  	v1 =	vadd.f32 v1, v63;
	v4 =	vmul.f32 v62, v4;
	v2 =	vadd.f32 v2, v3;
	_ =	sdelay $0x1  }
0x2da: {  	s24 =	sadd.s32 $0x200, s24;
	s23 =	sadd.s32 $0x1, s23;
	v1 =	vadd.f32 v62, v1;
	v2 =	vadd.f32 v4, v2  }
0x2db: {  	_ =	swait.ge [sflag:s18], $0x2000  }
0x2dc: {  	[sflag:s18] =	ssyncset.done $0x0  }
0x2dd: {  	[sflag:s18] =	ssyncadd.s32 $0xFFFFE000  }
0x2de: {  	_ =	swait.ge [sflag:s19], $0x2000  }
0x2df: {  	s23 =	simm.s32 $0x0;
	[sflag:s19] =	ssyncset.done $0x0  }
0x2e0: {  	s24 =	simm.s32 $0x0;
	s25 =	simm.s32 $0x0;
	[sflag:s19] =	ssyncadd.s32 $0xFFFFE000  }
.LBB2_14:
0x2e1: {  	s26 =	sshll.u32 s24, $0x2;
	s28 =	sand.u32 $0x7, s23  }
0x2e2: {  	s26 =	sand.u32 $0xFFFFC000, s26;
	s28 =	sshll.u32 s28, $0x9  }
0x2e3: {  	s26 =	sor.u32 s28, s26  }
0x2e4: {  	s26 =	sshrl.u32 s26, $0x2  }
0x2e5: {  	s28 =	sadd.s32 $0x6040, s26  }
0x2e6: {  	v3 =	vld [tilespmem:s28+$0x30]  }
0x2e7: {  	v13 =	vld [tilespmem:s28+$0x20]  }
0x2e8: {  	s26 =	sadd.s32 $0x4040, s26;
	v17 =	vld [tilespmem:s28+$0x0]  }
0x2e9: {  	v4 =	vld [tilespmem:s26+$0x20]  }
0x2ea: {  	v6 =	vld [tilespmem:s26+$0x30]  }
0x2eb: {  	v8 =	vld [tilespmem:s26+$0x10]  }
0x2ec: {  	v16 =	vld [tilespmem:s28+$0x10]  }
0x2ed: {  	v7 =	vld [tilespmem:s28+$0xFFFFFFE0]  }
0x2ee: {  	v14 =	vld [tilespmem:s26+$0xFFFFFFF0]  }
0x2ef: {  	v9 =	vld [tilespmem:s28+$0xFFFFFFF0]  }
0x2f0: {  	v5 =	vld [tilespmem:s28+$0xFFFFFFD0]  }
0x2f1: {  	v18 =	vld [tilespmem:s26+$0x0];
	v11 =	vmul.f32 v13, v4  }
0x2f2: {  	v21 =	vld [tilespmem:s26+$0xFFFFFFD0];
	v15 =	vmul.f32 v3, v6  }
0x2f3: {  	v22 =	vld [tilespmem:s26+$0xFFFFFFE0];
	v19 =	vmul.f32 v16, v8;
	v4 =	vsub.f32 v4, v11  }
0x2f4: {  	v10 =	vld [tilespmem:s28+$0xFFFFFFC0];
	v6 =	vsub.f32 v6, v15  }
0x2f5: {  	v23 =	vmul.f32 v9, v14;
	v12 =	vsub.f32 v4, v11;
	v4 =	vsub.f32 v8, v19;
	v8 =	vld [tilespmem:s26+$0xFFFFFFC0]  }
0x2f6: {  	v20 =	vsub.f32 v6, v15  }
0x2f7: {  	v6 =	vsub.f32 v14, v23;
	v14 =	vmul.f32 v5, v21;
	v24 =	vand.u32 $0x7FFFFFFF, v12  }
0x2f8: {  	v15 =	vmul.f32 v17, v18;
	v11 =	vsub.f32 v4, v19;
	v4 =	vsub.f32 $0.0e+00, v24  }
0x2f9: {  	v6 =	vsub.f32 v6, v23;
	v21 =	vsub.f32 v21, v14;
	v24 =	vmul.f32 v7, v22  }
0x2fa: {  	v18 =	vsub.f32 v18, v15;
	v4 =	vmul.f32 $1.442695020e+00, v4;
	v23 =	vmul.f32 v10, v8  }
0x2fb: {  	v19 =	vand.u32 $0x7FFFFFFF, v11;
	v26 =	vsub.f32 v21, v14;
	v22 =	vsub.f32 v22, v24  }
0x2fc: {  	v15 =	vsub.f32 v18, v15;
	(erf) = vpow2.f32 v4;
	v4 =	vsub.f32 v8, v23  }
0x2fd: {  	v19 =	vsub.f32 $0.0e+00, v19;
	v14 =	vand.u32 $0x7FFFFFFF, v26;
	v22 =	vsub.f32 v22, v24  }
0x2fe: {  	v18 =	vsub.f32 v4, v23;
	v4 =	vsub.f32 $0.0e+00, v14  }
0x2ff: {  	v25 =	vand.u32 $0x7FFFFFFF, v20;
	v19 =	vmul.f32 $1.442695020e+00, v19;
	v14 =	vand.u32 $0x7FFFFFFF, v22  }
0x300: {  	v21 =	vand.u32 $0x7FFFFFFF, v15;
	v14 =	vsub.f32 $0.0e+00, v14;
	v4 =	vmul.f32 $1.442695020e+00, v4  }
0x301: {  	v21 =	vsub.f32 $0.0e+00, v21;
	(erf) = vpow2.f32 v19;
	v23 =	vand.u32 $0x7FFFFFFF, v18  }
0x302: {  	v19 =	vsub.f32 $0.0e+00, v23;
	v14 =	vmul.f32 $1.442695020e+00, v14;
	(erf) = vpow2.f32 v4  }
0x303: {  	v8 =	vand.u32 $0x7FFFFFFF, v6;
	v23 =	vsub.f32 $0.0e+00, v25;
	v4 =	vmul.f32 $1.442695020e+00, v21  }
0x304: {  	v8 =	vsub.f32 $0.0e+00, v8;
	(erf) = vpow2.f32 v14;
	v14 =	vmul.f32 $1.442695020e+00, v19  }
0x305: {  	v19 =	vmul.f32 $1.442695020e+00, v23;
	(erf) = vpow2.f32 v4  }
0x306: {  	v8 =	vmul.f32 $1.442695020e+00, v8;
	v4 =	vadd.f32 v10, v0;
	(erf) = vpow2.f32 v14  }
0x307: {  	(erf) = vpow2.f32 v19  }
0x308: {  	v0 =	vpop (erf);
	v4 =	vadd.f32 v5, v4;
	(erf) = vpow2.f32 v8  }
0x309: {  	v8 =	vmul.f32 $1.741407810e-02, v0  }
0x30a: {  	v14 =	vpop (erf);
	v4 =	vadd.f32 v7, v4  }
0x30b: {  	v19 =	vmul.f32 $1.741407810e-02, v14;
	v8 =	vsub.f32 $8.269123730e-02, v8;
	v23 =	vpop (erf)  }
0x30c: {  	v4 =	vadd.f32 v9, v4;
	v21 =	vmul.f32 $1.741407810e-02, v23  }
0x30d: {  	v19 =	vsub.f32 $8.269123730e-02, v19;
	v8 =	vmul.f32 v8, v0;
	v24 =	vpop (erf)  }
0x30e: {  	v4 =	vadd.f32 v17, v4;
	v25 =	vpop (erf)  }
0x30f: {  	v58 =	vmax.f32 v12, $0.0e+00;
	v19 =	vmul.f32 v19, v14;
	v8 =	vadd.f32 $-1.903543320e-01, v8;
	v28 =	vpop (erf)  }
0x310: {  	v27 =	vmul.f32 $1.741407810e-02, v24;
	v29 =	vsub.f32 $8.269123730e-02, v21;
	v4 =	vadd.f32 v16, v4;
	v21 =	vpop (erf)  }
0x311: {  	v30 =	vmul.f32 $1.741407810e-02, v25;
	v19 =	vadd.f32 $-1.903543320e-01, v19;
	v31 =	vmul.f32 $1.741407810e-02, v28;
	v32 =	vpop (erf)  }
0x312: {  	v27 =	vsub.f32 $8.269123730e-02, v27;
	v29 =	vmul.f32 v29, v23;
	v33 =	vmul.f32 $1.741407810e-02, v32  }
0x313: {  	v26 =	vmax.f32 v26, $0.0e+00;
	v30 =	vsub.f32 $8.269123730e-02, v30;
	v31 =	vsub.f32 $8.269123730e-02, v31  }
0x314: {  	v27 =	vmul.f32 v27, v24;
	v29 =	vadd.f32 $-1.903543320e-01, v29;
	v33 =	vsub.f32 $8.269123730e-02, v33  }
0x315: {  	v4 =	vadd.f32 v13, v4;
	v30 =	vmul.f32 v30, v25;
	v31 =	vmul.f32 v31, v28  }
0x316: {  	v27 =	vadd.f32 $-1.903543320e-01, v27;
	v29 =	vmul.f32 v29, v23;
	v33 =	vmul.f32 v33, v32  }
0x317: {  	v8 =	vmul.f32 v8, v0;
	v30 =	vadd.f32 $-1.903543320e-01, v30;
	v31 =	vadd.f32 $-1.903543320e-01, v31  }
0x318: {  	v27 =	vmul.f32 v27, v24;
	v29 =	vadd.f32 $3.157473210e-01, v29;
	v33 =	vadd.f32 $-1.903543320e-01, v33  }
0x319: {  	v34 =	vadd.f32 $3.157473210e-01, v8;
	v8 =	vmul.f32 v30, v25;
	v30 =	vmul.f32 v31, v28  }
0x31a: {  	v27 =	vadd.f32 $3.157473210e-01, v27;
	v29 =	vmul.f32 v29, v23;
	v31 =	vmul.f32 v33, v32  }
0x31b: {  	v19 =	vmul.f32 v19, v14;
	v8 =	vadd.f32 $3.157473210e-01, v8;
	v30 =	vadd.f32 $3.157473210e-01, v30  }
0x31c: {  	v27 =	vmul.f32 v27, v24;
	v29 =	vadd.f32 $-4.973732230e-01, v29;
	v31 =	vadd.f32 $3.157473210e-01, v31  }
0x31d: {  	v50 =	vadd.f32 v3, v4;
	v4 =	vmul.f32 v8, v25;
	v8 =	vmul.f32 v30, v28  }
0x31e: {  	v27 =	vadd.f32 $-4.973732230e-01, v27;
	v29 =	vmul.f32 v29, v23;
	v30 =	vmul.f32 v31, v32  }
0x31f: {  	v22 =	vmax.f32 v22, $0.0e+00;
	v19 =	vadd.f32 $3.157473210e-01, v19;
	v8 =	vadd.f32 $-4.973732230e-01, v8  }
0x320: {  	v27 =	vmul.f32 v27, v24;
	v29 =	vadd.f32 $9.998477100e-01, v29;
	v30 =	vadd.f32 $-4.973732230e-01, v30  }
0x321: {  	v19 =	vmul.f32 v19, v14;
	v4 =	vadd.f32 $-4.973732230e-01, v4;
	v8 =	vmul.f32 v8, v28  }
0x322: {  	v27 =	vadd.f32 $9.998477100e-01, v27;
	v23 =	vmul.f32 v29, v23;
	v29 =	vmul.f32 v30, v32  }
0x323: {  	s29 =	sadd.s32 $0x400, s28;
	s28 =	sadd.s32 $0x400, s26;
	v4 =	vmul.f32 v4, v25;
	v30 =	vmax.f32 v6, $0.0e+00;
	v6 =	vadd.f32 $9.998477100e-01, v8  }
0x324: {  	v35 =	vld [tilespmem:s28+$0x10];
	v8 =	vmul.f32 v27, v24;
	v23 =	vadd.f32 $1.472065040e-06, v23;
	v24 =	vadd.f32 $9.998477100e-01, v29  }
0x325: {  	v39 =	vld [tilespmem:s28+$0xFFFFFFD0];
	v19 =	vadd.f32 $-4.973732230e-01, v19;
	v4 =	vadd.f32 $9.998477100e-01, v4;
	v6 =	vmul.f32 v6, v28  }
0x326: {  	v31 =	vld [tilespmem:s28+$0x30];
	v27 =	vmul.f32 $1.741407810e-02, v21;
	v23 =	vadd.f32 v23, v26;
	v26 =	vmul.f32 v24, v32  }
0x327: {  	v18 =	vmax.f32 v18, $0.0e+00;
	v28 =	vadd.f32 $1.472065040e-06, v8;
	v8 =	vld [tilespmem:s29+$0xFFFFFFC0];
	v6 =	vadd.f32 $1.472065040e-06, v6  }
0x328: {  	v24 =	vmul.f32 v4, v25;
	v25 =	vsub.f32 $8.269123730e-02, v27;
	v4 =	vld [tilespmem:s29+$0x30];
	v26 =	vadd.f32 $1.472065040e-06, v26  }
0x329: {  	v19 =	vmul.f32 v19, v14;
	v27 =	vmul.f32 v23, v5;
	v5 =	vld [tilespmem:s29+$0x20];
	v22 =	vadd.f32 v28, v22  }
0x32a: {  	v18 =	vadd.f32 v6, v18;
	v25 =	vmul.f32 v25, v21;
	v28 =	vadd.f32 v26, v30;
	v30 =	vld [tilespmem:s28+$0x20]  }
0x32b: {  	v54 =	vld [tilespmem:s28+$0xFFFFFFE0];
	v19 =	vadd.f32 $9.998477100e-01, v19;
	v51 =	vmul.f32 v22, v7;
	v26 =	vmul.f32 v34, v0  }
0x32c: {  	v7 =	vld [tilespmem:s29+$0x10];
	v33 =	vadd.f32 v8, v50;
	v10 =	vmul.f32 v18, v10;
	v25 =	vadd.f32 $-1.903543320e-01, v25  }
0x32d: {  	v1 =	vadd.f32 v18, v1;
	v36 =	vadd.f32 $-4.973732230e-01, v26;
	v26 =	vmax.f32 v15, $0.0e+00;
	v15 =	vld [tilespmem:s28+$0xFFFFFFF0]  }
0x32e: {  	v38 =	vmul.f32 v4, v31;
	v25 =	vmul.f32 v25, v21;
	v2 =	vadd.f32 v10, v2;
	v10 =	vld [tilespmem:s29+$0xFFFFFFF0]  }
0x32f: {  	v52 =	vmul.f32 v28, v9;
	v9 =	vld [tilespmem:s29+$0xFFFFFFE0];
	v1 =	vadd.f32 v23, v1;
	v18 =	vmul.f32 v5, v30  }
0x330: {  	v29 =	vmax.f32 v11, $0.0e+00;
	v6 =	vld [tilespmem:s29+$0x0];
	v31 =	vsub.f32 v31, v38;
	v37 =	vadd.f32 $3.157473210e-01, v25  }
0x331: {  	v25 =	vld [tilespmem:s29+$0xFFFFFFD0];
	v22 =	vadd.f32 v22, v1;
	v53 =	vmul.f32 v36, v0;
	v11 =	vsub.f32 v30, v18  }
0x332: {  	v23 =	vld [tilespmem:s28+$0x0];
	v2 =	vadd.f32 v27, v2;
	v37 =	vmul.f32 v37, v21;
	v30 =	vmul.f32 v7, v35  }
0x333: {  	v27 =	vadd.f32 v28, v22;
	v22 =	vld [tilespmem:s28+$0xFFFFFFC0];
	v28 =	vmul.f32 v10, v15;
	v1 =	vsub.f32 v11, v18  }
0x334: {  	v40 =	vmul.f32 v9, v54;
	v18 =	vadd.f32 v51, v2;
	v11 =	vsub.f32 v35, v30  }
0x335: {  	v2 =	vsub.f32 v31, v38;
	v31 =	vmul.f32 v19, v14;
	v15 =	vsub.f32 v15, v28  }
0x336: {  	v19 =	vmul.f32 v25, v39;
	v36 =	vsub.f32 v54, v40;
	v55 =	vand.u32 $0x7FFFFFFF, v1  }
0x337: {  	v11 =	vsub.f32 v11, v30;
	v30 =	vmul.f32 v6, v23;
	v56 =	vand.u32 $0x7FFFFFFF, v2  }
0x338: {  	v41 =	vmul.f32 v8, v22;
	v39 =	vsub.f32 v39, v19;
	v14 =	vsub.f32 $0.0e+00, v55  }
0x339: {  	v28 =	vsub.f32 v15, v28;
	v57 =	vand.u32 $0x7FFFFFFF, v11;
	v23 =	vsub.f32 v23, v30  }
0x33a: {  	v39 =	vsub.f32 v39, v19;
	v22 =	vsub.f32 v22, v41;
	v14 =	vmul.f32 $1.442695020e+00, v14  }
0x33b: {  	v15 =	vmax.f32 v28, $0.0e+00;
	v19 =	vsub.f32 v36, v40;
	v38 =	vsub.f32 $0.0e+00, v57  }
0x33c: {  	v40 =	vsub.f32 v22, v41;
	(erf) = vpow2.f32 v14;
	v14 =	vand.u32 $0x7FFFFFFF, v28  }
0x33d: {  	v12 =	vand.u32 $0x7FFFFFFF, v39;
	v59 =	vsub.f32 $0.0e+00, v14;
	v14 =	vsub.f32 v23, v30  }
0x33e: {  	v22 =	vand.u32 $0x7FFFFFFF, v19;
	v28 =	vmul.f32 $1.442695020e+00, v38;
	v12 =	vsub.f32 $0.0e+00, v12  }
0x33f: {  	v22 =	vsub.f32 $0.0e+00, v22;
	v38 =	vadd.f32 v52, v18;
	v30 =	vand.u32 $0x7FFFFFFF, v14  }
0x340: {  	(erf) = vpow2.f32 v28;
	v12 =	vmul.f32 $1.442695020e+00, v12;
	v30 =	vsub.f32 $0.0e+00, v30  }
0x341: {  	v18 =	vadd.f32 $-4.973732230e-01, v37;
	v28 =	vand.u32 $0x7FFFFFFF, v40;
	v22 =	vmul.f32 $1.442695020e+00, v22  }
0x342: {  	v28 =	vsub.f32 $0.0e+00, v28;
	(erf) = vpow2.f32 v12;
	v12 =	vmul.f32 $1.442695020e+00, v30  }
0x343: {  	v60 =	vadd.f32 v25, v33;
	v35 =	vsub.f32 $0.0e+00, v56;
	(erf) = vpow2.f32 v22  }
0x344: {  	v18 =	vmul.f32 v18, v21;
	v22 =	vmul.f32 $1.442695020e+00, v28;
	v30 =	vadd.f32 $9.998477100e-01, v53  }
0x345: {  	v24 =	vadd.f32 $1.472065040e-06, v24;
	v28 =	vmul.f32 $1.442695020e+00, v35;
	(erf) = vpow2.f32 v12  }
0x346: {  	v0 =	vmul.f32 v30, v0;
	v30 =	vadd.f32 v9, v60;
	(erf) = vpow2.f32 v22;
	v12 =	vpop (erf)  }
0x347: {  	v24 =	vadd.f32 v24, v26;
	v23 =	vmul.f32 $1.442695020e+00, v59;
	v22 =	vmul.f32 $1.741407810e-02, v12  }
0x348: {  	(erf) = vpow2.f32 v28;
	v28 =	vadd.f32 $9.998477100e-01, v18;
	v30 =	vadd.f32 v10, v30  }
0x349: {  	v0 =	vadd.f32 $1.472065040e-06, v0;
	(erf) = vpow2.f32 v23;
	v18 =	vpop (erf);
	v22 =	vsub.f32 $8.269123730e-02, v22  }
0x34a: {  	v23 =	vmul.f32 $1.741407810e-02, v18;
	v28 =	vmul.f32 v28, v21;
	v30 =	vadd.f32 v6, v30  }
0x34b: {  	v21 =	vadd.f32 v0, v58;
	v0 =	vmax.f32 v20, $0.0e+00;
	v61 =	vpop (erf);
	v22 =	vmul.f32 v22, v12  }
0x34c: {  	v20 =	vsub.f32 $8.269123730e-02, v23;
	v28 =	vadd.f32 $1.472065040e-06, v28;
	v62 =	vmul.f32 $1.741407810e-02, v61;
	v63 =	vpop (erf)  }
0x34d: {  	v23 =	vmul.f32 v21, v13;
	v13 =	vmul.f32 $1.741407810e-02, v63;
	v45 =	vadd.f32 $-1.903543320e-01, v22  }
0x34e: {  	v17 =	vmul.f32 v24, v17;
	v22 =	vadd.f32 v28, v0;
	v28 =	vadd.f32 v7, v30;
	v30 =	vpop (erf)  }
0x34f: {  	v31 =	vadd.f32 $1.472065040e-06, v31;
	v20 =	vmul.f32 v20, v18;
	v0 =	vsub.f32 $8.269123730e-02, v62;
	v48 =	vpop (erf)  }
0x350: {  	v46 =	vsub.f32 $8.269123730e-02, v13;
	v47 =	vmul.f32 $1.741407810e-02, v30;
	v49 =	vmul.f32 $1.741407810e-02, v48  }
0x351: {  	v20 =	vadd.f32 $-1.903543320e-01, v20;
	v35 =	vmul.f32 v45, v12;
	v0 =	vmul.f32 v0, v61;
	v13 =	vpop (erf)  }
0x352: {  	v33 =	vmul.f32 v46, v63;
	v42 =	vadd.f32 v5, v28;
	v43 =	vpop (erf);
	v41 =	vsub.f32 $8.269123730e-02, v49  }
0x353: {  	v36 =	vsub.f32 $8.269123730e-02, v47;
	v0 =	vadd.f32 $-1.903543320e-01, v0;
	v44 =	vmul.f32 $1.741407810e-02, v43  }
0x354: {  	v20 =	vmul.f32 v20, v18;
	v33 =	vadd.f32 $-1.903543320e-01, v33;
	v50 =	vmul.f32 v41, v48  }
0x355: {  	v36 =	vmul.f32 v36, v30;
	v51 =	vmul.f32 v0, v61;
	v44 =	vsub.f32 $8.269123730e-02, v44  }
0x356: {  	v28 =	vadd.f32 $3.157473210e-01, v35;
	v33 =	vmul.f32 v33, v63;
	v35 =	vadd.f32 $-1.903543320e-01, v50  }
0x357: {  	v36 =	vadd.f32 $-1.903543320e-01, v36;
	v41 =	vadd.f32 $3.157473210e-01, v51;
	v52 =	vmul.f32 v44, v43  }
0x358: {  	v0 =	vadd.f32 v4, v42;
	v33 =	vadd.f32 $3.157473210e-01, v33;
	v35 =	vmul.f32 v35, v48  }
0x359: {  	v36 =	vmul.f32 v36, v30;
	v41 =	vmul.f32 v41, v61;
	v42 =	vadd.f32 $-1.903543320e-01, v52  }
0x35a: {  	v53 =	vmul.f32 v33, v63;
	v33 =	vadd.f32 $3.157473210e-01, v20;
	v20 =	vadd.f32 $3.157473210e-01, v35  }
0x35b: {  	v36 =	vadd.f32 $3.157473210e-01, v36;
	v54 =	vadd.f32 $-4.973732230e-01, v41;
	v55 =	vmul.f32 v42, v43  }
0x35c: {  	v57 =	vadd.f32 v31, v29;
	v56 =	vadd.f32 $-4.973732230e-01, v53;
	v20 =	vmul.f32 v20, v48  }
0x35d: {  	v36 =	vmul.f32 v36, v30;
	v29 =	vmul.f32 v54, v61;
	v31 =	vadd.f32 $3.157473210e-01, v55  }
0x35e: {  	v27 =	vadd.f32 v24, v27;
	v58 =	vmul.f32 v56, v63;
	v20 =	vadd.f32 $-4.973732230e-01, v20  }
0x35f: {  	v36 =	vadd.f32 $-4.973732230e-01, v36;
	v29 =	vadd.f32 $9.998477100e-01, v29;
	v31 =	vmul.f32 v31, v43  }
0x360: {  	v39 =	vmax.f32 v39, $0.0e+00;
	v35 =	vadd.f32 $9.998477100e-01, v58;
	v20 =	vmul.f32 v20, v48  }
0x361: {  	v36 =	vmul.f32 v36, v30;
	v26 =	vmul.f32 v29, v61;
	v31 =	vadd.f32 $-4.973732230e-01, v31  }
0x362: {  	v16 =	vmul.f32 v57, v16;
	v59 =	vmul.f32 v35, v63;
	v61 =	vadd.f32 $9.998477100e-01, v20  }
0x363: {  	v60 =	vadd.f32 $9.998477100e-01, v36;
	v26 =	vadd.f32 $1.472065040e-06, v26;
	v31 =	vmul.f32 v31, v43  }
0x364: {  	v32 =	vadd.f32 v17, v38;
	v29 =	vmul.f32 $1.741407810e-02, v13;
	v62 =	vmul.f32 v61, v48  }
0x365: {  	v20 =	vmul.f32 v60, v30;
	v30 =	vadd.f32 v26, v39;
	v63 =	vadd.f32 $9.998477100e-01, v31  }
0x366: {  	v34 =	vadd.f32 $1.472065040e-06, v59;
	v26 =	vmax.f32 v40, $0.0e+00;
	v31 =	vadd.f32 $1.472065040e-06, v62  }
0x367: {  	s26 =	simm.s32 $0x8;
	s29 =	sadd.s32 $0x400, s29;
	s28 =	sadd.s32 $0x400, s28;
	v24 =	vmul.f32 v30, v25;
	v25 =	vadd.f32 v57, v27;
	v27 =	vmul.f32 v63, v43  }
.LBB2_15:
0x368: {  	v17 =	vld [tilespmem:s29+$0xFFFFFFC0];
	s26 =	sadd.s32 $0x8, s26;
	v26 =	vadd.f32 v31, v26;
	v31 =	vsub.f32 $8.269123730e-02, v29;
	v35 =	vmul.f32 v22, v3;
	v3 =	vmovc v4  }
0x369: {  	v19 =	vmax.f32 v19, $0.0e+00;
	v4 =	vld [tilespmem:s29+$0x30];
	p0 =	slt.u32 s26, $0x18;
	v27 =	vadd.f32 $1.472065040e-06, v27;
	v32 =	vadd.f32 v16, v32  }
0x36a: {  	v37 =	vmul.f32 v33, v18;
	v19 =	vadd.f32 v34, v19;
	v29 =	vld [tilespmem:s29+$0x20];
	v36 =	vmul.f32 v26, v8  }
0x36b: {  	v16 =	vld [tilespmem:s29+$0x0];
	v15 =	vadd.f32 v27, v15;
	v27 =	vmul.f32 v31, v13;
	v23 =	vadd.f32 v23, v32  }
0x36c: {  	v33 =	vadd.f32 $-4.973732230e-01, v37;
	v32 =	vmul.f32 v19, v9;
	v9 =	vadd.f32 v21, v25;
	v31 =	vld [tilespmem:s28+$0x20]  }
0x36d: {  	v21 =	vld [tilespmem:s28+$0x30];
	v34 =	vmul.f32 v15, v10;
	v10 =	vmul.f32 v28, v12;
	v27 =	vadd.f32 $-1.903543320e-01, v27;
	v8 =	vmovc v17  }
0x36e: {  	v25 =	vmax.f32 v14, $0.0e+00;
	v14 =	vadd.f32 v35, v23;
	v22 =	vadd.f32 v22, v9;
	v28 =	vld [tilespmem:s28+$0x10]  }
0x36f: {  	v0 =	vadd.f32 v8, v0;
	v17 =	vld [tilespmem:s29+$0x10];
	v23 =	vadd.f32 $-4.973732230e-01, v10;
	v10 =	vmul.f32 v27, v13  }
0x370: {  	v14 =	vadd.f32 v36, v14;
	v22 =	vadd.f32 v26, v22;
	v27 =	vmax.f32 v11, $0.0e+00;
	v9 =	vld [tilespmem:s29+$0xFFFFFFE0]  }
0x371: {  	v26 =	vmul.f32 v33, v18;
	v35 =	vld [tilespmem:s28+$0xFFFFFFF0];
	v11 =	vmul.f32 v29, v31;
	v33 =	vadd.f32 $3.157473210e-01, v10  }
0x372: {  	v14 =	vadd.f32 v24, v14;
	v22 =	vadd.f32 v30, v22;
	v10 =	vld [tilespmem:s29+$0xFFFFFFF0];
	v36 =	vmul.f32 v4, v21  }
0x373: {  	v24 =	vld [tilespmem:s29+$0xFFFFFFD0];
	v30 =	vsub.f32 v31, v11;
	v31 =	vadd.f32 $9.998477100e-01, v26;
	v33 =	vmul.f32 v33, v13  }
0x374: {  	v19 =	vadd.f32 v19, v22;
	v37 =	vld [tilespmem:s28+$0x0];
	v38 =	vmul.f32 v17, v28;
	v21 =	vsub.f32 v21, v36  }
0x375: {  	v23 =	vmul.f32 v23, v12;
	v32 =	vadd.f32 v32, v14;
	v22 =	vld [tilespmem:s28+$0xFFFFFFD0];
	v39 =	vsub.f32 v30, v11  }
0x376: {  	v26 =	vadd.f32 v15, v19;
	v18 =	vmul.f32 v31, v18;
	v14 =	vld [tilespmem:s28+$0xFFFFFFE0];
	v11 =	vsub.f32 v28, v38  }
0x377: {  	v36 =	vsub.f32 v21, v36;
	v19 =	vld [tilespmem:s28+$0xFFFFFFC0];
	v15 =	vmul.f32 v10, v35;
	v28 =	vand.u32 $0x7FFFFFFF, v39  }
0x378: {  	v11 =	vsub.f32 v11, v38;
	v21 =	vsub.f32 $0.0e+00, v28  }
0x379: {  	v28 =	vsub.f32 v35, v15;
	v31 =	vmul.f32 v16, v37;
	v35 =	vand.u32 $0x7FFFFFFF, v36  }
0x37a: {  	v30 =	vmul.f32 v24, v22;
	v38 =	vand.u32 $0x7FFFFFFF, v11;
	v21 =	vmul.f32 $1.442695020e+00, v21  }
0x37b: {  	v40 =	vmul.f32 v9, v14;
	v28 =	vsub.f32 v28, v15;
	v38 =	vsub.f32 $0.0e+00, v38  }
0x37c: {  	v37 =	vsub.f32 v37, v31;
	v41 =	vmul.f32 v8, v19;
	v22 =	vsub.f32 v22, v30  }
0x37d: {  	v14 =	vsub.f32 v14, v40;
	v15 =	vmax.f32 v28, $0.0e+00;
	(erf) = vpow2.f32 v21  }
0x37e: {  	v21 =	vand.u32 $0x7FFFFFFF, v28;
	v30 =	vsub.f32 v22, v30;
	v22 =	vmul.f32 $1.442695020e+00, v38  }
0x37f: {  	v28 =	vsub.f32 v19, v41;
	v38 =	vmax.f32 v1, $0.0e+00;
	v1 =	vmovc v39;
	v19 =	vsub.f32 v14, v40  }
0x380: {  	v21 =	vsub.f32 $0.0e+00, v21;
	v14 =	vsub.f32 v37, v31;
	v39 =	vand.u32 $0x7FFFFFFF, v30  }
0x381: {  	v31 =	vsub.f32 v28, v41;
	v28 =	vsub.f32 $0.0e+00, v39;
	v37 =	vand.u32 $0x7FFFFFFF, v19  }
0x382: {  	v21 =	vmul.f32 $1.442695020e+00, v21;
	v37 =	vsub.f32 $0.0e+00, v37;
	(erf) = vpow2.f32 v22  }
0x383: {  	v39 =	vand.u32 $0x7FFFFFFF, v14;
	v22 =	vand.u32 $0x7FFFFFFF, v31;
	v28 =	vmul.f32 $1.442695020e+00, v28  }
0x384: {  	v39 =	vsub.f32 $0.0e+00, v39;
	v22 =	vsub.f32 $0.0e+00, v22;
	v37 =	vmul.f32 $1.442695020e+00, v37  }
0x385: {  	v32 =	vadd.f32 v34, v32;
	v35 =	vsub.f32 $0.0e+00, v35;
	(erf) = vpow2.f32 v28  }
0x386: {  	v33 =	vadd.f32 $-4.973732230e-01, v33;
	v28 =	vmul.f32 $1.442695020e+00, v39;
	(erf) = vpow2.f32 v37;
	v34 =	vpop (erf)  }
0x387: {  	v23 =	vadd.f32 $9.998477100e-01, v23;
	v35 =	vmul.f32 $1.442695020e+00, v35;
	v22 =	vmul.f32 $1.442695020e+00, v22  }
0x388: {  	v0 =	vadd.f32 v24, v0;
	(erf) = vpow2.f32 v28;
	v28 =	vmul.f32 v33, v13  }
0x389: {  	v37 =	vadd.f32 $1.472065040e-06, v18;
	(erf) = vpow2.f32 v22;
	v22 =	vmul.f32 v23, v12;
	v12 =	vmovc v34  }
0x38a: {  	v23 =	vmul.f32 $1.741407810e-02, v12;
	(erf) = vpow2.f32 v35;
	v28 =	vadd.f32 $9.998477100e-01, v28  }
0x38b: {  	v0 =	vadd.f32 v9, v0;
	(erf) = vpow2.f32 v21;
	v18 =	vpop (erf);
	v21 =	vadd.f32 $1.472065040e-06, v22  }
0x38c: {  	v22 =	vmul.f32 $1.741407810e-02, v18;
	v23 =	vsub.f32 $8.269123730e-02, v23;
	v13 =	vmul.f32 v28, v13  }
0x38d: {  	v0 =	vadd.f32 v10, v0;
	v28 =	vmax.f32 v2, $0.0e+00;
	v2 =	vmovc v36;
	v21 =	vadd.f32 v21, v38  }
0x38e: {  	v33 =	vsub.f32 $8.269123730e-02, v22;
	v22 =	vmul.f32 v23, v12;
	v34 =	vpop (erf);
	v13 =	vadd.f32 $1.472065040e-06, v13  }
0x38f: {  	v0 =	vadd.f32 v16, v0;
	v40 =	vmul.f32 $1.741407810e-02, v34;
	v36 =	vpop (erf);
	v23 =	vmul.f32 v21, v5  }
0x390: {  	v5 =	vmovc v29;
	v38 =	vmul.f32 $1.741407810e-02, v36;
	v41 =	vadd.f32 $-1.903543320e-01, v22;
	v22 =	vadd.f32 v13, v28  }
0x391: {  	v0 =	vadd.f32 v17, v0;
	v28 =	vmul.f32 v33, v18;
	v44 =	vsub.f32 $8.269123730e-02, v40;
	v35 =	vpop (erf)  }
0x392: {  	v29 =	vsub.f32 $8.269123730e-02, v38;
	v33 =	vmul.f32 $1.741407810e-02, v35;
	v38 =	vmul.f32 v41, v12;
	v39 =	vpop (erf)  }
0x393: {  	v42 =	vadd.f32 $-1.903543320e-01, v28;
	v40 =	vmul.f32 $1.741407810e-02, v39;
	v41 =	vmul.f32 v44, v34;
	v13 =	vpop (erf)  }
0x394: {  	v0 =	vadd.f32 v5, v0;
	v28 =	vmul.f32 v29, v36;
	v29 =	vsub.f32 $8.269123730e-02, v33;
	v43 =	vpop (erf)  }
0x395: {  	v33 =	vsub.f32 $8.269123730e-02, v40;
	v40 =	vadd.f32 $-1.903543320e-01, v41;
	v41 =	vmul.f32 $1.741407810e-02, v43  }
0x396: {  	v44 =	vadd.f32 $-1.903543320e-01, v28;
	v29 =	vmul.f32 v29, v35;
	v28 =	vadd.f32 $3.157473210e-01, v38  }
0x397: {  	v33 =	vmul.f32 v33, v39;
	v38 =	vmul.f32 v40, v34;
	v40 =	vsub.f32 $8.269123730e-02, v41  }
0x398: {  	v0 =	vadd.f32 v4, v0;
	v41 =	vmul.f32 v44, v36;
	v29 =	vadd.f32 $-1.903543320e-01, v29  }
0x399: {  	v33 =	vadd.f32 $-1.903543320e-01, v33;
	v38 =	vadd.f32 $3.157473210e-01, v38;
	v40 =	vmul.f32 v40, v43  }
0x39a: {  	v42 =	vmul.f32 v42, v18;
	v41 =	vadd.f32 $3.157473210e-01, v41;
	v29 =	vmul.f32 v29, v35  }
0x39b: {  	v44 =	vmul.f32 v33, v39;
	v38 =	vmul.f32 v38, v34;
	v40 =	vadd.f32 $-1.903543320e-01, v40  }
0x39c: {  	v33 =	vadd.f32 $3.157473210e-01, v42;
	v41 =	vmul.f32 v41, v36;
	v29 =	vadd.f32 $3.157473210e-01, v29  }
0x39d: {  	v42 =	vadd.f32 $3.157473210e-01, v44;
	v38 =	vadd.f32 $-4.973732230e-01, v38;
	v40 =	vmul.f32 v40, v43  }
0x39e: {  	v37 =	vadd.f32 v37, v27;
	v41 =	vadd.f32 $-4.973732230e-01, v41;
	v29 =	vmul.f32 v29, v35  }
0x39f: {  	v27 =	vmul.f32 v42, v39;
	v38 =	vmul.f32 v38, v34;
	v40 =	vadd.f32 $3.157473210e-01, v40  }
0x3a0: {  	v20 =	vadd.f32 $1.472065040e-06, v20;
	v41 =	vmul.f32 v41, v36;
	v29 =	vadd.f32 $-4.973732230e-01, v29  }
0x3a1: {  	v27 =	vadd.f32 $-4.973732230e-01, v27;
	v38 =	vadd.f32 $9.998477100e-01, v38;
	v40 =	vmul.f32 v40, v43  }
0x3a2: {  	v25 =	vadd.f32 v20, v25;
	v41 =	vadd.f32 $9.998477100e-01, v41;
	v29 =	vmul.f32 v29, v35  }
0x3a3: {  	v20 =	vmul.f32 v27, v39;
	v27 =	vmul.f32 v38, v34;
	v34 =	vadd.f32 $-4.973732230e-01, v40  }
0x3a4: {  	v36 =	vmul.f32 v41, v36;
	v38 =	vadd.f32 $9.998477100e-01, v29;
	v29 =	vmul.f32 $1.741407810e-02, v13  }
0x3a5: {  	v40 =	vadd.f32 $9.998477100e-01, v20;
	v27 =	vadd.f32 $1.472065040e-06, v27;
	v41 =	vmul.f32 v34, v43  }
.Ltmp6:
0x3a6: {  	v30 =	vmax.f32 v30, $0.0e+00;
	v34 =	vadd.f32 $1.472065040e-06, v36;
	v20 =	vmul.f32 v38, v35;
	(pc) =	sbr.rel @p0 .LBB2_15-.Ltmp6, $4  }
0x3a7: {  	v35 =	vmul.f32 v40, v39;
	v30 =	vadd.f32 v27, v30;
	v27 =	vadd.f32 v25, v26  }
0x3a8: {  	v38 =	vmul.f32 v25, v6;
	v6 =	vmovc v16;
	v26 =	vmax.f32 v31, $0.0e+00;
	v36 =	vadd.f32 $9.998477100e-01, v41  }
0x3a9: {  	v31 =	vadd.f32 $1.472065040e-06, v35;
	v24 =	vmul.f32 v30, v24;
	v25 =	vadd.f32 v37, v27  }
0x3aa: {  	s29 =	sadd.s32 $0x400, s29;
	s28 =	sadd.s32 $0x400, s28;
	v16 =	vmul.f32 v37, v7;
	v7 =	vmovc v17;
	v32 =	vadd.f32 v38, v32;
	v27 =	vmul.f32 v36, v43  }
0x3ab: {  	v17 =	vsub.f32 $8.269123730e-02, v29;
	_ =	sdelay $0x1  }
0x3ac: {  	v26 =	vadd.f32 v31, v26;
	v17 =	vmul.f32 v17, v13  }
0x3ad: {  	v3 =	vmul.f32 v22, v3;
	v19 =	vmax.f32 v19, $0.0e+00;
	v21 =	vadd.f32 v21, v25  }
0x3ae: {  	v51 =	vmul.f32 v33, v18;
	v56 =	vadd.f32 $1.472065040e-06, v20;
	v17 =	vadd.f32 $-1.903543320e-01, v17  }
0x3af: {  	v52 =	vmul.f32 v28, v12;
	v27 =	vadd.f32 $1.472065040e-06, v27;
	v16 =	vadd.f32 v16, v32  }
0x3b0: {  	v19 =	vadd.f32 v34, v19;
	v21 =	vadd.f32 v22, v21;
	v17 =	vmul.f32 v17, v13  }
0x3b1: {  	v14 =	vmax.f32 v14, $0.0e+00;
	v53 =	vadd.f32 $-4.973732230e-01, v51;
	v16 =	vadd.f32 v23, v16  }
0x3b2: {  	v8 =	vmul.f32 v26, v8;
	v21 =	vadd.f32 v26, v21;
	v17 =	vadd.f32 $3.157473210e-01, v17  }
0x3b3: {  	v54 =	vadd.f32 $-4.973732230e-01, v52;
	v55 =	vmul.f32 v53, v18;
	v3 =	vadd.f32 v3, v16  }
0x3b4: {  	v15 =	vadd.f32 v27, v15;
	v21 =	vadd.f32 v30, v21;
	v17 =	vmul.f32 v17, v13  }
0x3b5: {  	v16 =	vmul.f32 v54, v12;
	v3 =	vadd.f32 v8, v3;
	v8 =	vadd.f32 $9.998477100e-01, v55  }
0x3b6: {  	v9 =	vmul.f32 v19, v9;
	v19 =	vadd.f32 v19, v21;
	v17 =	vadd.f32 $-4.973732230e-01, v17  }
0x3b7: {  	v16 =	vadd.f32 $9.998477100e-01, v16;
	v3 =	vadd.f32 v24, v3;
	v8 =	vmul.f32 v8, v18  }
0x3b8: {  	v10 =	vmul.f32 v15, v10;
	v15 =	vadd.f32 v15, v19;
	v17 =	vmul.f32 v17, v13  }
0x3b9: {  	v57 =	vmul.f32 v16, v12;
	v3 =	vadd.f32 v9, v3;
	v8 =	vadd.f32 $1.472065040e-06, v8  }
0x3ba: {  	v11 =	vmax.f32 v11, $0.0e+00;
	v9 =	vadd.f32 v56, v14;
	v58 =	vadd.f32 $9.998477100e-01, v17  }
0x3bb: {  	v1 =	vmax.f32 v1, $0.0e+00;
	v12 =	vadd.f32 $1.472065040e-06, v57;
	v3 =	vadd.f32 v10, v3  }
0x3bc: {  	v8 =	vadd.f32 v8, v11;
	v6 =	vmul.f32 v9, v6;
	v59 =	vmul.f32 v58, v13  }
0x3bd: {  	v1 =	vadd.f32 v12, v1;
	v9 =	vadd.f32 v9, v15  }
0x3be: {  	s25 =	sadd.s32 $0x1, s25;
	v3 =	vadd.f32 v6, v3;
	v61 =	vmul.f32 v8, v7;
	v60 =	vadd.f32 $1.472065040e-06, v59  }
0x3bf: {  	v2 =	vmax.f32 v2, $0.0e+00;
	p0 =	sne.s32 s25, $0x10;
	v63 =	vadd.f32 v8, v9  }
.Ltmp7:
0x3c0: {  	v3 =	vadd.f32 v61, v3;
	v62 =	vadd.f32 v60, v2;
	v2 =	vmul.f32 v1, v5;
	(pc) =	sbr.rel @p0 .LBB2_14-.Ltmp7, $3  }
0x3c1: {  	_ = 	snop  }
0x3c2: {  	v1 =	vadd.f32 v1, v63;
	v4 =	vmul.f32 v62, v4;
	v2 =	vadd.f32 v2, v3;
	_ =	sdelay $0x1  }
0x3c3: {  	s24 =	sadd.s32 $0x200, s24;
	s23 =	sadd.s32 $0x1, s23;
	v1 =	vadd.f32 v62, v1;
	v2 =	vadd.f32 v4, v2  }
0x3c4: {  	[tilespmem:$0x8010] =	vst v0;
	s22 =	sadd.s32 $0x1, s22  }
0x3c5: {  	[tilespmem:$0x8000] =	vst v2;
	p0 =	sne.s32 s22, s12  }
.Ltmp8:
0x3c6: {  	[tilespmem:$0x8020] =	vst v1;
	(pc) =	sbr.rel @p0 .LBB2_1-.Ltmp8, $4  }
0x3c7: {  	[hbm4b:s11+s2] =	stream.linear.scatter [tilespmem:s20], [sflag:$0x5], $0x80, $0x38;
	[tilespmem:$0x8080] =	vst v63  }
0x3c8: {  	_ =	swait.ge [sflag:s21], $0x80  }
0x3c9: {  	[sflag:s21] =	ssyncset.done $0x0  }
0x3ca: {  	[sflag:s21] =	ssyncadd.s32 $0xFFFFFF80  }
0x3cb: {  	_ =	sfence.sel $0x180000  }
0x3cc: {  	[bflag:$0x0] =	sbarrier.arrive $0xFFFF  }
0x3cd: {  	p0 =	sne.s32 s1, $0x0;
	_ =	strace $0x90000047  }
0x3ce: {  	s0 =	sadd.s32 @!p0 $0x100000, s0;
	[bflag:$0x2] =	sbarrier.arrive $0xFFFF  }
0x3cf: {  	[sflag:s0] =	ssyncadd.tile.s32 @!p0 $0x1;
	_ =	shalt  }
.Lfunc_end2:
_tile_overlayer_lowered:
.L_overlay_start_2:
0x3d0: {  	(tag) =	ssettag $0x2  }
0x3d1: {  	s0 =	rddreg [dreg:$0x0];
	s2 =	stileid.u32  }
0x3d2: {  	s1 =	rddreg [dreg:$0x1];
	p0 =	sne.s32 s2, $0x0  }
0x3d3: {  	s3 =	rddreg [dreg:$0x2];
	[bflag:$0x3] =	sbarrier.arrive $0xFFFF;
	s2 =	simm.s32 @!p0 $0x1C05  }
0x3d4: {  	[timem:s3], [sflag:s2] =	dma.local @!p0 [hbm:s0], s1  }
0x3d5: {  	s0 =	simm.s32 @!p0 $0x5  }
0x3d6: {  	_ =	swait.ge @!p0 [sflag:s0], s1  }
0x3d7: {  	s1 =	ssub.s32 @!p0 $0x0, s1;
	[sflag:s0] =	ssyncset.done @!p0 $0x0  }
0x3d8: {  	[sflag:s0] =	ssyncadd.s32 @!p0 s1  }
0x3d9: {  	[bflag:$0x3] =	sbarrier.arrive $0xFFFF  }
0x3da: {  	_ =	shalt  }

</sc_bundles>
